<compile_context>
chip_gen: v7x
topology: tpu7x:2x2x1
jax: 0.10.2.dev20260603
libtpu: 0.0.44.dev20260713+nightly
codegen_flags: <defaults>
</compile_context>

<pallas_src>
import functools

import jax
import jax.numpy as jnp
from jax import lax
from jax.experimental import pallas as pl
from jax.experimental.pallas import tpu as pltpu
from jax.experimental.pallas import tpu_sc as plsc

N = 10000
E = 320000
H = 128
BGRAPH = 16
NC = 2
NS = 16
NW = NC * NS
NPAD = 10240
ROWS_PER_TILE = NPAD // NS
ECHUNK = 80
N_ECHUNK = E // ECHUNK
GCHUNK = 80
N_GCHUNK = N // GCHUNK

_f32 = jnp.float32

_sc_mesh = plsc.VectorSubcoreMesh(core_axis_name="c", subcore_axis_name="s")



@functools.partial(
    pl.kernel,
    out_type=[
        jax.ShapeDtypeStruct((N, H), _f32),
        jax.ShapeDtypeStruct((NC, NPAD, H), _f32),
    ],
    mesh=_sc_mesh,
    scratch_types=[
        pltpu.VMEM((GCHUNK,), jnp.int32),
        pltpu.VMEM((GCHUNK, H), _f32),
        pltpu.VMEM((ECHUNK,), jnp.int32),
        pltpu.VMEM((ECHUNK,), jnp.int32),
        pltpu.VMEM((ECHUNK, H), _f32),
        pltpu.VMEM_SHARED((NPAD, H), _f32),
        pltpu.SemaphoreType.DMA,
        pltpu.SemaphoreType.DMA,
        pltpu.SemaphoreType.DMA,
    ],
)
def _embed_deg_kernel(x_hbm, ecol_hbm, emb_hbm, ones_hbm, zeros_hbm,
                      h0_hbm, degp_hbm,
                      idx_v, rows_v, col0_v, col1_v, ones_v, deg_sh,
                      sem, ds0, ds1):
    c = lax.axis_index("c")
    s = lax.axis_index("s")
    w = s * NC + c

    pltpu.sync_copy(zeros_hbm,
                    deg_sh.at[pl.ds(s * ROWS_PER_TILE, ROWS_PER_TILE)])
    pltpu.sync_copy(ones_hbm, ones_v)
    plsc.subcore_barrier()

    def gbody(i, carry):
        ch = w + NW * i

        @pl.when(ch < N_GCHUNK)
        def _():
            pltpu.sync_copy(x_hbm.at[pl.ds(ch * GCHUNK, GCHUNK)], idx_v)
            pltpu.async_copy(emb_hbm.at[idx_v], rows_v, sem).wait()
            pltpu.sync_copy(rows_v, h0_hbm.at[pl.ds(ch * GCHUNK, GCHUNK)])

        return carry

    lax.fori_loop(0, (N_GCHUNK + NW - 1) // NW, gbody, 0)

    dbufs = ((col0_v, ds0), (col1_v, ds1))

    def dissue(k, cv, dsm):
        g = (w + NW * k) * ECHUNK
        pltpu.sync_copy(ecol_hbm.at[pl.ds(g, ECHUNK)], cv)
        pltpu.async_copy(ones_v, deg_sh.at[cv], dsm, add=True)

    def dwait(cv, dsm):
        pltpu.make_async_copy(ones_v, deg_sh.at[cv], dsm).wait()

    dissue(0, *dbufs[0])

    def dbody(j, carry):
        for b in (0, 1):
            k = 2 * j + b

            @pl.when(k >= 1)
            def _():
                dwait(*dbufs[1 - b])

            dissue(k + 1, *dbufs[1 - b])
        return carry

    dcpt = N_ECHUNK // NW
    lax.fori_loop(0, (dcpt - 1) // 2, dbody, 0)
    dwait(*dbufs[1])
    dwait(*dbufs[0])
    plsc.subcore_barrier()

    pltpu.sync_copy(deg_sh.at[pl.ds(s * ROWS_PER_TILE, ROWS_PER_TILE)],
                    degp_hbm.at[c, pl.ds(s * ROWS_PER_TILE, ROWS_PER_TILE)])



@functools.partial(
    pl.kernel,
    out_type=jax.ShapeDtypeStruct((NC, NPAD, H), _f32),
    mesh=_sc_mesh,
    scratch_types=[
        pltpu.VMEM((2, ECHUNK), jnp.int32),
        pltpu.VMEM((2, ECHUNK), jnp.int32),
        pltpu.VMEM((ECHUNK, H), _f32),
        pltpu.VMEM((ECHUNK, H), _f32),
        pltpu.VMEM_SHARED((NPAD, H), _f32),
        pltpu.SemaphoreType.DMA,
        pltpu.SemaphoreType.DMA,
        pltpu.SemaphoreType.DMA,
        pltpu.SemaphoreType.DMA,
    ],
)
def _msg_kernel(ecomb_hbm, y_hbm, zeros_hbm, out_hbm,
                idx0, idx1, msg0, msg1, acc_sh,
                gs0, gs1, ss0, ss1):
    c = lax.axis_index("c")
    s = lax.axis_index("s")
    w = s * NC + c
    cpt = N_ECHUNK // NW

    pltpu.sync_copy(zeros_hbm,
                    acc_sh.at[pl.ds(s * ROWS_PER_TILE, ROWS_PER_TILE)])
    plsc.subcore_barrier()

    bufs = ((idx0, msg0, gs0, ss0), (idx1, msg1, gs1, ss1))

    def issue(k, ev, mv, gsm, ssm):
        kg = w + NW * k
        pltpu.sync_copy(ecomb_hbm.at[kg], ev)
        pltpu.async_copy(y_hbm.at[ev.at[0]], mv, gsm)

    def drain(ev, mv, gsm, ssm):
        pltpu.make_async_copy(y_hbm.at[ev.at[0]], mv, gsm).wait()
        pltpu.async_copy(mv, acc_sh.at[ev.at[1]], ssm, add=True)

    def wait_scatter(ev, mv, gsm, ssm):
        pltpu.make_async_copy(mv, acc_sh.at[ev.at[1]], ssm).wait()

    issue(0, *bufs[0])

    def body(j, carry):
        for b in (0, 1):
            k = 2 * j + b

            @pl.when(k >= 1)
            def _():
                wait_scatter(*bufs[1 - b])

            issue(k + 1, *bufs[1 - b])
            drain(*bufs[b])
        return carry

    lax.fori_loop(0, (cpt - 1) // 2, body, 0)
    wait_scatter(*bufs[1])
    drain(*bufs[0])
    wait_scatter(*bufs[0])
    plsc.subcore_barrier()

    pltpu.sync_copy(acc_sh.at[pl.ds(s * ROWS_PER_TILE, ROWS_PER_TILE)],
                    out_hbm.at[c, pl.ds(s * ROWS_PER_TILE, ROWS_PER_TILE)])



RB = 2000
GTB = 8
NRB = N // RB


def _proj1_body(h0_ref, w1_ref, degp_ref, y_ref, dis_ref):
    deg = degp_ref[0, :, 0:1] + degp_ref[1, :, 0:1] + 1.0
    dis = lax.rsqrt(deg)
    xw = jnp.dot(h0_ref[...], w1_ref[...], preferred_element_type=_f32,
                 precision=lax.Precision.HIGHEST)
    y_ref[...] = xw * dis
    dis_ref[...] = dis


def _proj1(h0, W1, degp):
    return pl.pallas_call(
        _proj1_body,
        grid=(NRB,),
        in_specs=[
            pl.BlockSpec((RB, H), lambda i: (i, 0)),
            pl.BlockSpec((H, H), lambda i: (0, 0)),
            pl.BlockSpec((NC, RB, H), lambda i: (0, i, 0)),
        ],
        out_specs=[
            pl.BlockSpec((RB, H), lambda i: (i, 0)),
            pl.BlockSpec((RB, 1), lambda i: (i, 0)),
        ],
        out_shape=[
            jax.ShapeDtypeStruct((N, H), _f32),
            jax.ShapeDtypeStruct((N, 1), _f32),
        ],
    )(h0, W1, degp)


def _finish_proj_body(p_ref, y_ref, dis_ref, b_ref, w_ref, out_ref,
                      *, post_scale):
    dis = dis_ref[...]
    h = jnp.maximum(dis * (p_ref[0] + p_ref[1] + y_ref[...]) + b_ref[...],
                    0.0)
    xw = jnp.dot(h, w_ref[...], preferred_element_type=_f32,
                 precision=lax.Precision.HIGHEST)
    out_ref[...] = xw * dis if post_scale else xw


def _finish_proj(p, y, dis, br, W, post_scale, out_rows=N):
    ho = W.shape[1]
    body = functools.partial(_finish_proj_body, post_scale=post_scale)
    return pl.pallas_call(
        body,
        grid=(NRB,),
        in_specs=[
            pl.BlockSpec((NC, RB, H), lambda i: (0, i, 0)),
            pl.BlockSpec((RB, H), lambda i: (i, 0)),
            pl.BlockSpec((RB, 1), lambda i: (i, 0)),
            pl.BlockSpec((1, H), lambda i: (0, 0)),
            pl.BlockSpec((H, ho), lambda i: (0, 0)),
        ],
        out_specs=pl.BlockSpec((RB, ho), lambda i: (i, 0)),
        out_shape=jax.ShapeDtypeStruct((out_rows, ho), _f32),
    )(p, y, dis, br, W)



def _gru_body(gx_ref, whh_ref, bih_ref, bhh_ref, offs_ref, cnts_ref, ml_ref,
              focal_ref, wfc1a_ref, wfc1b_ref, bfc1_ref, wfc2_ref, bfc2_ref,
              out_ref):
    max_len = ml_ref[0]
    bih = bih_ref[...]
    bhh = bhh_ref[...]
    whh = whh_ref[...]

    def step2(u, carry):
        hst, acc = carry
        t0 = 2 * u
        gxts = []
        for tt in range(2):
            t = t0 + tt
            rows = []
            for b in range(BGRAPH):
                valid = t < cnts_ref[b]
                safe = jnp.where(valid, offs_ref[b] + t, 0)
                r = gx_ref[pl.ds(safe, 1), :]
                rows.append(jnp.where(valid, r, 0.0))
            gxts.append(jnp.concatenate(rows, axis=0) + bih)
        for tt in range(2):
            t = t0 + tt
            gxt = gxts[tt]
            gh = jnp.dot(hst, whh, preferred_element_type=_f32) + bhh
            r_ = jax.nn.sigmoid(gxt[:, :H] + gh[:, :H])
            z = jax.nn.sigmoid(gxt[:, H:2 * H] + gh[:, H:2 * H])
            n_ = jnp.tanh(gxt[:, 2 * H:] + r_ * gh[:, 2 * H:])
            hn = (1.0 - z) * n_ + z * hst
            live = t < max_len
            hst = jnp.where(live, hn, hst)
            acc = acc + jnp.where(live, hn, 0.0)
        return hst, acc

    init = (jnp.zeros((BGRAPH, H), _f32), jnp.zeros((BGRAPH, H), _f32))
    _, acc = lax.fori_loop(0, (max_len + 1) // 2, step2, init)

    ge = acc / max_len.astype(_f32)
    g1 = jnp.maximum(
        jnp.dot(ge, wfc1a_ref[...], preferred_element_type=_f32,
                precision=lax.Precision.HIGHEST)
        + focal_ref[...] * wfc1b_ref[...] + bfc1_ref[...],
        0.0)
    o = jnp.dot(g1, wfc2_ref[...], preferred_element_type=_f32,
                precision=lax.Precision.HIGHEST) + bfc2_ref[...]
    out_ref[...] = jax.nn.sigmoid(o)


def _gru_head(gx, WhhT, bihr, bhhr, offs, cnts, ml,
              focal, wfc1a, wfc1b, bfc1r, Wfc2, bfc2r):
    smem = pl.BlockSpec(memory_space=pltpu.SMEM)
    vmem = pl.BlockSpec(memory_space=pltpu.VMEM)
    in_specs = [vmem] * 4 + [smem, smem, smem] + [vmem] * 6
    return pl.pallas_call(
        _gru_body,
        in_specs=in_specs,
        out_specs=pl.BlockSpec(memory_space=pltpu.VMEM),
        out_shape=jax.ShapeDtypeStruct((BGRAPH, 1), _f32),
    )(gx, WhhT, bihr, bhhr, offs, cnts, ml,
      focal, wfc1a, wfc1b, bfc1r, Wfc2, bfc2r)



def kernel(x, edge_index, batch_idx, focal_points, emb, W1, b1, W2, b2,
           W_ih, W_hh, b_ih, b_hh, W_fc1, b_fc1, W_fc2, b_fc2):
    ones16 = jnp.ones((ECHUNK, H), _f32)
    zeros16 = jnp.zeros((ROWS_PER_TILE, H), _f32)
    zeros128 = jnp.zeros((ROWS_PER_TILE, H), _f32)

    erow = edge_index[0]
    ecol = edge_index[1]
    ecomb = jnp.stack((erow.reshape(N_ECHUNK, ECHUNK),
                       ecol.reshape(N_ECHUNK, ECHUNK)), axis=1)
    h0, degp = _embed_deg_kernel(x, ecol, emb, ones16, zeros16)
    y1, dis = _proj1(h0, W1, degp)
    p1 = _msg_kernel(ecomb, y1, zeros128)
    y2 = _finish_proj(p1, y1, dis, b1.reshape(1, H), W2, post_scale=True)
    p2 = _msg_kernel(ecomb, y2, zeros128)
    gx = _finish_proj(p2, y2, dis, b2.reshape(1, H), W_ih.T, post_scale=False,
                      out_rows=N + GTB)

    ar = jnp.arange(BGRAPH, dtype=batch_idx.dtype)
    offs = jnp.searchsorted(batch_idx, ar, side="left").astype(jnp.int32)
    upper = jnp.searchsorted(batch_idx, ar, side="right").astype(jnp.int32)
    cnts = upper - offs
    ml = jnp.max(cnts).reshape(1)

    out = _gru_head(
        gx, W_hh.T, b_ih.reshape(1, 3 * H), b_hh.reshape(1, 3 * H),
        offs, cnts, ml, focal_points,
        W_fc1[:H], W_fc1[H:H + 1], b_fc1.reshape(1, H), W_fc2,
        b_fc2.reshape(1, 1))
    return out

# --- scband reference (transcript-rebuilt; emitter-appended) ---
"""Pipeline reference for scband-astmodel-31241592111615 (READ-ONLY COPY).

The authoritative reference and input builder live on the scoring server;
editing this copy changes nothing except your own understanding.
"""

import jax, jax.numpy as jnp
import numpy as np

VOCAB = 100000
EMBED = 128
HIDDEN = 128
N_NODES = 10000
N_EDGES = 320000
B = 16


def setup_inputs(seed: int = 0) -> dict:
    key = jax.random.key(seed)
    ks = jax.random.split(key, 20)
    x = jax.random.randint(ks[0], (N_NODES,), 0, VOCAB, dtype=jnp.int32)
    edge_index = jax.random.randint(ks[1], (2, N_EDGES), 0, N_NODES, dtype=jnp.int32)
    batch_idx = jnp.sort(jax.random.randint(ks[2], (N_NODES,), 0, B, dtype=jnp.int32))
    focal_points = jax.random.normal(ks[3], (B, 1), dtype=jnp.float32)
    emb = jax.random.normal(ks[4], (VOCAB, EMBED), dtype=jnp.float32) * 0.02
    W1 = jax.random.normal(ks[5], (EMBED, HIDDEN), dtype=jnp.float32) * 0.05
    b1 = jnp.zeros((HIDDEN,), dtype=jnp.float32)
    W2 = jax.random.normal(ks[6], (HIDDEN, HIDDEN), dtype=jnp.float32) * 0.05
    b2 = jnp.zeros((HIDDEN,), dtype=jnp.float32)
    W_ih = jax.random.normal(ks[7], (3 * HIDDEN, HIDDEN), dtype=jnp.float32) * 0.05
    W_hh = jax.random.normal(ks[8], (3 * HIDDEN, HIDDEN), dtype=jnp.float32) * 0.05
    b_ih = jnp.zeros((3 * HIDDEN,), dtype=jnp.float32)
    b_hh = jnp.zeros((3 * HIDDEN,), dtype=jnp.float32)
    W_fc1 = jax.random.normal(ks[9], (HIDDEN + 1, HIDDEN), dtype=jnp.float32) * 0.05
    b_fc1 = jnp.zeros((HIDDEN,), dtype=jnp.float32)
    W_fc2 = jax.random.normal(ks[10], (HIDDEN, 1), dtype=jnp.float32) * 0.05
    b_fc2 = jnp.zeros((1,), dtype=jnp.float32)
    return {"x": x, "edge_index": edge_index, "batch_idx": batch_idx, "focal_points": focal_points,
            "emb": emb, "W1": W1, "b1": b1, "W2": W2, "b2": b2,
            "W_ih": W_ih, "W_hh": W_hh, "b_ih": b_ih, "b_hh": b_hh,
            "W_fc1": W_fc1, "b_fc1": b_fc1, "W_fc2": W_fc2, "b_fc2": b_fc2}


def _gcn_conv(h, edge_index, W, b):
    n = h.shape[0]
    xw = h @ W
    row = edge_index[0]
    col = edge_index[1]
    loop = jnp.arange(n, dtype=row.dtype)
    row2 = jnp.concatenate([row, loop])
    col2 = jnp.concatenate([col, loop])
    deg = jax.ops.segment_sum(jnp.ones(row2.shape[0], dtype=xw.dtype), col2, num_segments=n)
    dis = jnp.where(deg > 0, deg ** -0.5, 0.0)
    norm = dis[row2] * dis[col2]
    msg = xw[row2] * norm[:, None]
    out = jax.ops.segment_sum(msg, col2, num_segments=n)
    return out + b


def _build_pad_plan(batch_idx, bsz):
    n = batch_idx.shape[0]
    counts = jax.ops.segment_sum(jnp.ones((n,), dtype=jnp.int32), batch_idx, num_segments=bsz)
    offsets = jnp.concatenate([jnp.zeros((1,), dtype=jnp.int32), jnp.cumsum(counts)[:-1]])
    pos = jnp.arange(n, dtype=jnp.int32)
    valid = pos[None, :] < counts[:, None]
    gather_idx = jnp.where(valid, offsets[:, None] + pos[None, :], 0)
    mask = valid[:, :, None].astype(jnp.float32)
    return gather_idx, mask, counts


def reference(x, edge_index, batch_idx, focal_points, emb, W1, b1, W2, b2,
              W_ih, W_hh, b_ih, b_hh, W_fc1, b_fc1, W_fc2, b_fc2):
    h = emb[x]
    h = jax.nn.relu(_gcn_conv(h, edge_index, W1, b1))
    h = jax.nn.relu(_gcn_conv(h, edge_index, W2, b2))
    bsz = focal_points.shape[0]
    gather_idx, mask, counts = _build_pad_plan(batch_idx, bsz)
    padded = h[gather_idx] * mask  # [B, T, H]
    H = W_hh.shape[1]

    def step(hstate, xt):
        gx = xt @ W_ih.T + b_ih
        gh = hstate @ W_hh.T + b_hh
        r = jax.nn.sigmoid(gx[:, :H] + gh[:, :H])
        z = jax.nn.sigmoid(gx[:, H:2 * H] + gh[:, H:2 * H])
        n = jnp.tanh(gx[:, 2 * H:] + r * gh[:, 2 * H:])
        hn = (1.0 - z) * n + z * hstate
        return hn, hn

    h0 = jnp.zeros((bsz, H), dtype=padded.dtype)
    _, outs = jax.lax.scan(step, h0, jnp.swapaxes(padded, 0, 1))
    gru_out = jnp.swapaxes(outs, 0, 1)
    max_len = counts.max()
    tmask = (jnp.arange(gru_out.shape[1], dtype=jnp.int32) < max_len).astype(gru_out.dtype)
    graph_emb = (gru_out * tmask[None, :, None]).sum(axis=1) / max_len.astype(gru_out.dtype)
    g = jnp.concatenate([graph_emb, focal_points], axis=1)
    out = jax.nn.relu(g @ W_fc1 + b_fc1)
    out = out @ W_fc2 + b_fc2
    return jax.nn.sigmoid(out)

if __name__ == "__main__":
    import jax
    _d = setup_inputs()
    print(jax.jit(kernel)(*tuple(_d.values())))

</pallas_src>

<mosaic_0001>
#map = affine_map<(d0, d1) -> (0, 0, 0)>
#map1 = affine_map<(d0, d1) -> (0, 0)>
module attributes {stable_mosaic.version = 14 : i64} {
  func.func @_msg_kernel(%arg0: i32, %arg1: i32, %arg2: memref<4000x2x80xi32, #tpu.memory_space<hbm>>, %arg3: memref<10000x128xf32, #tpu.memory_space<hbm>>, %arg4: memref<640x128xf32, #tpu.memory_space<hbm>>, %arg5: memref<2x10240x128xf32, #tpu.memory_space<hbm>>, %arg6: memref<2x80xi32, #tpu.memory_space<vmem>>, %arg7: memref<2x80xi32, #tpu.memory_space<vmem>>, %arg8: memref<80x128xf32, #tpu.memory_space<vmem>>, %arg9: memref<80x128xf32, #tpu.memory_space<vmem>>, %arg10: memref<10240x128xf32, #tpu.memory_space<vmem_shared>>, %arg11: memref<!tpu.dma_semaphore, #tpu.memory_space<semaphore_mem>>, %arg12: memref<!tpu.dma_semaphore, #tpu.memory_space<semaphore_mem>>, %arg13: memref<!tpu.dma_semaphore, #tpu.memory_space<semaphore_mem>>, %arg14: memref<!tpu.dma_semaphore, #tpu.memory_space<semaphore_mem>>) attributes {dimension_semantics = [#tpu.dimension_semantics<core_parallel>, #tpu.dimension_semantics<subcore_parallel>], iteration_bounds = array<i64: 2, 16>, scalar_prefetch = 0 : i64, scratch_operands = 9 : i64, tpu.core_type = #tpu.core_type<sc_vector_subcore>, window_params = [{transform_indices = #map}, {transform_indices = #map1}, {transform_indices = #map1}, {transform_indices = #map}]} {
    %mul3A = arith.constant 2 : i32
    %mul3A_0 = arith.muli %arg1, %mul3A : i32
    %add3A = arith.addi %mul3A_0, %arg0 : i32
    %mul3A_1 = arith.constant 640 : i32
    %mul3A_2 = arith.muli %arg1, %mul3A_1 : i32
    "tpu.region"() ({
      %run_scoped3A = tpu.sem_alloc : memref<!tpu.dma_semaphore, #tpu.memory_space<semaphore_mem>>
      %dma_start3A_48 = arith.constant 0 : i32
      %dma_start3A_49 = tpu.memref_slice %arg10[%mul3A_2, %dma_start3A_48] : memref<10240x128xf32, #tpu.memory_space<vmem_shared>> -> memref<640x128xf32, #tpu.memory_space<vmem_shared>>
      tpu.enqueue_dma source(%arg4 : memref<640x128xf32, #tpu.memory_space<hbm>>) target(%dma_start3A_49 : memref<640x128xf32, #tpu.memory_space<vmem_shared>>) target_semaphore(%run_scoped3A : memref<!tpu.dma_semaphore, #tpu.memory_space<semaphore_mem>>)
      %dma_wait3A_50 = arith.constant 0 : i32
      %dma_wait3A_51 = tpu.memref_slice %arg10[%mul3A_2, %dma_wait3A_50] : memref<10240x128xf32, #tpu.memory_space<vmem_shared>> -> memref<640x128xf32, #tpu.memory_space<vmem_shared>>
      tpu.wait_dma2 semaphore(%run_scoped3A : memref<!tpu.dma_semaphore, #tpu.memory_space<semaphore_mem>>) src(%arg4 : memref<640x128xf32, #tpu.memory_space<hbm>>) dst(%dma_wait3A_51 : memref<640x128xf32, #tpu.memory_space<vmem_shared>>)
      tpu.yield
    }) : () -> ()
    %barrier3A = arith.constant 0 : index
    tpu.barrier barrier_id(%barrier3A)
    %add3A_3 = arith.constant 0 : i32
    %add3A_4 = arith.addi %add3A, %add3A_3 : i32
    "tpu.region"() ({
      %run_scoped3A = tpu.sem_alloc : memref<!tpu.dma_semaphore, #tpu.memory_space<semaphore_mem>>
      %dma_start3A_48 = arith.constant 0 : i32
      %dma_start3A_49 = arith.constant 0 : i32
      %dma_start3A_50 = tpu.memref_slice %arg2[%add3A_4, %dma_start3A_48, %dma_start3A_49] : memref<4000x2x80xi32, #tpu.memory_space<hbm>> -> memref<1x2x80xi32, #tpu.memory_space<hbm>>
      %dma_start3A_51 = tpu.memref_squeeze %dma_start3A_50 : memref<1x2x80xi32, #tpu.memory_space<hbm>> -> memref<2x80xi32, #tpu.memory_space<hbm>>
      %dma_start3A_52 = arith.constant 0 : i32
      %dma_start3A_53 = arith.constant 0 : i32
      %dma_start3A_54 = tpu.memref_slice %arg2[%add3A_4, %dma_start3A_52, %dma_start3A_53] : memref<4000x2x80xi32, #tpu.memory_space<hbm>> -> memref<1x2x80xi32, #tpu.memory_space<hbm>>
      %dma_start3A_55 = tpu.memref_squeeze %dma_start3A_54 : memref<1x2x80xi32, #tpu.memory_space<hbm>> -> memref<2x80xi32, #tpu.memory_space<hbm>>
      tpu.enqueue_dma source(%dma_start3A_55 : memref<2x80xi32, #tpu.memory_space<hbm>>) target(%arg6 : memref<2x80xi32, #tpu.memory_space<vmem>>) target_semaphore(%run_scoped3A : memref<!tpu.dma_semaphore, #tpu.memory_space<semaphore_mem>>)
      %dma_wait3A_56 = arith.constant 0 : i32
      %dma_wait3A_57 = arith.constant 0 : i32
      %dma_wait3A_58 = tpu.memref_slice %arg2[%add3A_4, %dma_wait3A_56, %dma_wait3A_57] : memref<4000x2x80xi32, #tpu.memory_space<hbm>> -> memref<1x2x80xi32, #tpu.memory_space<hbm>>
      %dma_wait3A_59 = tpu.memref_squeeze %dma_wait3A_58 : memref<1x2x80xi32, #tpu.memory_space<hbm>> -> memref<2x80xi32, #tpu.memory_space<hbm>>
      %dma_wait3A_60 = arith.constant 0 : i32
      %dma_wait3A_61 = arith.constant 0 : i32
      %dma_wait3A_62 = tpu.memref_slice %arg2[%add3A_4, %dma_wait3A_60, %dma_wait3A_61] : memref<4000x2x80xi32, #tpu.memory_space<hbm>> -> memref<1x2x80xi32, #tpu.memory_space<hbm>>
      %dma_wait3A_63 = tpu.memref_squeeze %dma_wait3A_62 : memref<1x2x80xi32, #tpu.memory_space<hbm>> -> memref<2x80xi32, #tpu.memory_space<hbm>>
      tpu.wait_dma2 semaphore(%run_scoped3A : memref<!tpu.dma_semaphore, #tpu.memory_space<semaphore_mem>>) src(%dma_wait3A_63 : memref<2x80xi32, #tpu.memory_space<hbm>>) dst(%arg6 : memref<2x80xi32, #tpu.memory_space<vmem>>)
      tpu.yield
    }) : () -> ()
    %dma_start3A = arith.constant 0 : i32
    %dma_start3A_5 = arith.constant 0 : i32
    %dma_start3A_6 = tpu.memref_slice %arg6[%dma_start3A, %dma_start3A_5] : memref<2x80xi32, #tpu.memory_space<vmem>> -> memref<1x80xi32, #tpu.memory_space<vmem>>
    %dma_start3A_7 = tpu.memref_squeeze %dma_start3A_6 : memref<1x80xi32, #tpu.memory_space<vmem>> -> memref<80xi32, #tpu.memory_space<vmem>>
    %dma_start3A_8 = arith.constant 0 : i32
    %dma_start3A_9 = arith.constant 0 : i32
    %dma_start3A_10 = tpu.memref_slice %arg3[%dma_start3A_8, %dma_start3A_9] : memref<10000x128xf32, #tpu.memory_space<hbm>> -> memref<10000x128xf32, #tpu.memory_space<hbm>>
    tpu.enqueue_indirect_dma source(%dma_start3A_10 : memref<10000x128xf32, #tpu.memory_space<hbm>>) target(%arg8 : memref<80x128xf32, #tpu.memory_space<vmem>>) offsets(%dma_start3A_7 : memref<80xi32, #tpu.memory_space<vmem>>) semaphore(%arg11 : memref<!tpu.dma_semaphore, #tpu.memory_space<semaphore_mem>>)
    %scan3A = arith.constant 0 : i32
    %scan3A_11 = arith.constant 0 : i32
    %scan3A_12 = arith.constant 62 : i32
    %scan3A_13 = arith.addi %scan3A_11, %scan3A_12 : i32
    %scan3A_14 = arith.constant 1 : i32
    scf.for %scan3A_48 = %scan3A_11 to %scan3A_13 step %scan3A_14  : i32 {
      %mul3A_49 = arith.constant 2 : i32
      %mul3A_50 = arith.muli %mul3A_49, %scan3A_48 : i32
      %add3A_51 = arith.constant 0 : i32
      %add3A_52 = arith.addi %mul3A_50, %add3A_51 : i32
      %ge3A = arith.constant 1 : i32
      %ge3A_53 = arith.cmpi sge, %add3A_52, %ge3A : i32
      %convert_element_type3A = arith.extui %ge3A_53 : i1 to i32
      %cond3A = arith.constant 0 : i32
      %cond3A_54 = arith.cmpi ne, %convert_element_type3A, %cond3A : i32
      scf.if %cond3A_54 {
        %dma_wait3A_116 = arith.constant 1 : i32
        %dma_wait3A_117 = arith.constant 0 : i32
        %dma_wait3A_118 = tpu.memref_slice %arg7[%dma_wait3A_116, %dma_wait3A_117] : memref<2x80xi32, #tpu.memory_space<vmem>> -> memref<1x80xi32, #tpu.memory_space<vmem>>
        %dma_wait3A_119 = tpu.memref_squeeze %dma_wait3A_118 : memref<1x80xi32, #tpu.memory_space<vmem>> -> memref<80xi32, #tpu.memory_space<vmem>>
        %dma_wait3A_120 = arith.constant 0 : i32
        %dma_wait3A_121 = arith.constant 0 : i32
        %dma_wait3A_122 = tpu.memref_slice %arg10[%dma_wait3A_120, %dma_wait3A_121] : memref<10240x128xf32, #tpu.memory_space<vmem_shared>> -> memref<10240x128xf32, #tpu.memory_space<vmem_shared>>
        tpu.wait_indirect_dma semaphore(%arg14 : memref<!tpu.dma_semaphore, #tpu.memory_space<semaphore_mem>>) src(%arg9 : memref<80x128xf32, #tpu.memory_space<vmem>>) dst(%dma_wait3A_122 : memref<10240x128xf32, #tpu.memory_space<vmem_shared>>)
      } else {
      }
      %add3A_55 = arith.constant 1 : i32
      %add3A_56 = arith.addi %add3A_52, %add3A_55 : i32
      %mul3A_57 = arith.constant 32 : i32
      %mul3A_58 = arith.muli %mul3A_57, %add3A_56 : i32
      %add3A_59 = arith.addi %add3A, %mul3A_58 : i32
      "tpu.region"() ({
        %run_scoped3A = tpu.sem_alloc : memref<!tpu.dma_semaphore, #tpu.memory_space<semaphore_mem>>
        %dma_start3A_116 = arith.constant 0 : i32
        %dma_start3A_117 = arith.constant 0 : i32
        %dma_start3A_118 = tpu.memref_slice %arg2[%add3A_59, %dma_start3A_116, %dma_start3A_117] : memref<4000x2x80xi32, #tpu.memory_space<hbm>> -> memref<1x2x80xi32, #tpu.memory_space<hbm>>
        %dma_start3A_119 = tpu.memref_squeeze %dma_start3A_118 : memref<1x2x80xi32, #tpu.memory_space<hbm>> -> memref<2x80xi32, #tpu.memory_space<hbm>>
        %dma_start3A_120 = arith.constant 0 : i32
        %dma_start3A_121 = arith.constant 0 : i32
        %dma_start3A_122 = tpu.memref_slice %arg2[%add3A_59, %dma_start3A_120, %dma_start3A_121] : memref<4000x2x80xi32, #tpu.memory_space<hbm>> -> memref<1x2x80xi32, #tpu.memory_space<hbm>>
        %dma_start3A_123 = tpu.memref_squeeze %dma_start3A_122 : memref<1x2x80xi32, #tpu.memory_space<hbm>> -> memref<2x80xi32, #tpu.memory_space<hbm>>
        tpu.enqueue_dma source(%dma_start3A_123 : memref<2x80xi32, #tpu.memory_space<hbm>>) target(%arg7 : memref<2x80xi32, #tpu.memory_space<vmem>>) target_semaphore(%run_scoped3A : memref<!tpu.dma_semaphore, #tpu.memory_space<semaphore_mem>>)
        %dma_wait3A_124 = arith.constant 0 : i32
        %dma_wait3A_125 = arith.constant 0 : i32
        %dma_wait3A_126 = tpu.memref_slice %arg2[%add3A_59, %dma_wait3A_124, %dma_wait3A_125] : memref<4000x2x80xi32, #tpu.memory_space<hbm>> -> memref<1x2x80xi32, #tpu.memory_space<hbm>>
        %dma_wait3A_127 = tpu.memref_squeeze %dma_wait3A_126 : memref<1x2x80xi32, #tpu.memory_space<hbm>> -> memref<2x80xi32, #tpu.memory_space<hbm>>
        %dma_wait3A_128 = arith.constant 0 : i32
        %dma_wait3A_129 = arith.constant 0 : i32
        %dma_wait3A_130 = tpu.memref_slice %arg2[%add3A_59, %dma_wait3A_128, %dma_wait3A_129] : memref<4000x2x80xi32, #tpu.memory_space<hbm>> -> memref<1x2x80xi32, #tpu.memory_space<hbm>>
        %dma_wait3A_131 = tpu.memref_squeeze %dma_wait3A_130 : memref<1x2x80xi32, #tpu.memory_space<hbm>> -> memref<2x80xi32, #tpu.memory_space<hbm>>
        tpu.wait_dma2 semaphore(%run_scoped3A : memref<!tpu.dma_semaphore, #tpu.memory_space<semaphore_mem>>) src(%dma_wait3A_131 : memref<2x80xi32, #tpu.memory_space<hbm>>) dst(%arg7 : memref<2x80xi32, #tpu.memory_space<vmem>>)
        tpu.yield
      }) : () -> ()
      %dma_start3A_60 = arith.constant 0 : i32
      %dma_start3A_61 = arith.constant 0 : i32
      %dma_start3A_62 = tpu.memref_slice %arg7[%dma_start3A_60, %dma_start3A_61] : memref<2x80xi32, #tpu.memory_space<vmem>> -> memref<1x80xi32, #tpu.memory_space<vmem>>
      %dma_start3A_63 = tpu.memref_squeeze %dma_start3A_62 : memref<1x80xi32, #tpu.memory_space<vmem>> -> memref<80xi32, #tpu.memory_space<vmem>>
      %dma_start3A_64 = arith.constant 0 : i32
      %dma_start3A_65 = arith.constant 0 : i32
      %dma_start3A_66 = tpu.memref_slice %arg3[%dma_start3A_64, %dma_start3A_65] : memref<10000x128xf32, #tpu.memory_space<hbm>> -> memref<10000x128xf32, #tpu.memory_space<hbm>>
      tpu.enqueue_indirect_dma source(%dma_start3A_66 : memref<10000x128xf32, #tpu.memory_space<hbm>>) target(%arg9 : memref<80x128xf32, #tpu.memory_space<vmem>>) offsets(%dma_start3A_63 : memref<80xi32, #tpu.memory_space<vmem>>) semaphore(%arg12 : memref<!tpu.dma_semaphore, #tpu.memory_space<semaphore_mem>>)
      %dma_wait3A_67 = arith.constant 0 : i32
      %dma_wait3A_68 = arith.constant 0 : i32
      %dma_wait3A_69 = tpu.memref_slice %arg6[%dma_wait3A_67, %dma_wait3A_68] : memref<2x80xi32, #tpu.memory_space<vmem>> -> memref<1x80xi32, #tpu.memory_space<vmem>>
      %dma_wait3A_70 = tpu.memref_squeeze %dma_wait3A_69 : memref<1x80xi32, #tpu.memory_space<vmem>> -> memref<80xi32, #tpu.memory_space<vmem>>
      %dma_wait3A_71 = arith.constant 0 : i32
      %dma_wait3A_72 = arith.constant 0 : i32
      %dma_wait3A_73 = tpu.memref_slice %arg3[%dma_wait3A_71, %dma_wait3A_72] : memref<10000x128xf32, #tpu.memory_space<hbm>> -> memref<10000x128xf32, #tpu.memory_space<hbm>>
      tpu.wait_indirect_dma semaphore(%arg11 : memref<!tpu.dma_semaphore, #tpu.memory_space<semaphore_mem>>) src(%dma_wait3A_73 : memref<10000x128xf32, #tpu.memory_space<hbm>>) dst(%arg8 : memref<80x128xf32, #tpu.memory_space<vmem>>)
      %dma_start3A_74 = arith.constant 1 : i32
      %dma_start3A_75 = arith.constant 0 : i32
      %dma_start3A_76 = tpu.memref_slice %arg6[%dma_start3A_74, %dma_start3A_75] : memref<2x80xi32, #tpu.memory_space<vmem>> -> memref<1x80xi32, #tpu.memory_space<vmem>>
      %dma_start3A_77 = tpu.memref_squeeze %dma_start3A_76 : memref<1x80xi32, #tpu.memory_space<vmem>> -> memref<80xi32, #tpu.memory_space<vmem>>
      %dma_start3A_78 = arith.constant 0 : i32
      %dma_start3A_79 = arith.constant 0 : i32
      %dma_start3A_80 = tpu.memref_slice %arg10[%dma_start3A_78, %dma_start3A_79] : memref<10240x128xf32, #tpu.memory_space<vmem_shared>> -> memref<10240x128xf32, #tpu.memory_space<vmem_shared>>
      tpu.enqueue_indirect_dma source(%arg8 : memref<80x128xf32, #tpu.memory_space<vmem>>) target(%dma_start3A_80 : memref<10240x128xf32, #tpu.memory_space<vmem_shared>>) offsets(%dma_start3A_77 : memref<80xi32, #tpu.memory_space<vmem>>) semaphore(%arg13 : memref<!tpu.dma_semaphore, #tpu.memory_space<semaphore_mem>>) {add = true}
      %mul3A_81 = arith.constant 2 : i32
      %mul3A_82 = arith.muli %mul3A_81, %scan3A_48 : i32
      %add3A_83 = arith.constant 1 : i32
      %add3A_84 = arith.addi %mul3A_82, %add3A_83 : i32
      %ge3A_85 = arith.constant 1 : i32
      %ge3A_86 = arith.cmpi sge, %add3A_84, %ge3A_85 : i32
      %convert_element_type3A_87 = arith.extui %ge3A_86 : i1 to i32
      %cond3A_88 = arith.constant 0 : i32
      %cond3A_89 = arith.cmpi ne, %convert_element_type3A_87, %cond3A_88 : i32
      scf.if %cond3A_89 {
        %dma_wait3A_116 = arith.constant 1 : i32
        %dma_wait3A_117 = arith.constant 0 : i32
        %dma_wait3A_118 = tpu.memref_slice %arg6[%dma_wait3A_116, %dma_wait3A_117] : memref<2x80xi32, #tpu.memory_space<vmem>> -> memref<1x80xi32, #tpu.memory_space<vmem>>
        %dma_wait3A_119 = tpu.memref_squeeze %dma_wait3A_118 : memref<1x80xi32, #tpu.memory_space<vmem>> -> memref<80xi32, #tpu.memory_space<vmem>>
        %dma_wait3A_120 = arith.constant 0 : i32
        %dma_wait3A_121 = arith.constant 0 : i32
        %dma_wait3A_122 = tpu.memref_slice %arg10[%dma_wait3A_120, %dma_wait3A_121] : memref<10240x128xf32, #tpu.memory_space<vmem_shared>> -> memref<10240x128xf32, #tpu.memory_space<vmem_shared>>
        tpu.wait_indirect_dma semaphore(%arg13 : memref<!tpu.dma_semaphore, #tpu.memory_space<semaphore_mem>>) src(%arg8 : memref<80x128xf32, #tpu.memory_space<vmem>>) dst(%dma_wait3A_122 : memref<10240x128xf32, #tpu.memory_space<vmem_shared>>)
      } else {
      }
      %add3A_90 = arith.constant 1 : i32
      %add3A_91 = arith.addi %add3A_84, %add3A_90 : i32
      %mul3A_92 = arith.constant 32 : i32
      %mul3A_93 = arith.muli %mul3A_92, %add3A_91 : i32
      %add3A_94 = arith.addi %add3A, %mul3A_93 : i32
      "tpu.region"() ({
        %run_scoped3A = tpu.sem_alloc : memref<!tpu.dma_semaphore, #tpu.memory_space<semaphore_mem>>
        %dma_start3A_116 = arith.constant 0 : i32
        %dma_start3A_117 = arith.constant 0 : i32
        %dma_start3A_118 = tpu.memref_slice %arg2[%add3A_94, %dma_start3A_116, %dma_start3A_117] : memref<4000x2x80xi32, #tpu.memory_space<hbm>> -> memref<1x2x80xi32, #tpu.memory_space<hbm>>
        %dma_start3A_119 = tpu.memref_squeeze %dma_start3A_118 : memref<1x2x80xi32, #tpu.memory_space<hbm>> -> memref<2x80xi32, #tpu.memory_space<hbm>>
        %dma_start3A_120 = arith.constant 0 : i32
        %dma_start3A_121 = arith.constant 0 : i32
        %dma_start3A_122 = tpu.memref_slice %arg2[%add3A_94, %dma_start3A_120, %dma_start3A_121] : memref<4000x2x80xi32, #tpu.memory_space<hbm>> -> memref<1x2x80xi32, #tpu.memory_space<hbm>>
        %dma_start3A_123 = tpu.memref_squeeze %dma_start3A_122 : memref<1x2x80xi32, #tpu.memory_space<hbm>> -> memref<2x80xi32, #tpu.memory_space<hbm>>
        tpu.enqueue_dma source(%dma_start3A_123 : memref<2x80xi32, #tpu.memory_space<hbm>>) target(%arg6 : memref<2x80xi32, #tpu.memory_space<vmem>>) target_semaphore(%run_scoped3A : memref<!tpu.dma_semaphore, #tpu.memory_space<semaphore_mem>>)
        %dma_wait3A_124 = arith.constant 0 : i32
        %dma_wait3A_125 = arith.constant 0 : i32
        %dma_wait3A_126 = tpu.memref_slice %arg2[%add3A_94, %dma_wait3A_124, %dma_wait3A_125] : memref<4000x2x80xi32, #tpu.memory_space<hbm>> -> memref<1x2x80xi32, #tpu.memory_space<hbm>>
        %dma_wait3A_127 = tpu.memref_squeeze %dma_wait3A_126 : memref<1x2x80xi32, #tpu.memory_space<hbm>> -> memref<2x80xi32, #tpu.memory_space<hbm>>
        %dma_wait3A_128 = arith.constant 0 : i32
        %dma_wait3A_129 = arith.constant 0 : i32
        %dma_wait3A_130 = tpu.memref_slice %arg2[%add3A_94, %dma_wait3A_128, %dma_wait3A_129] : memref<4000x2x80xi32, #tpu.memory_space<hbm>> -> memref<1x2x80xi32, #tpu.memory_space<hbm>>
        %dma_wait3A_131 = tpu.memref_squeeze %dma_wait3A_130 : memref<1x2x80xi32, #tpu.memory_space<hbm>> -> memref<2x80xi32, #tpu.memory_space<hbm>>
        tpu.wait_dma2 semaphore(%run_scoped3A : memref<!tpu.dma_semaphore, #tpu.memory_space<semaphore_mem>>) src(%dma_wait3A_131 : memref<2x80xi32, #tpu.memory_space<hbm>>) dst(%arg6 : memref<2x80xi32, #tpu.memory_space<vmem>>)
        tpu.yield
      }) : () -> ()
      %dma_start3A_95 = arith.constant 0 : i32
      %dma_start3A_96 = arith.constant 0 : i32
      %dma_start3A_97 = tpu.memref_slice %arg6[%dma_start3A_95, %dma_start3A_96] : memref<2x80xi32, #tpu.memory_space<vmem>> -> memref<1x80xi32, #tpu.memory_space<vmem>>
      %dma_start3A_98 = tpu.memref_squeeze %dma_start3A_97 : memref<1x80xi32, #tpu.memory_space<vmem>> -> memref<80xi32, #tpu.memory_space<vmem>>
      %dma_start3A_99 = arith.constant 0 : i32
      %dma_start3A_100 = arith.constant 0 : i32
      %dma_start3A_101 = tpu.memref_slice %arg3[%dma_start3A_99, %dma_start3A_100] : memref<10000x128xf32, #tpu.memory_space<hbm>> -> memref<10000x128xf32, #tpu.memory_space<hbm>>
      tpu.enqueue_indirect_dma source(%dma_start3A_101 : memref<10000x128xf32, #tpu.memory_space<hbm>>) target(%arg8 : memref<80x128xf32, #tpu.memory_space<vmem>>) offsets(%dma_start3A_98 : memref<80xi32, #tpu.memory_space<vmem>>) semaphore(%arg11 : memref<!tpu.dma_semaphore, #tpu.memory_space<semaphore_mem>>)
      %dma_wait3A_102 = arith.constant 0 : i32
      %dma_wait3A_103 = arith.constant 0 : i32
      %dma_wait3A_104 = tpu.memref_slice %arg7[%dma_wait3A_102, %dma_wait3A_103] : memref<2x80xi32, #tpu.memory_space<vmem>> -> memref<1x80xi32, #tpu.memory_space<vmem>>
      %dma_wait3A_105 = tpu.memref_squeeze %dma_wait3A_104 : memref<1x80xi32, #tpu.memory_space<vmem>> -> memref<80xi32, #tpu.memory_space<vmem>>
      %dma_wait3A_106 = arith.constant 0 : i32
      %dma_wait3A_107 = arith.constant 0 : i32
      %dma_wait3A_108 = tpu.memref_slice %arg3[%dma_wait3A_106, %dma_wait3A_107] : memref<10000x128xf32, #tpu.memory_space<hbm>> -> memref<10000x128xf32, #tpu.memory_space<hbm>>
      tpu.wait_indirect_dma semaphore(%arg12 : memref<!tpu.dma_semaphore, #tpu.memory_space<semaphore_mem>>) src(%dma_wait3A_108 : memref<10000x128xf32, #tpu.memory_space<hbm>>) dst(%arg9 : memref<80x128xf32, #tpu.memory_space<vmem>>)
      %dma_start3A_109 = arith.constant 1 : i32
      %dma_start3A_110 = arith.constant 0 : i32
      %dma_start3A_111 = tpu.memref_slice %arg7[%dma_start3A_109, %dma_start3A_110] : memref<2x80xi32, #tpu.memory_space<vmem>> -> memref<1x80xi32, #tpu.memory_space<vmem>>
      %dma_start3A_112 = tpu.memref_squeeze %dma_start3A_111 : memref<1x80xi32, #tpu.memory_space<vmem>> -> memref<80xi32, #tpu.memory_space<vmem>>
      %dma_start3A_113 = arith.constant 0 : i32
      %dma_start3A_114 = arith.constant 0 : i32
      %dma_start3A_115 = tpu.memref_slice %arg10[%dma_start3A_113, %dma_start3A_114] : memref<10240x128xf32, #tpu.memory_space<vmem_shared>> -> memref<10240x128xf32, #tpu.memory_space<vmem_shared>>
      tpu.enqueue_indirect_dma source(%arg9 : memref<80x128xf32, #tpu.memory_space<vmem>>) target(%dma_start3A_115 : memref<10240x128xf32, #tpu.memory_space<vmem_shared>>) offsets(%dma_start3A_112 : memref<80xi32, #tpu.memory_space<vmem>>) semaphore(%arg14 : memref<!tpu.dma_semaphore, #tpu.memory_space<semaphore_mem>>) {add = true}
    }
    %scan3A_15 = arith.constant 62 : i32
    %dma_wait3A = arith.constant 1 : i32
    %dma_wait3A_16 = arith.constant 0 : i32
    %dma_wait3A_17 = tpu.memref_slice %arg7[%dma_wait3A, %dma_wait3A_16] : memref<2x80xi32, #tpu.memory_space<vmem>> -> memref<1x80xi32, #tpu.memory_space<vmem>>
    %dma_wait3A_18 = tpu.memref_squeeze %dma_wait3A_17 : memref<1x80xi32, #tpu.memory_space<vmem>> -> memref<80xi32, #tpu.memory_space<vmem>>
    %dma_wait3A_19 = arith.constant 0 : i32
    %dma_wait3A_20 = arith.constant 0 : i32
    %dma_wait3A_21 = tpu.memref_slice %arg10[%dma_wait3A_19, %dma_wait3A_20] : memref<10240x128xf32, #tpu.memory_space<vmem_shared>> -> memref<10240x128xf32, #tpu.memory_space<vmem_shared>>
    tpu.wait_indirect_dma semaphore(%arg14 : memref<!tpu.dma_semaphore, #tpu.memory_space<semaphore_mem>>) src(%arg9 : memref<80x128xf32, #tpu.memory_space<vmem>>) dst(%dma_wait3A_21 : memref<10240x128xf32, #tpu.memory_space<vmem_shared>>)
    %dma_wait3A_22 = arith.constant 0 : i32
    %dma_wait3A_23 = arith.constant 0 : i32
    %dma_wait3A_24 = tpu.memref_slice %arg6[%dma_wait3A_22, %dma_wait3A_23] : memref<2x80xi32, #tpu.memory_space<vmem>> -> memref<1x80xi32, #tpu.memory_space<vmem>>
    %dma_wait3A_25 = tpu.memref_squeeze %dma_wait3A_24 : memref<1x80xi32, #tpu.memory_space<vmem>> -> memref<80xi32, #tpu.memory_space<vmem>>
    %dma_wait3A_26 = arith.constant 0 : i32
    %dma_wait3A_27 = arith.constant 0 : i32
    %dma_wait3A_28 = tpu.memref_slice %arg3[%dma_wait3A_26, %dma_wait3A_27] : memref<10000x128xf32, #tpu.memory_space<hbm>> -> memref<10000x128xf32, #tpu.memory_space<hbm>>
    tpu.wait_indirect_dma semaphore(%arg11 : memref<!tpu.dma_semaphore, #tpu.memory_space<semaphore_mem>>) src(%dma_wait3A_28 : memref<10000x128xf32, #tpu.memory_space<hbm>>) dst(%arg8 : memref<80x128xf32, #tpu.memory_space<vmem>>)
    %dma_start3A_29 = arith.constant 1 : i32
    %dma_start3A_30 = arith.constant 0 : i32
    %dma_start3A_31 = tpu.memref_slice %arg6[%dma_start3A_29, %dma_start3A_30] : memref<2x80xi32, #tpu.memory_space<vmem>> -> memref<1x80xi32, #tpu.memory_space<vmem>>
    %dma_start3A_32 = tpu.memref_squeeze %dma_start3A_31 : memref<1x80xi32, #tpu.memory_space<vmem>> -> memref<80xi32, #tpu.memory_space<vmem>>
    %dma_start3A_33 = arith.constant 0 : i32
    %dma_start3A_34 = arith.constant 0 : i32
    %dma_start3A_35 = tpu.memref_slice %arg10[%dma_start3A_33, %dma_start3A_34] : memref<10240x128xf32, #tpu.memory_space<vmem_shared>> -> memref<10240x128xf32, #tpu.memory_space<vmem_shared>>
    tpu.enqueue_indirect_dma source(%arg8 : memref<80x128xf32, #tpu.memory_space<vmem>>) target(%dma_start3A_35 : memref<10240x128xf32, #tpu.memory_space<vmem_shared>>) offsets(%dma_start3A_32 : memref<80xi32, #tpu.memory_space<vmem>>) semaphore(%arg13 : memref<!tpu.dma_semaphore, #tpu.memory_space<semaphore_mem>>) {add = true}
    %dma_wait3A_36 = arith.constant 1 : i32
    %dma_wait3A_37 = arith.constant 0 : i32
    %dma_wait3A_38 = tpu.memref_slice %arg6[%dma_wait3A_36, %dma_wait3A_37] : memref<2x80xi32, #tpu.memory_space<vmem>> -> memref<1x80xi32, #tpu.memory_space<vmem>>
    %dma_wait3A_39 = tpu.memref_squeeze %dma_wait3A_38 : memref<1x80xi32, #tpu.memory_space<vmem>> -> memref<80xi32, #tpu.memory_space<vmem>>
    %dma_wait3A_40 = arith.constant 0 : i32
    %dma_wait3A_41 = arith.constant 0 : i32
    %dma_wait3A_42 = tpu.memref_slice %arg10[%dma_wait3A_40, %dma_wait3A_41] : memref<10240x128xf32, #tpu.memory_space<vmem_shared>> -> memref<10240x128xf32, #tpu.memory_space<vmem_shared>>
    tpu.wait_indirect_dma semaphore(%arg13 : memref<!tpu.dma_semaphore, #tpu.memory_space<semaphore_mem>>) src(%arg8 : memref<80x128xf32, #tpu.memory_space<vmem>>) dst(%dma_wait3A_42 : memref<10240x128xf32, #tpu.memory_space<vmem_shared>>)
    %barrier3A_43 = arith.constant 0 : index
    tpu.barrier barrier_id(%barrier3A_43)
    %mul3A_44 = arith.constant 640 : i32
    %mul3A_45 = arith.muli %arg1, %mul3A_44 : i32
    %mul3A_46 = arith.constant 640 : i32
    %mul3A_47 = arith.muli %arg1, %mul3A_46 : i32
    "tpu.region"() ({
      %run_scoped3A = tpu.sem_alloc : memref<!tpu.dma_semaphore, #tpu.memory_space<semaphore_mem>>
      %dma_start3A_48 = arith.constant 0 : i32
      %dma_start3A_49 = tpu.memref_slice %arg5[%arg0, %mul3A_47, %dma_start3A_48] : memref<2x10240x128xf32, #tpu.memory_space<hbm>> -> memref<1x640x128xf32, #tpu.memory_space<hbm>>
      %dma_start3A_50 = tpu.memref_squeeze %dma_start3A_49 : memref<1x640x128xf32, #tpu.memory_space<hbm>> -> memref<640x128xf32, #tpu.memory_space<hbm>>
      %dma_start3A_51 = arith.constant 0 : i32
      %dma_start3A_52 = tpu.memref_slice %arg10[%mul3A_45, %dma_start3A_51] : memref<10240x128xf32, #tpu.memory_space<vmem_shared>> -> memref<640x128xf32, #tpu.memory_space<vmem_shared>>
      tpu.enqueue_dma source(%dma_start3A_52 : memref<640x128xf32, #tpu.memory_space<vmem_shared>>) target(%dma_start3A_50 : memref<640x128xf32, #tpu.memory_space<hbm>>) target_semaphore(%run_scoped3A : memref<!tpu.dma_semaphore, #tpu.memory_space<semaphore_mem>>)
      %dma_wait3A_53 = arith.constant 0 : i32
      %dma_wait3A_54 = tpu.memref_slice %arg5[%arg0, %mul3A_47, %dma_wait3A_53] : memref<2x10240x128xf32, #tpu.memory_space<hbm>> -> memref<1x640x128xf32, #tpu.memory_space<hbm>>
      %dma_wait3A_55 = tpu.memref_squeeze %dma_wait3A_54 : memref<1x640x128xf32, #tpu.memory_space<hbm>> -> memref<640x128xf32, #tpu.memory_space<hbm>>
      %dma_wait3A_56 = arith.constant 0 : i32
      %dma_wait3A_57 = tpu.memref_slice %arg10[%mul3A_45, %dma_wait3A_56] : memref<10240x128xf32, #tpu.memory_space<vmem_shared>> -> memref<640x128xf32, #tpu.memory_space<vmem_shared>>
      tpu.wait_dma2 semaphore(%run_scoped3A : memref<!tpu.dma_semaphore, #tpu.memory_space<semaphore_mem>>) src(%dma_wait3A_57 : memref<640x128xf32, #tpu.memory_space<vmem_shared>>) dst(%dma_wait3A_55 : memref<640x128xf32, #tpu.memory_space<hbm>>)
      tpu.yield
    }) : () -> ()
    return
  }
}

#map = affine_map<(d0, d1) -> (0, 0, 0)>
#map1 = affine_map<(d0, d1) -> (0, 0)>
module attributes {stable_mosaic.version = 14 : i64} {
  func.func @_msg_kernel(%arg0: i32, %arg1: i32, %arg2: memref<4000x2x80xi32, #tpu.memory_space<hbm>>, %arg3: memref<10000x128xf32, #tpu.memory_space<hbm>>, %arg4: memref<640x128xf32, #tpu.memory_space<hbm>>, %arg5: memref<2x10240x128xf32, #tpu.memory_space<hbm>>, %arg6: memref<2x80xi32, #tpu.memory_space<vmem>>, %arg7: memref<2x80xi32, #tpu.memory_space<vmem>>, %arg8: memref<80x128xf32, #tpu.memory_space<vmem>>, %arg9: memref<80x128xf32, #tpu.memory_space<vmem>>, %arg10: memref<10240x128xf32, #tpu.memory_space<vmem_shared>>, %arg11: memref<!tpu.dma_semaphore, #tpu.memory_space<semaphore_mem>>, %arg12: memref<!tpu.dma_semaphore, #tpu.memory_space<semaphore_mem>>, %arg13: memref<!tpu.dma_semaphore, #tpu.memory_space<semaphore_mem>>, %arg14: memref<!tpu.dma_semaphore, #tpu.memory_space<semaphore_mem>>) attributes {dimension_semantics = [#tpu.dimension_semantics<core_parallel>, #tpu.dimension_semantics<subcore_parallel>], iteration_bounds = array<i64: 2, 16>, scalar_prefetch = 0 : i64, scratch_operands = 9 : i64, tpu.core_type = #tpu.core_type<sc_vector_subcore>, window_params = [{transform_indices = #map}, {transform_indices = #map1}, {transform_indices = #map1}, {transform_indices = #map}]} {
    %mul3A = arith.constant 2 : i32
    %mul3A_0 = arith.muli %arg1, %mul3A : i32
    %add3A = arith.addi %mul3A_0, %arg0 : i32
    %mul3A_1 = arith.constant 640 : i32
    %mul3A_2 = arith.muli %arg1, %mul3A_1 : i32
    "tpu.region"() ({
      %run_scoped3A = tpu.sem_alloc : memref<!tpu.dma_semaphore, #tpu.memory_space<semaphore_mem>>
      %dma_start3A_48 = arith.constant 0 : i32
      %dma_start3A_49 = tpu.memref_slice %arg10[%mul3A_2, %dma_start3A_48] : memref<10240x128xf32, #tpu.memory_space<vmem_shared>> -> memref<640x128xf32, #tpu.memory_space<vmem_shared>>
      tpu.enqueue_dma source(%arg4 : memref<640x128xf32, #tpu.memory_space<hbm>>) target(%dma_start3A_49 : memref<640x128xf32, #tpu.memory_space<vmem_shared>>) target_semaphore(%run_scoped3A : memref<!tpu.dma_semaphore, #tpu.memory_space<semaphore_mem>>)
      %dma_wait3A_50 = arith.constant 0 : i32
      %dma_wait3A_51 = tpu.memref_slice %arg10[%mul3A_2, %dma_wait3A_50] : memref<10240x128xf32, #tpu.memory_space<vmem_shared>> -> memref<640x128xf32, #tpu.memory_space<vmem_shared>>
      tpu.wait_dma2 semaphore(%run_scoped3A : memref<!tpu.dma_semaphore, #tpu.memory_space<semaphore_mem>>) src(%arg4 : memref<640x128xf32, #tpu.memory_space<hbm>>) dst(%dma_wait3A_51 : memref<640x128xf32, #tpu.memory_space<vmem_shared>>)
      tpu.yield
    }) : () -> ()
    %barrier3A = arith.constant 0 : index
    tpu.barrier barrier_id(%barrier3A)
    %add3A_3 = arith.constant 0 : i32
    %add3A_4 = arith.addi %add3A, %add3A_3 : i32
    "tpu.region"() ({
      %run_scoped3A = tpu.sem_alloc : memref<!tpu.dma_semaphore, #tpu.memory_space<semaphore_mem>>
      %dma_start3A_48 = arith.constant 0 : i32
      %dma_start3A_49 = arith.constant 0 : i32
      %dma_start3A_50 = tpu.memref_slice %arg2[%add3A_4, %dma_start3A_48, %dma_start3A_49] : memref<4000x2x80xi32, #tpu.memory_space<hbm>> -> memref<1x2x80xi32, #tpu.memory_space<hbm>>
      %dma_start3A_51 = tpu.memref_squeeze %dma_start3A_50 : memref<1x2x80xi32, #tpu.memory_space<hbm>> -> memref<2x80xi32, #tpu.memory_space<hbm>>
      %dma_start3A_52 = arith.constant 0 : i32
      %dma_start3A_53 = arith.constant 0 : i32
      %dma_start3A_54 = tpu.memref_slice %arg2[%add3A_4, %dma_start3A_52, %dma_start3A_53] : memref<4000x2x80xi32, #tpu.memory_space<hbm>> -> memref<1x2x80xi32, #tpu.memory_space<hbm>>
      %dma_start3A_55 = tpu.memref_squeeze %dma_start3A_54 : memref<1x2x80xi32, #tpu.memory_space<hbm>> -> memref<2x80xi32, #tpu.memory_space<hbm>>
      tpu.enqueue_dma source(%dma_start3A_55 : memref<2x80xi32, #tpu.memory_space<hbm>>) target(%arg6 : memref<2x80xi32, #tpu.memory_space<vmem>>) target_semaphore(%run_scoped3A : memref<!tpu.dma_semaphore, #tpu.memory_space<semaphore_mem>>)
      %dma_wait3A_56 = arith.constant 0 : i32
      %dma_wait3A_57 = arith.constant 0 : i32
      %dma_wait3A_58 = tpu.memref_slice %arg2[%add3A_4, %dma_wait3A_56, %dma_wait3A_57] : memref<4000x2x80xi32, #tpu.memory_space<hbm>> -> memref<1x2x80xi32, #tpu.memory_space<hbm>>
      %dma_wait3A_59 = tpu.memref_squeeze %dma_wait3A_58 : memref<1x2x80xi32, #tpu.memory_space<hbm>> -> memref<2x80xi32, #tpu.memory_space<hbm>>
      %dma_wait3A_60 = arith.constant 0 : i32
      %dma_wait3A_61 = arith.constant 0 : i32
      %dma_wait3A_62 = tpu.memref_slice %arg2[%add3A_4, %dma_wait3A_60, %dma_wait3A_61] : memref<4000x2x80xi32, #tpu.memory_space<hbm>> -> memref<1x2x80xi32, #tpu.memory_space<hbm>>
      %dma_wait3A_63 = tpu.memref_squeeze %dma_wait3A_62 : memref<1x2x80xi32, #tpu.memory_space<hbm>> -> memref<2x80xi32, #tpu.memory_space<hbm>>
      tpu.wait_dma2 semaphore(%run_scoped3A : memref<!tpu.dma_semaphore, #tpu.memory_space<semaphore_mem>>) src(%dma_wait3A_63 : memref<2x80xi32, #tpu.memory_space<hbm>>) dst(%arg6 : memref<2x80xi32, #tpu.memory_space<vmem>>)
      tpu.yield
    }) : () -> ()
    %dma_start3A = arith.constant 0 : i32
    %dma_start3A_5 = arith.constant 0 : i32
    %dma_start3A_6 = tpu.memref_slice %arg6[%dma_start3A, %dma_start3A_5] : memref<2x80xi32, #tpu.memory_space<vmem>> -> memref<1x80xi32, #tpu.memory_space<vmem>>
    %dma_start3A_7 = tpu.memref_squeeze %dma_start3A_6 : memref<1x80xi32, #tpu.memory_space<vmem>> -> memref<80xi32, #tpu.memory_space<vmem>>
    %dma_start3A_8 = arith.constant 0 : i32
    %dma_start3A_9 = arith.constant 0 : i32
    %dma_start3A_10 = tpu.memref_slice %arg3[%dma_start3A_8, %dma_start3A_9] : memref<10000x128xf32, #tpu.memory_space<hbm>> -> memref<10000x128xf32, #tpu.memory_space<hbm>>
    tpu.enqueue_indirect_dma source(%dma_start3A_10 : memref<10000x128xf32, #tpu.memory_space<hbm>>) target(%arg8 : memref<80x128xf32, #tpu.memory_space<vmem>>) offsets(%dma_start3A_7 : memref<80xi32, #tpu.memory_space<vmem>>) semaphore(%arg11 : memref<!tpu.dma_semaphore, #tpu.memory_space<semaphore_mem>>)
    %scan3A = arith.constant 0 : i32
    %scan3A_11 = arith.constant 0 : i32
    %scan3A_12 = arith.constant 62 : i32
    %scan3A_13 = arith.addi %scan3A_11, %scan3A_12 : i32
    %scan3A_14 = arith.constant 1 : i32
    scf.for %scan3A_48 = %scan3A_11 to %scan3A_13 step %scan3A_14  : i32 {
      %mul3A_49 = arith.constant 2 : i32
      %mul3A_50 = arith.muli %mul3A_49, %scan3A_48 : i32
      %add3A_51 = arith.constant 0 : i32
      %add3A_52 = arith.addi %mul3A_50, %add3A_51 : i32
      %ge3A = arith.constant 1 : i32
      %ge3A_53 = arith.cmpi sge, %add3A_52, %ge3A : i32
      %convert_element_type3A = arith.extui %ge3A_53 : i1 to i32
      %cond3A = arith.constant 0 : i32
      %cond3A_54 = arith.cmpi ne, %convert_element_type3A, %cond3A : i32
      scf.if %cond3A_54 {
        %dma_wait3A_116 = arith.constant 1 : i32
        %dma_wait3A_117 = arith.constant 0 : i32
        %dma_wait3A_118 = tpu.memref_slice %arg7[%dma_wait3A_116, %dma_wait3A_117] : memref<2x80xi32, #tpu.memory_space<vmem>> -> memref<1x80xi32, #tpu.memory_space<vmem>>
        %dma_wait3A_119 = tpu.memref_squeeze %dma_wait3A_118 : memref<1x80xi32, #tpu.memory_space<vmem>> -> memref<80xi32, #tpu.memory_space<vmem>>
        %dma_wait3A_120 = arith.constant 0 : i32
        %dma_wait3A_121 = arith.constant 0 : i32
        %dma_wait3A_122 = tpu.memref_slice %arg10[%dma_wait3A_120, %dma_wait3A_121] : memref<10240x128xf32, #tpu.memory_space<vmem_shared>> -> memref<10240x128xf32, #tpu.memory_space<vmem_shared>>
        tpu.wait_indirect_dma semaphore(%arg14 : memref<!tpu.dma_semaphore, #tpu.memory_space<semaphore_mem>>) src(%arg9 : memref<80x128xf32, #tpu.memory_space<vmem>>) dst(%dma_wait3A_122 : memref<10240x128xf32, #tpu.memory_space<vmem_shared>>)
      } else {
      }
      %add3A_55 = arith.constant 1 : i32
      %add3A_56 = arith.addi %add3A_52, %add3A_55 : i32
      %mul3A_57 = arith.constant 32 : i32
      %mul3A_58 = arith.muli %mul3A_57, %add3A_56 : i32
      %add3A_59 = arith.addi %add3A, %mul3A_58 : i32
      "tpu.region"() ({
        %run_scoped3A = tpu.sem_alloc : memref<!tpu.dma_semaphore, #tpu.memory_space<semaphore_mem>>
        %dma_start3A_116 = arith.constant 0 : i32
        %dma_start3A_117 = arith.constant 0 : i32
        %dma_start3A_118 = tpu.memref_slice %arg2[%add3A_59, %dma_start3A_116, %dma_start3A_117] : memref<4000x2x80xi32, #tpu.memory_space<hbm>> -> memref<1x2x80xi32, #tpu.memory_space<hbm>>
        %dma_start3A_119 = tpu.memref_squeeze %dma_start3A_118 : memref<1x2x80xi32, #tpu.memory_space<hbm>> -> memref<2x80xi32, #tpu.memory_space<hbm>>
        %dma_start3A_120 = arith.constant 0 : i32
        %dma_start3A_121 = arith.constant 0 : i32
        %dma_start3A_122 = tpu.memref_slice %arg2[%add3A_59, %dma_start3A_120, %dma_start3A_121] : memref<4000x2x80xi32, #tpu.memory_space<hbm>> -> memref<1x2x80xi32, #tpu.memory_space<hbm>>
        %dma_start3A_123 = tpu.memref_squeeze %dma_start3A_122 : memref<1x2x80xi32, #tpu.memory_space<hbm>> -> memref<2x80xi32, #tpu.memory_space<hbm>>
        tpu.enqueue_dma source(%dma_start3A_123 : memref<2x80xi32, #tpu.memory_space<hbm>>) target(%arg7 : memref<2x80xi32, #tpu.memory_space<vmem>>) target_semaphore(%run_scoped3A : memref<!tpu.dma_semaphore, #tpu.memory_space<semaphore_mem>>)
        %dma_wait3A_124 = arith.constant 0 : i32
        %dma_wait3A_125 = arith.constant 0 : i32
        %dma_wait3A_126 = tpu.memref_slice %arg2[%add3A_59, %dma_wait3A_124, %dma_wait3A_125] : memref<4000x2x80xi32, #tpu.memory_space<hbm>> -> memref<1x2x80xi32, #tpu.memory_space<hbm>>
        %dma_wait3A_127 = tpu.memref_squeeze %dma_wait3A_126 : memref<1x2x80xi32, #tpu.memory_space<hbm>> -> memref<2x80xi32, #tpu.memory_space<hbm>>
        %dma_wait3A_128 = arith.constant 0 : i32
        %dma_wait3A_129 = arith.constant 0 : i32
        %dma_wait3A_130 = tpu.memref_slice %arg2[%add3A_59, %dma_wait3A_128, %dma_wait3A_129] : memref<4000x2x80xi32, #tpu.memory_space<hbm>> -> memref<1x2x80xi32, #tpu.memory_space<hbm>>
        %dma_wait3A_131 = tpu.memref_squeeze %dma_wait3A_130 : memref<1x2x80xi32, #tpu.memory_space<hbm>> -> memref<2x80xi32, #tpu.memory_space<hbm>>
        tpu.wait_dma2 semaphore(%run_scoped3A : memref<!tpu.dma_semaphore, #tpu.memory_space<semaphore_mem>>) src(%dma_wait3A_131 : memref<2x80xi32, #tpu.memory_space<hbm>>) dst(%arg7 : memref<2x80xi32, #tpu.memory_space<vmem>>)
        tpu.yield
      }) : () -> ()
      %dma_start3A_60 = arith.constant 0 : i32
      %dma_start3A_61 = arith.constant 0 : i32
      %dma_start3A_62 = tpu.memref_slice %arg7[%dma_start3A_60, %dma_start3A_61] : memref<2x80xi32, #tpu.memory_space<vmem>> -> memref<1x80xi32, #tpu.memory_space<vmem>>
      %dma_start3A_63 = tpu.memref_squeeze %dma_start3A_62 : memref<1x80xi32, #tpu.memory_space<vmem>> -> memref<80xi32, #tpu.memory_space<vmem>>
      %dma_start3A_64 = arith.constant 0 : i32
      %dma_start3A_65 = arith.constant 0 : i32
      %dma_start3A_66 = tpu.memref_slice %arg3[%dma_start3A_64, %dma_start3A_65] : memref<10000x128xf32, #tpu.memory_space<hbm>> -> memref<10000x128xf32, #tpu.memory_space<hbm>>
      tpu.enqueue_indirect_dma source(%dma_start3A_66 : memref<10000x128xf32, #tpu.memory_space<hbm>>) target(%arg9 : memref<80x128xf32, #tpu.memory_space<vmem>>) offsets(%dma_start3A_63 : memref<80xi32, #tpu.memory_space<vmem>>) semaphore(%arg12 : memref<!tpu.dma_semaphore, #tpu.memory_space<semaphore_mem>>)
      %dma_wait3A_67 = arith.constant 0 : i32
      %dma_wait3A_68 = arith.constant 0 : i32
      %dma_wait3A_69 = tpu.memref_slice %arg6[%dma_wait3A_67, %dma_wait3A_68] : memref<2x80xi32, #tpu.memory_space<vmem>> -> memref<1x80xi32, #tpu.memory_space<vmem>>
      %dma_wait3A_70 = tpu.memref_squeeze %dma_wait3A_69 : memref<1x80xi32, #tpu.memory_space<vmem>> -> memref<80xi32, #tpu.memory_space<vmem>>
      %dma_wait3A_71 = arith.constant 0 : i32
      %dma_wait3A_72 = arith.constant 0 : i32
      %dma_wait3A_73 = tpu.memref_slice %arg3[%dma_wait3A_71, %dma_wait3A_72] : memref<10000x128xf32, #tpu.memory_space<hbm>> -> memref<10000x128xf32, #tpu.memory_space<hbm>>
      tpu.wait_indirect_dma semaphore(%arg11 : memref<!tpu.dma_semaphore, #tpu.memory_space<semaphore_mem>>) src(%dma_wait3A_73 : memref<10000x128xf32, #tpu.memory_space<hbm>>) dst(%arg8 : memref<80x128xf32, #tpu.memory_space<vmem>>)
      %dma_start3A_74 = arith.constant 1 : i32
      %dma_start3A_75 = arith.constant 0 : i32
      %dma_start3A_76 = tpu.memref_slice %arg6[%dma_start3A_74, %dma_start3A_75] : memref<2x80xi32, #tpu.memory_space<vmem>> -> memref<1x80xi32, #tpu.memory_space<vmem>>
      %dma_start3A_77 = tpu.memref_squeeze %dma_start3A_76 : memref<1x80xi32, #tpu.memory_space<vmem>> -> memref<80xi32, #tpu.memory_space<vmem>>
      %dma_start3A_78 = arith.constant 0 : i32
      %dma_start3A_79 = arith.constant 0 : i32
      %dma_start3A_80 = tpu.memref_slice %arg10[%dma_start3A_78, %dma_start3A_79] : memref<10240x128xf32, #tpu.memory_space<vmem_shared>> -> memref<10240x128xf32, #tpu.memory_space<vmem_shared>>
      tpu.enqueue_indirect_dma source(%arg8 : memref<80x128xf32, #tpu.memory_space<vmem>>) target(%dma_start3A_80 : memref<10240x128xf32, #tpu.memory_space<vmem_shared>>) offsets(%dma_start3A_77 : memref<80xi32, #tpu.memory_space<vmem>>) semaphore(%arg13 : memref<!tpu.dma_semaphore, #tpu.memory_space<semaphore_mem>>) {add = true}
      %mul3A_81 = arith.constant 2 : i32
      %mul3A_82 = arith.muli %mul3A_81, %scan3A_48 : i32
      %add3A_83 = arith.constant 1 : i32
      %add3A_84 = arith.addi %mul3A_82, %add3A_83 : i32
      %ge3A_85 = arith.constant 1 : i32
      %ge3A_86 = arith.cmpi sge, %add3A_84, %ge3A_85 : i32
      %convert_element_type3A_87 = arith.extui %ge3A_86 : i1 to i32
      %cond3A_88 = arith.constant 0 : i32
      %cond3A_89 = arith.cmpi ne, %convert_element_type3A_87, %cond3A_88 : i32
      scf.if %cond3A_89 {
        %dma_wait3A_116 = arith.constant 1 : i32
        %dma_wait3A_117 = arith.constant 0 : i32
        %dma_wait3A_118 = tpu.memref_slice %arg6[%dma_wait3A_116, %dma_wait3A_117] : memref<2x80xi32, #tpu.memory_space<vmem>> -> memref<1x80xi32, #tpu.memory_space<vmem>>
        %dma_wait3A_119 = tpu.memref_squeeze %dma_wait3A_118 : memref<1x80xi32, #tpu.memory_space<vmem>> -> memref<80xi32, #tpu.memory_space<vmem>>
        %dma_wait3A_120 = arith.constant 0 : i32
        %dma_wait3A_121 = arith.constant 0 : i32
        %dma_wait3A_122 = tpu.memref_slice %arg10[%dma_wait3A_120, %dma_wait3A_121] : memref<10240x128xf32, #tpu.memory_space<vmem_shared>> -> memref<10240x128xf32, #tpu.memory_space<vmem_shared>>
        tpu.wait_indirect_dma semaphore(%arg13 : memref<!tpu.dma_semaphore, #tpu.memory_space<semaphore_mem>>) src(%arg8 : memref<80x128xf32, #tpu.memory_space<vmem>>) dst(%dma_wait3A_122 : memref<10240x128xf32, #tpu.memory_space<vmem_shared>>)
      } else {
      }
      %add3A_90 = arith.constant 1 : i32
      %add3A_91 = arith.addi %add3A_84, %add3A_90 : i32
      %mul3A_92 = arith.constant 32 : i32
      %mul3A_93 = arith.muli %mul3A_92, %add3A_91 : i32
      %add3A_94 = arith.addi %add3A, %mul3A_93 : i32
      "tpu.region"() ({
        %run_scoped3A = tpu.sem_alloc : memref<!tpu.dma_semaphore, #tpu.memory_space<semaphore_mem>>
        %dma_start3A_116 = arith.constant 0 : i32
        %dma_start3A_117 = arith.constant 0 : i32
        %dma_start3A_118 = tpu.memref_slice %arg2[%add3A_94, %dma_start3A_116, %dma_start3A_117] : memref<4000x2x80xi32, #tpu.memory_space<hbm>> -> memref<1x2x80xi32, #tpu.memory_space<hbm>>
        %dma_start3A_119 = tpu.memref_squeeze %dma_start3A_118 : memref<1x2x80xi32, #tpu.memory_space<hbm>> -> memref<2x80xi32, #tpu.memory_space<hbm>>
        %dma_start3A_120 = arith.constant 0 : i32
        %dma_start3A_121 = arith.constant 0 : i32
        %dma_start3A_122 = tpu.memref_slice %arg2[%add3A_94, %dma_start3A_120, %dma_start3A_121] : memref<4000x2x80xi32, #tpu.memory_space<hbm>> -> memref<1x2x80xi32, #tpu.memory_space<hbm>>
        %dma_start3A_123 = tpu.memref_squeeze %dma_start3A_122 : memref<1x2x80xi32, #tpu.memory_space<hbm>> -> memref<2x80xi32, #tpu.memory_space<hbm>>
        tpu.enqueue_dma source(%dma_start3A_123 : memref<2x80xi32, #tpu.memory_space<hbm>>) target(%arg6 : memref<2x80xi32, #tpu.memory_space<vmem>>) target_semaphore(%run_scoped3A : memref<!tpu.dma_semaphore, #tpu.memory_space<semaphore_mem>>)
        %dma_wait3A_124 = arith.constant 0 : i32
        %dma_wait3A_125 = arith.constant 0 : i32
        %dma_wait3A_126 = tpu.memref_slice %arg2[%add3A_94, %dma_wait3A_124, %dma_wait3A_125] : memref<4000x2x80xi32, #tpu.memory_space<hbm>> -> memref<1x2x80xi32, #tpu.memory_space<hbm>>
        %dma_wait3A_127 = tpu.memref_squeeze %dma_wait3A_126 : memref<1x2x80xi32, #tpu.memory_space<hbm>> -> memref<2x80xi32, #tpu.memory_space<hbm>>
        %dma_wait3A_128 = arith.constant 0 : i32
        %dma_wait3A_129 = arith.constant 0 : i32
        %dma_wait3A_130 = tpu.memref_slice %arg2[%add3A_94, %dma_wait3A_128, %dma_wait3A_129] : memref<4000x2x80xi32, #tpu.memory_space<hbm>> -> memref<1x2x80xi32, #tpu.memory_space<hbm>>
        %dma_wait3A_131 = tpu.memref_squeeze %dma_wait3A_130 : memref<1x2x80xi32, #tpu.memory_space<hbm>> -> memref<2x80xi32, #tpu.memory_space<hbm>>
        tpu.wait_dma2 semaphore(%run_scoped3A : memref<!tpu.dma_semaphore, #tpu.memory_space<semaphore_mem>>) src(%dma_wait3A_131 : memref<2x80xi32, #tpu.memory_space<hbm>>) dst(%arg6 : memref<2x80xi32, #tpu.memory_space<vmem>>)
        tpu.yield
      }) : () -> ()
      %dma_start3A_95 = arith.constant 0 : i32
      %dma_start3A_96 = arith.constant 0 : i32
      %dma_start3A_97 = tpu.memref_slice %arg6[%dma_start3A_95, %dma_start3A_96] : memref<2x80xi32, #tpu.memory_space<vmem>> -> memref<1x80xi32, #tpu.memory_space<vmem>>
      %dma_start3A_98 = tpu.memref_squeeze %dma_start3A_97 : memref<1x80xi32, #tpu.memory_space<vmem>> -> memref<80xi32, #tpu.memory_space<vmem>>
      %dma_start3A_99 = arith.constant 0 : i32
      %dma_start3A_100 = arith.constant 0 : i32
      %dma_start3A_101 = tpu.memref_slice %arg3[%dma_start3A_99, %dma_start3A_100] : memref<10000x128xf32, #tpu.memory_space<hbm>> -> memref<10000x128xf32, #tpu.memory_space<hbm>>
      tpu.enqueue_indirect_dma source(%dma_start3A_101 : memref<10000x128xf32, #tpu.memory_space<hbm>>) target(%arg8 : memref<80x128xf32, #tpu.memory_space<vmem>>) offsets(%dma_start3A_98 : memref<80xi32, #tpu.memory_space<vmem>>) semaphore(%arg11 : memref<!tpu.dma_semaphore, #tpu.memory_space<semaphore_mem>>)
      %dma_wait3A_102 = arith.constant 0 : i32
      %dma_wait3A_103 = arith.constant 0 : i32
      %dma_wait3A_104 = tpu.memref_slice %arg7[%dma_wait3A_102, %dma_wait3A_103] : memref<2x80xi32, #tpu.memory_space<vmem>> -> memref<1x80xi32, #tpu.memory_space<vmem>>
      %dma_wait3A_105 = tpu.memref_squeeze %dma_wait3A_104 : memref<1x80xi32, #tpu.memory_space<vmem>> -> memref<80xi32, #tpu.memory_space<vmem>>
      %dma_wait3A_106 = arith.constant 0 : i32
      %dma_wait3A_107 = arith.constant 0 : i32
      %dma_wait3A_108 = tpu.memref_slice %arg3[%dma_wait3A_106, %dma_wait3A_107] : memref<10000x128xf32, #tpu.memory_space<hbm>> -> memref<10000x128xf32, #tpu.memory_space<hbm>>
      tpu.wait_indirect_dma semaphore(%arg12 : memref<!tpu.dma_semaphore, #tpu.memory_space<semaphore_mem>>) src(%dma_wait3A_108 : memref<10000x128xf32, #tpu.memory_space<hbm>>) dst(%arg9 : memref<80x128xf32, #tpu.memory_space<vmem>>)
      %dma_start3A_109 = arith.constant 1 : i32
      %dma_start3A_110 = arith.constant 0 : i32
      %dma_start3A_111 = tpu.memref_slice %arg7[%dma_start3A_109, %dma_start3A_110] : memref<2x80xi32, #tpu.memory_space<vmem>> -> memref<1x80xi32, #tpu.memory_space<vmem>>
      %dma_start3A_112 = tpu.memref_squeeze %dma_start3A_111 : memref<1x80xi32, #tpu.memory_space<vmem>> -> memref<80xi32, #tpu.memory_space<vmem>>
      %dma_start3A_113 = arith.constant 0 : i32
      %dma_start3A_114 = arith.constant 0 : i32
      %dma_start3A_115 = tpu.memref_slice %arg10[%dma_start3A_113, %dma_start3A_114] : memref<10240x128xf32, #tpu.memory_space<vmem_shared>> -> memref<10240x128xf32, #tpu.memory_space<vmem_shared>>
      tpu.enqueue_indirect_dma source(%arg9 : memref<80x128xf32, #tpu.memory_space<vmem>>) target(%dma_start3A_115 : memref<10240x128xf32, #tpu.memory_space<vmem_shared>>) offsets(%dma_start3A_112 : memref<80xi32, #tpu.memory_space<vmem>>) semaphore(%arg14 : memref<!tpu.dma_semaphore, #tpu.memory_space<semaphore_mem>>) {add = true}
    }
    %scan3A_15 = arith.constant 62 : i32
    %dma_wait3A = arith.constant 1 : i32
    %dma_wait3A_16 = arith.constant 0 : i32
    %dma_wait3A_17 = tpu.memref_slice %arg7[%dma_wait3A, %dma_wait3A_16] : memref<2x80xi32, #tpu.memory_space<vmem>> -> memref<1x80xi32, #tpu.memory_space<vmem>>
    %dma_wait3A_18 = tpu.memref_squeeze %dma_wait3A_17 : memref<1x80xi32, #tpu.memory_space<vmem>> -> memref<80xi32, #tpu.memory_space<vmem>>
    %dma_wait3A_19 = arith.constant 0 : i32
    %dma_wait3A_20 = arith.constant 0 : i32
    %dma_wait3A_21 = tpu.memref_slice %arg10[%dma_wait3A_19, %dma_wait3A_20] : memref<10240x128xf32, #tpu.memory_space<vmem_shared>> -> memref<10240x128xf32, #tpu.memory_space<vmem_shared>>
    tpu.wait_indirect_dma semaphore(%arg14 : memref<!tpu.dma_semaphore, #tpu.memory_space<semaphore_mem>>) src(%arg9 : memref<80x128xf32, #tpu.memory_space<vmem>>) dst(%dma_wait3A_21 : memref<10240x128xf32, #tpu.memory_space<vmem_shared>>)
    %dma_wait3A_22 = arith.constant 0 : i32
    %dma_wait3A_23 = arith.constant 0 : i32
    %dma_wait3A_24 = tpu.memref_slice %arg6[%dma_wait3A_22, %dma_wait3A_23] : memref<2x80xi32, #tpu.memory_space<vmem>> -> memref<1x80xi32, #tpu.memory_space<vmem>>
    %dma_wait3A_25 = tpu.memref_squeeze %dma_wait3A_24 : memref<1x80xi32, #tpu.memory_space<vmem>> -> memref<80xi32, #tpu.memory_space<vmem>>
    %dma_wait3A_26 = arith.constant 0 : i32
    %dma_wait3A_27 = arith.constant 0 : i32
    %dma_wait3A_28 = tpu.memref_slice %arg3[%dma_wait3A_26, %dma_wait3A_27] : memref<10000x128xf32, #tpu.memory_space<hbm>> -> memref<10000x128xf32, #tpu.memory_space<hbm>>
    tpu.wait_indirect_dma semaphore(%arg11 : memref<!tpu.dma_semaphore, #tpu.memory_space<semaphore_mem>>) src(%dma_wait3A_28 : memref<10000x128xf32, #tpu.memory_space<hbm>>) dst(%arg8 : memref<80x128xf32, #tpu.memory_space<vmem>>)
    %dma_start3A_29 = arith.constant 1 : i32
    %dma_start3A_30 = arith.constant 0 : i32
    %dma_start3A_31 = tpu.memref_slice %arg6[%dma_start3A_29, %dma_start3A_30] : memref<2x80xi32, #tpu.memory_space<vmem>> -> memref<1x80xi32, #tpu.memory_space<vmem>>
    %dma_start3A_32 = tpu.memref_squeeze %dma_start3A_31 : memref<1x80xi32, #tpu.memory_space<vmem>> -> memref<80xi32, #tpu.memory_space<vmem>>
    %dma_start3A_33 = arith.constant 0 : i32
    %dma_start3A_34 = arith.constant 0 : i32
    %dma_start3A_35 = tpu.memref_slice %arg10[%dma_start3A_33, %dma_start3A_34] : memref<10240x128xf32, #tpu.memory_space<vmem_shared>> -> memref<10240x128xf32, #tpu.memory_space<vmem_shared>>
    tpu.enqueue_indirect_dma source(%arg8 : memref<80x128xf32, #tpu.memory_space<vmem>>) target(%dma_start3A_35 : memref<10240x128xf32, #tpu.memory_space<vmem_shared>>) offsets(%dma_start3A_32 : memref<80xi32, #tpu.memory_space<vmem>>) semaphore(%arg13 : memref<!tpu.dma_semaphore, #tpu.memory_space<semaphore_mem>>) {add = true}
    %dma_wait3A_36 = arith.constant 1 : i32
    %dma_wait3A_37 = arith.constant 0 : i32
    %dma_wait3A_38 = tpu.memref_slice %arg6[%dma_wait3A_36, %dma_wait3A_37] : memref<2x80xi32, #tpu.memory_space<vmem>> -> memref<1x80xi32, #tpu.memory_space<vmem>>
    %dma_wait3A_39 = tpu.memref_squeeze %dma_wait3A_38 : memref<1x80xi32, #tpu.memory_space<vmem>> -> memref<80xi32, #tpu.memory_space<vmem>>
    %dma_wait3A_40 = arith.constant 0 : i32
    %dma_wait3A_41 = arith.constant 0 : i32
    %dma_wait3A_42 = tpu.memref_slice %arg10[%dma_wait3A_40, %dma_wait3A_41] : memref<10240x128xf32, #tpu.memory_space<vmem_shared>> -> memref<10240x128xf32, #tpu.memory_space<vmem_shared>>
    tpu.wait_indirect_dma semaphore(%arg13 : memref<!tpu.dma_semaphore, #tpu.memory_space<semaphore_mem>>) src(%arg8 : memref<80x128xf32, #tpu.memory_space<vmem>>) dst(%dma_wait3A_42 : memref<10240x128xf32, #tpu.memory_space<vmem_shared>>)
    %barrier3A_43 = arith.constant 0 : index
    tpu.barrier barrier_id(%barrier3A_43)
    %mul3A_44 = arith.constant 640 : i32
    %mul3A_45 = arith.muli %arg1, %mul3A_44 : i32
    %mul3A_46 = arith.constant 640 : i32
    %mul3A_47 = arith.muli %arg1, %mul3A_46 : i32
    "tpu.region"() ({
      %run_scoped3A = tpu.sem_alloc : memref<!tpu.dma_semaphore, #tpu.memory_space<semaphore_mem>>
      %dma_start3A_48 = arith.constant 0 : i32
      %dma_start3A_49 = tpu.memref_slice %arg5[%arg0, %mul3A_47, %dma_start3A_48] : memref<2x10240x128xf32, #tpu.memory_space<hbm>> -> memref<1x640x128xf32, #tpu.memory_space<hbm>>
      %dma_start3A_50 = tpu.memref_squeeze %dma_start3A_49 : memref<1x640x128xf32, #tpu.memory_space<hbm>> -> memref<640x128xf32, #tpu.memory_space<hbm>>
      %dma_start3A_51 = arith.constant 0 : i32
      %dma_start3A_52 = tpu.memref_slice %arg10[%mul3A_45, %dma_start3A_51] : memref<10240x128xf32, #tpu.memory_space<vmem_shared>> -> memref<640x128xf32, #tpu.memory_space<vmem_shared>>
      tpu.enqueue_dma source(%dma_start3A_52 : memref<640x128xf32, #tpu.memory_space<vmem_shared>>) target(%dma_start3A_50 : memref<640x128xf32, #tpu.memory_space<hbm>>) target_semaphore(%run_scoped3A : memref<!tpu.dma_semaphore, #tpu.memory_space<semaphore_mem>>)
      %dma_wait3A_53 = arith.constant 0 : i32
      %dma_wait3A_54 = tpu.memref_slice %arg5[%arg0, %mul3A_47, %dma_wait3A_53] : memref<2x10240x128xf32, #tpu.memory_space<hbm>> -> memref<1x640x128xf32, #tpu.memory_space<hbm>>
      %dma_wait3A_55 = tpu.memref_squeeze %dma_wait3A_54 : memref<1x640x128xf32, #tpu.memory_space<hbm>> -> memref<640x128xf32, #tpu.memory_space<hbm>>
      %dma_wait3A_56 = arith.constant 0 : i32
      %dma_wait3A_57 = tpu.memref_slice %arg10[%mul3A_45, %dma_wait3A_56] : memref<10240x128xf32, #tpu.memory_space<vmem_shared>> -> memref<640x128xf32, #tpu.memory_space<vmem_shared>>
      tpu.wait_dma2 semaphore(%run_scoped3A : memref<!tpu.dma_semaphore, #tpu.memory_space<semaphore_mem>>) src(%dma_wait3A_57 : memref<640x128xf32, #tpu.memory_space<vmem_shared>>) dst(%dma_wait3A_55 : memref<640x128xf32, #tpu.memory_space<hbm>>)
      tpu.yield
    }) : () -> ()
    return
  }
}

#map = affine_map<(d0, d1) -> (0)>
#map1 = affine_map<(d0, d1) -> (0, 0)>
#map2 = affine_map<(d0, d1) -> (0, 0, 0)>
module attributes {stable_mosaic.version = 14 : i64} {
  func.func @_embed_deg_kernel(%arg0: i32, %arg1: i32, %arg2: memref<10000xi32, #tpu.memory_space<hbm>>, %arg3: memref<320000xi32, #tpu.memory_space<hbm>>, %arg4: memref<100000x128xf32, #tpu.memory_space<hbm>>, %arg5: memref<80x128xf32, #tpu.memory_space<hbm>>, %arg6: memref<640x128xf32, #tpu.memory_space<hbm>>, %arg7: memref<10000x128xf32, #tpu.memory_space<hbm>>, %arg8: memref<2x10240x128xf32, #tpu.memory_space<hbm>>, %arg9: memref<80xi32, #tpu.memory_space<vmem>>, %arg10: memref<80x128xf32, #tpu.memory_space<vmem>>, %arg11: memref<80xi32, #tpu.memory_space<vmem>>, %arg12: memref<80xi32, #tpu.memory_space<vmem>>, %arg13: memref<80x128xf32, #tpu.memory_space<vmem>>, %arg14: memref<10240x128xf32, #tpu.memory_space<vmem_shared>>, %arg15: memref<!tpu.dma_semaphore, #tpu.memory_space<semaphore_mem>>, %arg16: memref<!tpu.dma_semaphore, #tpu.memory_space<semaphore_mem>>, %arg17: memref<!tpu.dma_semaphore, #tpu.memory_space<semaphore_mem>>) attributes {dimension_semantics = [#tpu.dimension_semantics<core_parallel>, #tpu.dimension_semantics<subcore_parallel>], iteration_bounds = array<i64: 2, 16>, scalar_prefetch = 0 : i64, scratch_operands = 9 : i64, tpu.core_type = #tpu.core_type<sc_vector_subcore>, window_params = [{transform_indices = #map}, {transform_indices = #map}, {transform_indices = #map1}, {transform_indices = #map1}, {transform_indices = #map1}, {transform_indices = #map1}, {transform_indices = #map2}]} {
    %mul3A = arith.constant 2 : i32
    %mul3A_0 = arith.muli %arg1, %mul3A : i32
    %add3A = arith.addi %mul3A_0, %arg0 : i32
    %mul3A_1 = arith.constant 640 : i32
    %mul3A_2 = arith.muli %arg1, %mul3A_1 : i32
    "tpu.region"() ({
      %run_scoped3A = tpu.sem_alloc : memref<!tpu.dma_semaphore, #tpu.memory_space<semaphore_mem>>
      %dma_start3A_30 = arith.constant 0 : i32
      %dma_start3A_31 = tpu.memref_slice %arg14[%mul3A_2, %dma_start3A_30] : memref<10240x128xf32, #tpu.memory_space<vmem_shared>> -> memref<640x128xf32, #tpu.memory_space<vmem_shared>>
      tpu.enqueue_dma source(%arg6 : memref<640x128xf32, #tpu.memory_space<hbm>>) target(%dma_start3A_31 : memref<640x128xf32, #tpu.memory_space<vmem_shared>>) target_semaphore(%run_scoped3A : memref<!tpu.dma_semaphore, #tpu.memory_space<semaphore_mem>>)
      %dma_wait3A_32 = arith.constant 0 : i32
      %dma_wait3A_33 = tpu.memref_slice %arg14[%mul3A_2, %dma_wait3A_32] : memref<10240x128xf32, #tpu.memory_space<vmem_shared>> -> memref<640x128xf32, #tpu.memory_space<vmem_shared>>
      tpu.wait_dma2 semaphore(%run_scoped3A : memref<!tpu.dma_semaphore, #tpu.memory_space<semaphore_mem>>) src(%arg6 : memref<640x128xf32, #tpu.memory_space<hbm>>) dst(%dma_wait3A_33 : memref<640x128xf32, #tpu.memory_space<vmem_shared>>)
      tpu.yield
    }) : () -> ()
    "tpu.region"() ({
      %run_scoped3A = tpu.sem_alloc : memref<!tpu.dma_semaphore, #tpu.memory_space<semaphore_mem>>
      tpu.enqueue_dma source(%arg5 : memref<80x128xf32, #tpu.memory_space<hbm>>) target(%arg13 : memref<80x128xf32, #tpu.memory_space<vmem>>) target_semaphore(%run_scoped3A : memref<!tpu.dma_semaphore, #tpu.memory_space<semaphore_mem>>)
      tpu.wait_dma2 semaphore(%run_scoped3A : memref<!tpu.dma_semaphore, #tpu.memory_space<semaphore_mem>>) src(%arg5 : memref<80x128xf32, #tpu.memory_space<hbm>>) dst(%arg13 : memref<80x128xf32, #tpu.memory_space<vmem>>)
      tpu.yield
    }) : () -> ()
    %barrier3A = arith.constant 0 : index
    tpu.barrier barrier_id(%barrier3A)
    %scan3A = arith.constant 0 : i32
    %scan3A_3 = arith.constant 0 : i32
    %scan3A_4 = arith.constant 4 : i32
    %scan3A_5 = arith.addi %scan3A_3, %scan3A_4 : i32
    %scan3A_6 = arith.constant 1 : i32
    scf.for %scan3A_30 = %scan3A_3 to %scan3A_5 step %scan3A_6  : i32 {
      %mul3A_31 = arith.constant 32 : i32
      %mul3A_32 = arith.muli %mul3A_31, %scan3A_30 : i32
      %add3A_33 = arith.addi %add3A, %mul3A_32 : i32
      %lt3A = arith.constant 125 : i32
      %lt3A_34 = arith.cmpi slt, %add3A_33, %lt3A : i32
      %convert_element_type3A = arith.extui %lt3A_34 : i1 to i32
      %cond3A = arith.constant 0 : i32
      %cond3A_35 = arith.cmpi ne, %convert_element_type3A, %cond3A : i32
      scf.if %cond3A_35 {
        %mul3A_36 = arith.constant 80 : i32
        %mul3A_37 = arith.muli %add3A_33, %mul3A_36 : i32
        "tpu.region"() ({
          %run_scoped3A = tpu.sem_alloc : memref<!tpu.dma_semaphore, #tpu.memory_space<semaphore_mem>>
          %dma_start3A_46 = tpu.memref_slice %arg2[%mul3A_37] : memref<10000xi32, #tpu.memory_space<hbm>> -> memref<80xi32, #tpu.memory_space<hbm>>
          %dma_start3A_47 = tpu.memref_slice %arg2[%mul3A_37] : memref<10000xi32, #tpu.memory_space<hbm>> -> memref<80xi32, #tpu.memory_space<hbm>>
          tpu.enqueue_dma source(%dma_start3A_47 : memref<80xi32, #tpu.memory_space<hbm>>) target(%arg9 : memref<80xi32, #tpu.memory_space<vmem>>) target_semaphore(%run_scoped3A : memref<!tpu.dma_semaphore, #tpu.memory_space<semaphore_mem>>)
          %dma_wait3A_48 = tpu.memref_slice %arg2[%mul3A_37] : memref<10000xi32, #tpu.memory_space<hbm>> -> memref<80xi32, #tpu.memory_space<hbm>>
          %dma_wait3A_49 = tpu.memref_slice %arg2[%mul3A_37] : memref<10000xi32, #tpu.memory_space<hbm>> -> memref<80xi32, #tpu.memory_space<hbm>>
          tpu.wait_dma2 semaphore(%run_scoped3A : memref<!tpu.dma_semaphore, #tpu.memory_space<semaphore_mem>>) src(%dma_wait3A_49 : memref<80xi32, #tpu.memory_space<hbm>>) dst(%arg9 : memref<80xi32, #tpu.memory_space<vmem>>)
          tpu.yield
        }) : () -> ()
        %dma_start3A_38 = arith.constant 0 : i32
        %dma_start3A_39 = arith.constant 0 : i32
        %dma_start3A_40 = tpu.memref_slice %arg4[%dma_start3A_38, %dma_start3A_39] : memref<100000x128xf32, #tpu.memory_space<hbm>> -> memref<100000x128xf32, #tpu.memory_space<hbm>>
        tpu.enqueue_indirect_dma source(%dma_start3A_40 : memref<100000x128xf32, #tpu.memory_space<hbm>>) target(%arg10 : memref<80x128xf32, #tpu.memory_space<vmem>>) offsets(%arg9 : memref<80xi32, #tpu.memory_space<vmem>>) semaphore(%arg15 : memref<!tpu.dma_semaphore, #tpu.memory_space<semaphore_mem>>)
        %dma_wait3A_41 = arith.constant 0 : i32
        %dma_wait3A_42 = arith.constant 0 : i32
        %dma_wait3A_43 = tpu.memref_slice %arg4[%dma_wait3A_41, %dma_wait3A_42] : memref<100000x128xf32, #tpu.memory_space<hbm>> -> memref<100000x128xf32, #tpu.memory_space<hbm>>
        tpu.wait_indirect_dma semaphore(%arg15 : memref<!tpu.dma_semaphore, #tpu.memory_space<semaphore_mem>>) src(%dma_wait3A_43 : memref<100000x128xf32, #tpu.memory_space<hbm>>) dst(%arg10 : memref<80x128xf32, #tpu.memory_space<vmem>>)
        %mul3A_44 = arith.constant 80 : i32
        %mul3A_45 = arith.muli %add3A_33, %mul3A_44 : i32
        "tpu.region"() ({
          %run_scoped3A = tpu.sem_alloc : memref<!tpu.dma_semaphore, #tpu.memory_space<semaphore_mem>>
          %dma_start3A_46 = arith.constant 0 : i32
          %dma_start3A_47 = tpu.memref_slice %arg7[%mul3A_45, %dma_start3A_46] : memref<10000x128xf32, #tpu.memory_space<hbm>> -> memref<80x128xf32, #tpu.memory_space<hbm>>
          %dma_start3A_48 = arith.constant 0 : i32
          %dma_start3A_49 = tpu.memref_slice %arg7[%mul3A_45, %dma_start3A_48] : memref<10000x128xf32, #tpu.memory_space<hbm>> -> memref<80x128xf32, #tpu.memory_space<hbm>>
          tpu.enqueue_dma source(%arg10 : memref<80x128xf32, #tpu.memory_space<vmem>>) target(%dma_start3A_49 : memref<80x128xf32, #tpu.memory_space<hbm>>) target_semaphore(%run_scoped3A : memref<!tpu.dma_semaphore, #tpu.memory_space<semaphore_mem>>)
          %dma_wait3A_50 = arith.constant 0 : i32
          %dma_wait3A_51 = tpu.memref_slice %arg7[%mul3A_45, %dma_wait3A_50] : memref<10000x128xf32, #tpu.memory_space<hbm>> -> memref<80x128xf32, #tpu.memory_space<hbm>>
          %dma_wait3A_52 = arith.constant 0 : i32
          %dma_wait3A_53 = tpu.memref_slice %arg7[%mul3A_45, %dma_wait3A_52] : memref<10000x128xf32, #tpu.memory_space<hbm>> -> memref<80x128xf32, #tpu.memory_space<hbm>>
          tpu.wait_dma2 semaphore(%run_scoped3A : memref<!tpu.dma_semaphore, #tpu.memory_space<semaphore_mem>>) src(%arg10 : memref<80x128xf32, #tpu.memory_space<vmem>>) dst(%dma_wait3A_53 : memref<80x128xf32, #tpu.memory_space<hbm>>)
          tpu.yield
        }) : () -> ()
      } else {
      }
    }
    %scan3A_7 = arith.constant 4 : i32
    %add3A_8 = arith.constant 0 : i32
    %add3A_9 = arith.addi %add3A, %add3A_8 : i32
    %mul3A_10 = arith.constant 80 : i32
    %mul3A_11 = arith.muli %add3A_9, %mul3A_10 : i32
    "tpu.region"() ({
      %run_scoped3A = tpu.sem_alloc : memref<!tpu.dma_semaphore, #tpu.memory_space<semaphore_mem>>
      %dma_start3A_30 = tpu.memref_slice %arg3[%mul3A_11] : memref<320000xi32, #tpu.memory_space<hbm>> -> memref<80xi32, #tpu.memory_space<hbm>>
      %dma_start3A_31 = tpu.memref_slice %arg3[%mul3A_11] : memref<320000xi32, #tpu.memory_space<hbm>> -> memref<80xi32, #tpu.memory_space<hbm>>
      tpu.enqueue_dma source(%dma_start3A_31 : memref<80xi32, #tpu.memory_space<hbm>>) target(%arg11 : memref<80xi32, #tpu.memory_space<vmem>>) target_semaphore(%run_scoped3A : memref<!tpu.dma_semaphore, #tpu.memory_space<semaphore_mem>>)
      %dma_wait3A_32 = tpu.memref_slice %arg3[%mul3A_11] : memref<320000xi32, #tpu.memory_space<hbm>> -> memref<80xi32, #tpu.memory_space<hbm>>
      %dma_wait3A_33 = tpu.memref_slice %arg3[%mul3A_11] : memref<320000xi32, #tpu.memory_space<hbm>> -> memref<80xi32, #tpu.memory_space<hbm>>
      tpu.wait_dma2 semaphore(%run_scoped3A : memref<!tpu.dma_semaphore, #tpu.memory_space<semaphore_mem>>) src(%dma_wait3A_33 : memref<80xi32, #tpu.memory_space<hbm>>) dst(%arg11 : memref<80xi32, #tpu.memory_space<vmem>>)
      tpu.yield
    }) : () -> ()
    %dma_start3A = arith.constant 0 : i32
    %dma_start3A_12 = arith.constant 0 : i32
    %dma_start3A_13 = tpu.memref_slice %arg14[%dma_start3A, %dma_start3A_12] : memref<10240x128xf32, #tpu.memory_space<vmem_shared>> -> memref<10240x128xf32, #tpu.memory_space<vmem_shared>>
    tpu.enqueue_indirect_dma source(%arg13 : memref<80x128xf32, #tpu.memory_space<vmem>>) target(%dma_start3A_13 : memref<10240x128xf32, #tpu.memory_space<vmem_shared>>) offsets(%arg11 : memref<80xi32, #tpu.memory_space<vmem>>) semaphore(%arg16 : memref<!tpu.dma_semaphore, #tpu.memory_space<semaphore_mem>>) {add = true}
    %scan3A_14 = arith.constant 0 : i32
    %scan3A_15 = arith.constant 0 : i32
    %scan3A_16 = arith.constant 62 : i32
    %scan3A_17 = arith.addi %scan3A_15, %scan3A_16 : i32
    %scan3A_18 = arith.constant 1 : i32
    scf.for %scan3A_30 = %scan3A_15 to %scan3A_17 step %scan3A_18  : i32 {
      %mul3A_31 = arith.constant 2 : i32
      %mul3A_32 = arith.muli %mul3A_31, %scan3A_30 : i32
      %add3A_33 = arith.constant 0 : i32
      %add3A_34 = arith.addi %mul3A_32, %add3A_33 : i32
      %ge3A = arith.constant 1 : i32
      %ge3A_35 = arith.cmpi sge, %add3A_34, %ge3A : i32
      %convert_element_type3A = arith.extui %ge3A_35 : i1 to i32
      %cond3A = arith.constant 0 : i32
      %cond3A_36 = arith.cmpi ne, %convert_element_type3A, %cond3A : i32
      scf.if %cond3A_36 {
        %dma_wait3A_66 = arith.constant 0 : i32
        %dma_wait3A_67 = arith.constant 0 : i32
        %dma_wait3A_68 = tpu.memref_slice %arg14[%dma_wait3A_66, %dma_wait3A_67] : memref<10240x128xf32, #tpu.memory_space<vmem_shared>> -> memref<10240x128xf32, #tpu.memory_space<vmem_shared>>
        tpu.wait_indirect_dma semaphore(%arg17 : memref<!tpu.dma_semaphore, #tpu.memory_space<semaphore_mem>>) src(%arg13 : memref<80x128xf32, #tpu.memory_space<vmem>>) dst(%dma_wait3A_68 : memref<10240x128xf32, #tpu.memory_space<vmem_shared>>)
      } else {
      }
      %add3A_37 = arith.constant 1 : i32
      %add3A_38 = arith.addi %add3A_34, %add3A_37 : i32
      %mul3A_39 = arith.constant 32 : i32
      %mul3A_40 = arith.muli %mul3A_39, %add3A_38 : i32
      %add3A_41 = arith.addi %add3A, %mul3A_40 : i32
      %mul3A_42 = arith.constant 80 : i32
      %mul3A_43 = arith.muli %add3A_41, %mul3A_42 : i32
      "tpu.region"() ({
        %run_scoped3A = tpu.sem_alloc : memref<!tpu.dma_semaphore, #tpu.memory_space<semaphore_mem>>
        %dma_start3A_66 = tpu.memref_slice %arg3[%mul3A_43] : memref<320000xi32, #tpu.memory_space<hbm>> -> memref<80xi32, #tpu.memory_space<hbm>>
        %dma_start3A_67 = tpu.memref_slice %arg3[%mul3A_43] : memref<320000xi32, #tpu.memory_space<hbm>> -> memref<80xi32, #tpu.memory_space<hbm>>
        tpu.enqueue_dma source(%dma_start3A_67 : memref<80xi32, #tpu.memory_space<hbm>>) target(%arg12 : memref<80xi32, #tpu.memory_space<vmem>>) target_semaphore(%run_scoped3A : memref<!tpu.dma_semaphore, #tpu.memory_space<semaphore_mem>>)
        %dma_wait3A_68 = tpu.memref_slice %arg3[%mul3A_43] : memref<320000xi32, #tpu.memory_space<hbm>> -> memref<80xi32, #tpu.memory_space<hbm>>
        %dma_wait3A_69 = tpu.memref_slice %arg3[%mul3A_43] : memref<320000xi32, #tpu.memory_space<hbm>> -> memref<80xi32, #tpu.memory_space<hbm>>
        tpu.wait_dma2 semaphore(%run_scoped3A : memref<!tpu.dma_semaphore, #tpu.memory_space<semaphore_mem>>) src(%dma_wait3A_69 : memref<80xi32, #tpu.memory_space<hbm>>) dst(%arg12 : memref<80xi32, #tpu.memory_space<vmem>>)
        tpu.yield
      }) : () -> ()
      %dma_start3A_44 = arith.constant 0 : i32
      %dma_start3A_45 = arith.constant 0 : i32
      %dma_start3A_46 = tpu.memref_slice %arg14[%dma_start3A_44, %dma_start3A_45] : memref<10240x128xf32, #tpu.memory_space<vmem_shared>> -> memref<10240x128xf32, #tpu.memory_space<vmem_shared>>
      tpu.enqueue_indirect_dma source(%arg13 : memref<80x128xf32, #tpu.memory_space<vmem>>) target(%dma_start3A_46 : memref<10240x128xf32, #tpu.memory_space<vmem_shared>>) offsets(%arg12 : memref<80xi32, #tpu.memory_space<vmem>>) semaphore(%arg17 : memref<!tpu.dma_semaphore, #tpu.memory_space<semaphore_mem>>) {add = true}
      %mul3A_47 = arith.constant 2 : i32
      %mul3A_48 = arith.muli %mul3A_47, %scan3A_30 : i32
      %add3A_49 = arith.constant 1 : i32
      %add3A_50 = arith.addi %mul3A_48, %add3A_49 : i32
      %ge3A_51 = arith.constant 1 : i32
      %ge3A_52 = arith.cmpi sge, %add3A_50, %ge3A_51 : i32
      %convert_element_type3A_53 = arith.extui %ge3A_52 : i1 to i32
      %cond3A_54 = arith.constant 0 : i32
      %cond3A_55 = arith.cmpi ne, %convert_element_type3A_53, %cond3A_54 : i32
      scf.if %cond3A_55 {
        %dma_wait3A_66 = arith.constant 0 : i32
        %dma_wait3A_67 = arith.constant 0 : i32
        %dma_wait3A_68 = tpu.memref_slice %arg14[%dma_wait3A_66, %dma_wait3A_67] : memref<10240x128xf32, #tpu.memory_space<vmem_shared>> -> memref<10240x128xf32, #tpu.memory_space<vmem_shared>>
        tpu.wait_indirect_dma semaphore(%arg16 : memref<!tpu.dma_semaphore, #tpu.memory_space<semaphore_mem>>) src(%arg13 : memref<80x128xf32, #tpu.memory_space<vmem>>) dst(%dma_wait3A_68 : memref<10240x128xf32, #tpu.memory_space<vmem_shared>>)
      } else {
      }
      %add3A_56 = arith.constant 1 : i32
      %add3A_57 = arith.addi %add3A_50, %add3A_56 : i32
      %mul3A_58 = arith.constant 32 : i32
      %mul3A_59 = arith.muli %mul3A_58, %add3A_57 : i32
      %add3A_60 = arith.addi %add3A, %mul3A_59 : i32
      %mul3A_61 = arith.constant 80 : i32
      %mul3A_62 = arith.muli %add3A_60, %mul3A_61 : i32
      "tpu.region"() ({
        %run_scoped3A = tpu.sem_alloc : memref<!tpu.dma_semaphore, #tpu.memory_space<semaphore_mem>>
        %dma_start3A_66 = tpu.memref_slice %arg3[%mul3A_62] : memref<320000xi32, #tpu.memory_space<hbm>> -> memref<80xi32, #tpu.memory_space<hbm>>
        %dma_start3A_67 = tpu.memref_slice %arg3[%mul3A_62] : memref<320000xi32, #tpu.memory_space<hbm>> -> memref<80xi32, #tpu.memory_space<hbm>>
        tpu.enqueue_dma source(%dma_start3A_67 : memref<80xi32, #tpu.memory_space<hbm>>) target(%arg11 : memref<80xi32, #tpu.memory_space<vmem>>) target_semaphore(%run_scoped3A : memref<!tpu.dma_semaphore, #tpu.memory_space<semaphore_mem>>)
        %dma_wait3A_68 = tpu.memref_slice %arg3[%mul3A_62] : memref<320000xi32, #tpu.memory_space<hbm>> -> memref<80xi32, #tpu.memory_space<hbm>>
        %dma_wait3A_69 = tpu.memref_slice %arg3[%mul3A_62] : memref<320000xi32, #tpu.memory_space<hbm>> -> memref<80xi32, #tpu.memory_space<hbm>>
        tpu.wait_dma2 semaphore(%run_scoped3A : memref<!tpu.dma_semaphore, #tpu.memory_space<semaphore_mem>>) src(%dma_wait3A_69 : memref<80xi32, #tpu.memory_space<hbm>>) dst(%arg11 : memref<80xi32, #tpu.memory_space<vmem>>)
        tpu.yield
      }) : () -> ()
      %dma_start3A_63 = arith.constant 0 : i32
      %dma_start3A_64 = arith.constant 0 : i32
      %dma_start3A_65 = tpu.memref_slice %arg14[%dma_start3A_63, %dma_start3A_64] : memref<10240x128xf32, #tpu.memory_space<vmem_shared>> -> memref<10240x128xf32, #tpu.memory_space<vmem_shared>>
      tpu.enqueue_indirect_dma source(%arg13 : memref<80x128xf32, #tpu.memory_space<vmem>>) target(%dma_start3A_65 : memref<10240x128xf32, #tpu.memory_space<vmem_shared>>) offsets(%arg11 : memref<80xi32, #tpu.memory_space<vmem>>) semaphore(%arg16 : memref<!tpu.dma_semaphore, #tpu.memory_space<semaphore_mem>>) {add = true}
    }
    %scan3A_19 = arith.constant 62 : i32
    %dma_wait3A = arith.constant 0 : i32
    %dma_wait3A_20 = arith.constant 0 : i32
    %dma_wait3A_21 = tpu.memref_slice %arg14[%dma_wait3A, %dma_wait3A_20] : memref<10240x128xf32, #tpu.memory_space<vmem_shared>> -> memref<10240x128xf32, #tpu.memory_space<vmem_shared>>
    tpu.wait_indirect_dma semaphore(%arg17 : memref<!tpu.dma_semaphore, #tpu.memory_space<semaphore_mem>>) src(%arg13 : memref<80x128xf32, #tpu.memory_space<vmem>>) dst(%dma_wait3A_21 : memref<10240x128xf32, #tpu.memory_space<vmem_shared>>)
    %dma_wait3A_22 = arith.constant 0 : i32
    %dma_wait3A_23 = arith.constant 0 : i32
    %dma_wait3A_24 = tpu.memref_slice %arg14[%dma_wait3A_22, %dma_wait3A_23] : memref<10240x128xf32, #tpu.memory_space<vmem_shared>> -> memref<10240x128xf32, #tpu.memory_space<vmem_shared>>
    tpu.wait_indirect_dma semaphore(%arg16 : memref<!tpu.dma_semaphore, #tpu.memory_space<semaphore_mem>>) src(%arg13 : memref<80x128xf32, #tpu.memory_space<vmem>>) dst(%dma_wait3A_24 : memref<10240x128xf32, #tpu.memory_space<vmem_shared>>)
    %barrier3A_25 = arith.constant 0 : index
    tpu.barrier barrier_id(%barrier3A_25)
    %mul3A_26 = arith.constant 640 : i32
    %mul3A_27 = arith.muli %arg1, %mul3A_26 : i32
    %mul3A_28 = arith.constant 640 : i32
    %mul3A_29 = arith.muli %arg1, %mul3A_28 : i32
    "tpu.region"() ({
      %run_scoped3A = tpu.sem_alloc : memref<!tpu.dma_semaphore, #tpu.memory_space<semaphore_mem>>
      %dma_start3A_30 = arith.constant 0 : i32
      %dma_start3A_31 = tpu.memref_slice %arg8[%arg0, %mul3A_29, %dma_start3A_30] : memref<2x10240x128xf32, #tpu.memory_space<hbm>> -> memref<1x640x128xf32, #tpu.memory_space<hbm>>
      %dma_start3A_32 = tpu.memref_squeeze %dma_start3A_31 : memref<1x640x128xf32, #tpu.memory_space<hbm>> -> memref<640x128xf32, #tpu.memory_space<hbm>>
      %dma_start3A_33 = arith.constant 0 : i32
      %dma_start3A_34 = tpu.memref_slice %arg14[%mul3A_27, %dma_start3A_33] : memref<10240x128xf32, #tpu.memory_space<vmem_shared>> -> memref<640x128xf32, #tpu.memory_space<vmem_shared>>
      tpu.enqueue_dma source(%dma_start3A_34 : memref<640x128xf32, #tpu.memory_space<vmem_shared>>) target(%dma_start3A_32 : memref<640x128xf32, #tpu.memory_space<hbm>>) target_semaphore(%run_scoped3A : memref<!tpu.dma_semaphore, #tpu.memory_space<semaphore_mem>>)
      %dma_wait3A_35 = arith.constant 0 : i32
      %dma_wait3A_36 = tpu.memref_slice %arg8[%arg0, %mul3A_29, %dma_wait3A_35] : memref<2x10240x128xf32, #tpu.memory_space<hbm>> -> memref<1x640x128xf32, #tpu.memory_space<hbm>>
      %dma_wait3A_37 = tpu.memref_squeeze %dma_wait3A_36 : memref<1x640x128xf32, #tpu.memory_space<hbm>> -> memref<640x128xf32, #tpu.memory_space<hbm>>
      %dma_wait3A_38 = arith.constant 0 : i32
      %dma_wait3A_39 = tpu.memref_slice %arg14[%mul3A_27, %dma_wait3A_38] : memref<10240x128xf32, #tpu.memory_space<vmem_shared>> -> memref<640x128xf32, #tpu.memory_space<vmem_shared>>
      tpu.wait_dma2 semaphore(%run_scoped3A : memref<!tpu.dma_semaphore, #tpu.memory_space<semaphore_mem>>) src(%dma_wait3A_39 : memref<640x128xf32, #tpu.memory_space<vmem_shared>>) dst(%dma_wait3A_37 : memref<640x128xf32, #tpu.memory_space<hbm>>)
      tpu.yield
    }) : () -> ()
    return
  }
}

module attributes {stable_mosaic.version = 14 : i64} {
  func.func @_proj1_body(%arg0: i32, %arg1: memref<2000x128xf32, #tpu.memory_space<vmem>>, %arg2: memref<128x128xf32, #tpu.memory_space<vmem>>, %arg3: memref<2x2000x128xf32, #tpu.memory_space<vmem>>, %arg4: memref<2000x128xf32, #tpu.memory_space<vmem>>, %arg5: memref<2000x1xf32, #tpu.memory_space<vmem>>) attributes {dimension_semantics = [#tpu.dimension_semantics<arbitrary>], iteration_bounds = array<i64: 5>, scalar_prefetch = 0 : i64, scratch_operands = 0 : i64, tpu.core_type = #tpu.core_type<tc>, window_params = [{transform_indices = @transform_0, window_bounds = array<i64: 2000, 128>}, {pipeline_mode = #tpu.pipeline_mode<synchronous>, transform_indices = @transform_1, window_bounds = array<i64: 128, 128>}, {transform_indices = @transform_2, window_bounds = array<i64: 2, 2000, 128>}, {transform_indices = @transform_3, window_bounds = array<i64: 2000, 128>}, {transform_indices = @transform_4, window_bounds = array<i64: 2000, 1>}]} {
    %get3A = arith.constant 0 : index
    %get3A_0 = arith.constant 0 : index
    %get3A_1 = arith.constant 0 : index
    %get3A_2 = vector.load %arg3[%get3A, %get3A_0, %get3A_1] : memref<2x2000x128xf32, #tpu.memory_space<vmem>>, vector<1x2000x1xf32>
    %get3A_3 = vector.shape_cast %get3A_2 : vector<1x2000x1xf32> to vector<2000x1xf32>
    %get3A_4 = arith.constant 1 : index
    %get3A_5 = arith.constant 0 : index
    %get3A_6 = arith.constant 0 : index
    %get3A_7 = vector.load %arg3[%get3A_4, %get3A_5, %get3A_6] : memref<2x2000x128xf32, #tpu.memory_space<vmem>>, vector<1x2000x1xf32>
    %get3A_8 = vector.shape_cast %get3A_7 : vector<1x2000x1xf32> to vector<2000x1xf32>
    %add3A = arith.addf %get3A_3, %get3A_8 : vector<2000x1xf32>
    %add3A_9 = arith.constant 1.000000e+00 : f32
    %add3A_10 = vector.broadcast %add3A_9 : f32 to vector<2000x1xf32>
    %add3A_11 = arith.addf %add3A, %add3A_10 : vector<2000x1xf32>
    %rsqrt3A = math.rsqrt %add3A_11 : vector<2000x1xf32>
    %get3A_12 = arith.constant 0 : index
    %get3A_13 = arith.constant 0 : index
    %get3A_14 = vector.load %arg1[%get3A_12, %get3A_13] : memref<2000x128xf32, #tpu.memory_space<vmem>>, vector<2000x128xf32>
    %get3A_15 = arith.constant 0 : index
    %get3A_16 = arith.constant 0 : index
    %get3A_17 = vector.load %arg2[%get3A_15, %get3A_16] : memref<128x128xf32, #tpu.memory_space<vmem>>, vector<128x128xf32>
    %dot_general3A = arith.constant dense<0.000000e+00> : vector<2000x128xf32>
    %dot_general3A_18 = tpu.matmul %get3A_14, %get3A_17, %dot_general3A {dimension_numbers = #tpu.dot_dimension_numbers<[1], [0], [0], [1], [0, 0, 1, 1], [], []>, precision = #tpu.contract_precision<fp32>, transpose_lhs_hint = false} : vector<2000x128xf32>, vector<128x128xf32>, vector<2000x128xf32> -> vector<2000x128xf32>
    %mul3A = vector.broadcast %rsqrt3A : vector<2000x1xf32> to vector<2000x128xf32>
    %mul3A_19 = arith.mulf %dot_general3A_18, %mul3A : vector<2000x128xf32>
    %swap3A = arith.constant 0 : index
    %swap3A_20 = arith.constant 0 : index
    %swap3A_21 = vector.load %arg4[%swap3A, %swap3A_20] : memref<2000x128xf32, #tpu.memory_space<vmem>>, vector<2000x128xf32>
    tpu.vector_store %arg4[%swap3A, %swap3A_20], %mul3A_19 {strides = array<i32>} : memref<2000x128xf32, #tpu.memory_space<vmem>>, vector<2000x128xf32>,
    %swap3A_22 = arith.constant 0 : index
    %swap3A_23 = arith.constant 0 : index
    %swap3A_24 = vector.load %arg5[%swap3A_22, %swap3A_23] : memref<2000x1xf32, #tpu.memory_space<vmem>>, vector<2000x1xf32>
    tpu.vector_store %arg5[%swap3A_22, %swap3A_23], %rsqrt3A {strides = array<i32>} : memref<2000x1xf32, #tpu.memory_space<vmem>>, vector<2000x1xf32>,
    return
  }
  func.func @transform_0(%arg0: i32) -> (i32, i32) {
    %c0_i32 = arith.constant 0 : i32
    %c0_i32_0 = arith.constant 0 : i32
    return %arg0, %c0_i32 : i32, i32
  }
  func.func @transform_1(%arg0: i32) -> (i32, i32) {
    %c0_i32 = arith.constant 0 : i32
    %c0_i32_0 = arith.constant 0 : i32
    %c0_i32_1 = arith.constant 0 : i32
    return %c0_i32, %c0_i32_0 : i32, i32
  }
  func.func @transform_2(%arg0: i32) -> (i32, i32, i32) {
    %c0_i32 = arith.constant 0 : i32
    %c0_i32_0 = arith.constant 0 : i32
    %c0_i32_1 = arith.constant 0 : i32
    return %c0_i32, %arg0, %c0_i32_0 : i32, i32, i32
  }
  func.func @transform_3(%arg0: i32) -> (i32, i32) {
    %c0_i32 = arith.constant 0 : i32
    %c0_i32_0 = arith.constant 0 : i32
    return %arg0, %c0_i32 : i32, i32
  }
  func.func @transform_4(%arg0: i32) -> (i32, i32) {
    %c0_i32 = arith.constant 0 : i32
    %c0_i32_0 = arith.constant 0 : i32
    return %arg0, %c0_i32 : i32, i32
  }
}

module attributes {stable_mosaic.version = 14 : i64} {
  func.func @_finish_proj_body(%arg0: i32, %arg1: memref<2x2000x128xf32, #tpu.memory_space<vmem>>, %arg2: memref<2000x128xf32, #tpu.memory_space<vmem>>, %arg3: memref<2000x1xf32, #tpu.memory_space<vmem>>, %arg4: memref<1x128xf32, #tpu.memory_space<vmem>>, %arg5: memref<128x128xf32, #tpu.memory_space<vmem>>, %arg6: memref<2000x128xf32, #tpu.memory_space<vmem>>) attributes {dimension_semantics = [#tpu.dimension_semantics<arbitrary>], iteration_bounds = array<i64: 5>, scalar_prefetch = 0 : i64, scratch_operands = 0 : i64, tpu.core_type = #tpu.core_type<tc>, window_params = [{transform_indices = @transform_0, window_bounds = array<i64: 2, 2000, 128>}, {transform_indices = @transform_1, window_bounds = array<i64: 2000, 128>}, {transform_indices = @transform_2, window_bounds = array<i64: 2000, 1>}, {pipeline_mode = #tpu.pipeline_mode<synchronous>, transform_indices = @transform_3, window_bounds = array<i64: 1, 128>}, {pipeline_mode = #tpu.pipeline_mode<synchronous>, transform_indices = @transform_4, window_bounds = array<i64: 128, 128>}, {transform_indices = @transform_5, window_bounds = array<i64: 2000, 128>}]} {
    %get3A = arith.constant 0 : index
    %get3A_0 = arith.constant 0 : index
    %get3A_1 = vector.load %arg3[%get3A, %get3A_0] : memref<2000x1xf32, #tpu.memory_space<vmem>>, vector<2000x1xf32>
    %get3A_2 = arith.constant 0 : index
    %get3A_3 = arith.constant 0 : index
    %get3A_4 = arith.constant 0 : index
    %get3A_5 = vector.load %arg1[%get3A_2, %get3A_3, %get3A_4] : memref<2x2000x128xf32, #tpu.memory_space<vmem>>, vector<1x2000x128xf32>
    %get3A_6 = vector.shape_cast %get3A_5 : vector<1x2000x128xf32> to vector<2000x128xf32>
    %get3A_7 = arith.constant 1 : index
    %get3A_8 = arith.constant 0 : index
    %get3A_9 = arith.constant 0 : index
    %get3A_10 = vector.load %arg1[%get3A_7, %get3A_8, %get3A_9] : memref<2x2000x128xf32, #tpu.memory_space<vmem>>, vector<1x2000x128xf32>
    %get3A_11 = vector.shape_cast %get3A_10 : vector<1x2000x128xf32> to vector<2000x128xf32>
    %add3A = arith.addf %get3A_6, %get3A_11 : vector<2000x128xf32>
    %get3A_12 = arith.constant 0 : index
    %get3A_13 = arith.constant 0 : index
    %get3A_14 = vector.load %arg2[%get3A_12, %get3A_13] : memref<2000x128xf32, #tpu.memory_space<vmem>>, vector<2000x128xf32>
    %add3A_15 = arith.addf %add3A, %get3A_14 : vector<2000x128xf32>
    %mul3A = vector.broadcast %get3A_1 : vector<2000x1xf32> to vector<2000x128xf32>
    %mul3A_16 = arith.mulf %mul3A, %add3A_15 : vector<2000x128xf32>
    %get3A_17 = arith.constant 0 : index
    %get3A_18 = arith.constant 0 : index
    %get3A_19 = vector.load %arg4[%get3A_17, %get3A_18] : memref<1x128xf32, #tpu.memory_space<vmem>>, vector<1x128xf32>
    %add3A_20 = vector.broadcast %get3A_19 : vector<1x128xf32> to vector<2000x128xf32>
    %add3A_21 = arith.addf %mul3A_16, %add3A_20 : vector<2000x128xf32>
    %max3A = arith.constant 0.000000e+00 : f32
    %max3A_22 = vector.broadcast %max3A : f32 to vector<2000x128xf32>
    %max3A_23 = arith.maximumf %add3A_21, %max3A_22 : vector<2000x128xf32>
    %get3A_24 = arith.constant 0 : index
    %get3A_25 = arith.constant 0 : index
    %get3A_26 = vector.load %arg5[%get3A_24, %get3A_25] : memref<128x128xf32, #tpu.memory_space<vmem>>, vector<128x128xf32>
    %dot_general3A = arith.constant dense<0.000000e+00> : vector<2000x128xf32>
    %dot_general3A_27 = tpu.matmul %max3A_23, %get3A_26, %dot_general3A {dimension_numbers = #tpu.dot_dimension_numbers<[1], [0], [0], [1], [0, 0, 1, 1], [], []>, precision = #tpu.contract_precision<fp32>, transpose_lhs_hint = false} : vector<2000x128xf32>, vector<128x128xf32>, vector<2000x128xf32> -> vector<2000x128xf32>
    %mul3A_28 = vector.broadcast %get3A_1 : vector<2000x1xf32> to vector<2000x128xf32>
    %mul3A_29 = arith.mulf %dot_general3A_27, %mul3A_28 : vector<2000x128xf32>
    %swap3A = arith.constant 0 : index
    %swap3A_30 = arith.constant 0 : index
    %swap3A_31 = vector.load %arg6[%swap3A, %swap3A_30] : memref<2000x128xf32, #tpu.memory_space<vmem>>, vector<2000x128xf32>
    tpu.vector_store %arg6[%swap3A, %swap3A_30], %mul3A_29 {strides = array<i32>} : memref<2000x128xf32, #tpu.memory_space<vmem>>, vector<2000x128xf32>,
    return
  }
  func.func @transform_0(%arg0: i32) -> (i32, i32, i32) {
    %c0_i32 = arith.constant 0 : i32
    %c0_i32_0 = arith.constant 0 : i32
    %c0_i32_1 = arith.constant 0 : i32
    return %c0_i32, %arg0, %c0_i32_0 : i32, i32, i32
  }
  func.func @transform_1(%arg0: i32) -> (i32, i32) {
    %c0_i32 = arith.constant 0 : i32
    %c0_i32_0 = arith.constant 0 : i32
    return %arg0, %c0_i32 : i32, i32
  }
  func.func @transform_2(%arg0: i32) -> (i32, i32) {
    %c0_i32 = arith.constant 0 : i32
    %c0_i32_0 = arith.constant 0 : i32
    return %arg0, %c0_i32 : i32, i32
  }
  func.func @transform_3(%arg0: i32) -> (i32, i32) {
    %c0_i32 = arith.constant 0 : i32
    %c0_i32_0 = arith.constant 0 : i32
    %c0_i32_1 = arith.constant 0 : i32
    return %c0_i32, %c0_i32_0 : i32, i32
  }
  func.func @transform_4(%arg0: i32) -> (i32, i32) {
    %c0_i32 = arith.constant 0 : i32
    %c0_i32_0 = arith.constant 0 : i32
    %c0_i32_1 = arith.constant 0 : i32
    return %c0_i32, %c0_i32_0 : i32, i32
  }
  func.func @transform_5(%arg0: i32) -> (i32, i32) {
    %c0_i32 = arith.constant 0 : i32
    %c0_i32_0 = arith.constant 0 : i32
    return %arg0, %c0_i32 : i32, i32
  }
}

module attributes {stable_mosaic.version = 14 : i64} {
  func.func @_finish_proj_body(%arg0: i32, %arg1: memref<2x2000x128xf32, #tpu.memory_space<vmem>>, %arg2: memref<2000x128xf32, #tpu.memory_space<vmem>>, %arg3: memref<2000x1xf32, #tpu.memory_space<vmem>>, %arg4: memref<1x128xf32, #tpu.memory_space<vmem>>, %arg5: memref<128x384xf32, #tpu.memory_space<vmem>>, %arg6: memref<2000x384xf32, #tpu.memory_space<vmem>>) attributes {dimension_semantics = [#tpu.dimension_semantics<arbitrary>], iteration_bounds = array<i64: 5>, scalar_prefetch = 0 : i64, scratch_operands = 0 : i64, tpu.core_type = #tpu.core_type<tc>, window_params = [{transform_indices = @transform_0, window_bounds = array<i64: 2, 2000, 128>}, {transform_indices = @transform_1, window_bounds = array<i64: 2000, 128>}, {transform_indices = @transform_2, window_bounds = array<i64: 2000, 1>}, {pipeline_mode = #tpu.pipeline_mode<synchronous>, transform_indices = @transform_3, window_bounds = array<i64: 1, 128>}, {pipeline_mode = #tpu.pipeline_mode<synchronous>, transform_indices = @transform_4, window_bounds = array<i64: 128, 384>}, {transform_indices = @transform_5, window_bounds = array<i64: 2000, 384>}]} {
    %get3A = arith.constant 0 : index
    %get3A_0 = arith.constant 0 : index
    %get3A_1 = vector.load %arg3[%get3A, %get3A_0] : memref<2000x1xf32, #tpu.memory_space<vmem>>, vector<2000x1xf32>
    %get3A_2 = arith.constant 0 : index
    %get3A_3 = arith.constant 0 : index
    %get3A_4 = arith.constant 0 : index
    %get3A_5 = vector.load %arg1[%get3A_2, %get3A_3, %get3A_4] : memref<2x2000x128xf32, #tpu.memory_space<vmem>>, vector<1x2000x128xf32>
    %get3A_6 = vector.shape_cast %get3A_5 : vector<1x2000x128xf32> to vector<2000x128xf32>
    %get3A_7 = arith.constant 1 : index
    %get3A_8 = arith.constant 0 : index
    %get3A_9 = arith.constant 0 : index
    %get3A_10 = vector.load %arg1[%get3A_7, %get3A_8, %get3A_9] : memref<2x2000x128xf32, #tpu.memory_space<vmem>>, vector<1x2000x128xf32>
    %get3A_11 = vector.shape_cast %get3A_10 : vector<1x2000x128xf32> to vector<2000x128xf32>
    %add3A = arith.addf %get3A_6, %get3A_11 : vector<2000x128xf32>
    %get3A_12 = arith.constant 0 : index
    %get3A_13 = arith.constant 0 : index
    %get3A_14 = vector.load %arg2[%get3A_12, %get3A_13] : memref<2000x128xf32, #tpu.memory_space<vmem>>, vector<2000x128xf32>
    %add3A_15 = arith.addf %add3A, %get3A_14 : vector<2000x128xf32>
    %mul3A = vector.broadcast %get3A_1 : vector<2000x1xf32> to vector<2000x128xf32>
    %mul3A_16 = arith.mulf %mul3A, %add3A_15 : vector<2000x128xf32>
    %get3A_17 = arith.constant 0 : index
    %get3A_18 = arith.constant 0 : index
    %get3A_19 = vector.load %arg4[%get3A_17, %get3A_18] : memref<1x128xf32, #tpu.memory_space<vmem>>, vector<1x128xf32>
    %add3A_20 = vector.broadcast %get3A_19 : vector<1x128xf32> to vector<2000x128xf32>
    %add3A_21 = arith.addf %mul3A_16, %add3A_20 : vector<2000x128xf32>
    %max3A = arith.constant 0.000000e+00 : f32
    %max3A_22 = vector.broadcast %max3A : f32 to vector<2000x128xf32>
    %max3A_23 = arith.maximumf %add3A_21, %max3A_22 : vector<2000x128xf32>
    %get3A_24 = arith.constant 0 : index
    %get3A_25 = arith.constant 0 : index
    %get3A_26 = vector.load %arg5[%get3A_24, %get3A_25] : memref<128x384xf32, #tpu.memory_space<vmem>>, vector<128x384xf32>
    %dot_general3A = arith.constant dense<0.000000e+00> : vector<2000x384xf32>
    %dot_general3A_27 = tpu.matmul %max3A_23, %get3A_26, %dot_general3A {dimension_numbers = #tpu.dot_dimension_numbers<[1], [0], [0], [1], [0, 0, 1, 1], [], []>, precision = #tpu.contract_precision<fp32>, transpose_lhs_hint = false} : vector<2000x128xf32>, vector<128x384xf32>, vector<2000x384xf32> -> vector<2000x384xf32>
    %swap3A = arith.constant 0 : index
    %swap3A_28 = arith.constant 0 : index
    %swap3A_29 = vector.load %arg6[%swap3A, %swap3A_28] : memref<2000x384xf32, #tpu.memory_space<vmem>>, vector<2000x384xf32>
    tpu.vector_store %arg6[%swap3A, %swap3A_28], %dot_general3A_27 {strides = array<i32>} : memref<2000x384xf32, #tpu.memory_space<vmem>>, vector<2000x384xf32>,
    return
  }
  func.func @transform_0(%arg0: i32) -> (i32, i32, i32) {
    %c0_i32 = arith.constant 0 : i32
    %c0_i32_0 = arith.constant 0 : i32
    %c0_i32_1 = arith.constant 0 : i32
    return %c0_i32, %arg0, %c0_i32_0 : i32, i32, i32
  }
  func.func @transform_1(%arg0: i32) -> (i32, i32) {
    %c0_i32 = arith.constant 0 : i32
    %c0_i32_0 = arith.constant 0 : i32
    return %arg0, %c0_i32 : i32, i32
  }
  func.func @transform_2(%arg0: i32) -> (i32, i32) {
    %c0_i32 = arith.constant 0 : i32
    %c0_i32_0 = arith.constant 0 : i32
    return %arg0, %c0_i32 : i32, i32
  }
  func.func @transform_3(%arg0: i32) -> (i32, i32) {
    %c0_i32 = arith.constant 0 : i32
    %c0_i32_0 = arith.constant 0 : i32
    %c0_i32_1 = arith.constant 0 : i32
    return %c0_i32, %c0_i32_0 : i32, i32
  }
  func.func @transform_4(%arg0: i32) -> (i32, i32) {
    %c0_i32 = arith.constant 0 : i32
    %c0_i32_0 = arith.constant 0 : i32
    %c0_i32_1 = arith.constant 0 : i32
    return %c0_i32, %c0_i32_0 : i32, i32
  }
  func.func @transform_5(%arg0: i32) -> (i32, i32) {
    %c0_i32 = arith.constant 0 : i32
    %c0_i32_0 = arith.constant 0 : i32
    return %arg0, %c0_i32 : i32, i32
  }
}

module attributes {stable_mosaic.version = 14 : i64} {
  func.func @_gru_body(%arg0: memref<10008x384xf32, #tpu.memory_space<vmem>>, %arg1: memref<128x384xf32, #tpu.memory_space<vmem>>, %arg2: memref<1x384xf32, #tpu.memory_space<vmem>>, %arg3: memref<1x384xf32, #tpu.memory_space<vmem>>, %arg4: memref<16xi32, #tpu.memory_space<smem>>, %arg5: memref<16xi32, #tpu.memory_space<smem>>, %arg6: memref<1xi32, #tpu.memory_space<smem>>, %arg7: memref<16x1xf32, #tpu.memory_space<vmem>>, %arg8: memref<128x128xf32, #tpu.memory_space<vmem>>, %arg9: memref<1x128xf32, #tpu.memory_space<vmem>>, %arg10: memref<1x128xf32, #tpu.memory_space<vmem>>, %arg11: memref<128x1xf32, #tpu.memory_space<vmem>>, %arg12: memref<1x1xf32, #tpu.memory_space<vmem>>, %arg13: memref<16x1xf32, #tpu.memory_space<vmem>>) attributes {dimension_semantics = [], scalar_prefetch = 0 : i64, scratch_operands = 0 : i64, tpu.core_type = #tpu.core_type<tc>} {
    %get3A = arith.constant 0 : index
    %get3A_0 = memref.load %arg6[%get3A] : memref<1xi32, #tpu.memory_space<smem>>
    %get3A_1 = arith.constant 0 : index
    %get3A_2 = arith.constant 0 : index
    %get3A_3 = vector.load %arg2[%get3A_1, %get3A_2] : memref<1x384xf32, #tpu.memory_space<vmem>>, vector<1x384xf32>
    %get3A_4 = arith.constant 0 : index
    %get3A_5 = arith.constant 0 : index
    %get3A_6 = vector.load %arg3[%get3A_4, %get3A_5] : memref<1x384xf32, #tpu.memory_space<vmem>>, vector<1x384xf32>
    %get3A_7 = arith.constant 0 : index
    %get3A_8 = arith.constant 0 : index
    %get3A_9 = vector.load %arg1[%get3A_7, %get3A_8] : memref<128x384xf32, #tpu.memory_space<vmem>>, vector<128x384xf32>
    %broadcast_in_dim3A = arith.constant 0.000000e+00 : f32
    %broadcast_in_dim3A_10 = vector.broadcast %broadcast_in_dim3A : f32 to vector<16x128xf32>
    %broadcast_in_dim3A_11 = arith.constant 0.000000e+00 : f32
    %broadcast_in_dim3A_12 = vector.broadcast %broadcast_in_dim3A_11 : f32 to vector<16x128xf32>
    %add3A = arith.constant 1 : i32
    %add3A_13 = arith.addi %get3A_0, %add3A : i32
    %jit3A = arith.constant 2 : i32
    %div3A = arith.divsi %add3A_13, %jit3A : i32
    %sign3A = arith.constant 0 : i32
    %sign3A_14 = arith.cmpi sgt, %add3A_13, %sign3A : i32
    %sign3A_15 = arith.extui %sign3A_14 : i1 to i32
    %sign3A_16 = arith.constant 0 : i32
    %sign3A_17 = arith.cmpi slt, %add3A_13, %sign3A_16 : i32
    %sign3A_18 = arith.extui %sign3A_17 : i1 to i32
    %sign3A_19 = arith.subi %sign3A_15, %sign3A_18 : i32
    %sign3A_20 = arith.constant 0 : i32
    %sign3A_21 = arith.cmpi sgt, %jit3A, %sign3A_20 : i32
    %sign3A_22 = arith.extui %sign3A_21 : i1 to i32
    %sign3A_23 = arith.constant 0 : i32
    %sign3A_24 = arith.cmpi slt, %jit3A, %sign3A_23 : i32
    %sign3A_25 = arith.extui %sign3A_24 : i1 to i32
    %sign3A_26 = arith.subi %sign3A_22, %sign3A_25 : i32
    %ne3A = arith.cmpi ne, %sign3A_19, %sign3A_26 : i32
    %rem3A = arith.remsi %add3A_13, %jit3A : i32
    %ne3A_27 = arith.constant 0 : i32
    %ne3A_28 = arith.cmpi ne, %rem3A, %ne3A_27 : i32
    %and3A = arith.andi %ne3A, %ne3A_28 : i1
    %sub3A = arith.constant 1 : i32
    %sub3A_29 = arith.subi %div3A, %sub3A : i32
    %select_n3A = arith.select %and3A, %sub3A_29, %div3A : i32
    %while3A = arith.constant 0 : i32
    %while3A_30 = arith.subi %select_n3A, %while3A : i32
    %while3A_31 = arith.addi %while3A, %while3A_30 : i32
    %while3A_32 = arith.constant 1 : i32
    %while3A_33 = arith.divsi %while3A_30, %while3A_32 : i32
    %while3A_34 = arith.muli %while3A_33, %while3A_32 : i32
    %while3A_35 = arith.addi %while3A, %while3A_34 : i32
    %while3A_36 = arith.constant 1 : i32
    %while3A_37:2 = scf.for %while3A_79 = %while3A to %while3A_35 step %while3A_36 iter_args(%while3A_80 = %broadcast_in_dim3A_10, %while3A_81 = %broadcast_in_dim3A_12) -> (vector<16x128xf32>, vector<16x128xf32>)  : i32 {
      %mul3A_82 = arith.constant 2 : i32
      %mul3A_83 = arith.muli %mul3A_82, %while3A_79 : i32
      %add3A_84 = arith.constant 0 : i32
      %add3A_85 = arith.addi %mul3A_83, %add3A_84 : i32
      %get3A_86 = arith.constant 0 : index
      %get3A_87 = memref.load %arg5[%get3A_86] : memref<16xi32, #tpu.memory_space<smem>>
      %lt3A = arith.cmpi slt, %add3A_85, %get3A_87 : i32
      %get3A_88 = arith.constant 0 : index
      %get3A_89 = memref.load %arg4[%get3A_88] : memref<16xi32, #tpu.memory_space<smem>>
      %add3A_90 = arith.addi %get3A_89, %add3A_85 : i32
      %jit3A_91 = arith.constant 0 : i32
      %select_n3A_92 = arith.select %lt3A, %add3A_90, %jit3A_91 : i32
      %get3A_93 = arith.index_cast %select_n3A_92 : i32 to index
      %get3A_94 = arith.constant 0 : index
      %get3A_95 = vector.load %arg0[%get3A_93, %get3A_94] : memref<10008x384xf32, #tpu.memory_space<vmem>>, vector<1x384xf32>
      %jit3A_96 = arith.constant 0.000000e+00 : f32
      %broadcast_in_dim3A_97 = vector.broadcast %jit3A_96 : f32 to vector<1x384xf32>
      %select_n3A_98 = arith.select %lt3A, %get3A_95, %broadcast_in_dim3A_97 : vector<1x384xf32>
      %get3A_99 = arith.constant 1 : index
      %get3A_100 = memref.load %arg5[%get3A_99] : memref<16xi32, #tpu.memory_space<smem>>
      %lt3A_101 = arith.cmpi slt, %add3A_85, %get3A_100 : i32
      %get3A_102 = arith.constant 1 : index
      %get3A_103 = memref.load %arg4[%get3A_102] : memref<16xi32, #tpu.memory_space<smem>>
      %add3A_104 = arith.addi %get3A_103, %add3A_85 : i32
      %jit3A_105 = arith.constant 0 : i32
      %select_n3A_106 = arith.select %lt3A_101, %add3A_104, %jit3A_105 : i32
      %get3A_107 = arith.index_cast %select_n3A_106 : i32 to index
      %get3A_108 = arith.constant 0 : index
      %get3A_109 = vector.load %arg0[%get3A_107, %get3A_108] : memref<10008x384xf32, #tpu.memory_space<vmem>>, vector<1x384xf32>
      %jit3A_110 = arith.constant 0.000000e+00 : f32
      %broadcast_in_dim3A_111 = vector.broadcast %jit3A_110 : f32 to vector<1x384xf32>
      %select_n3A_112 = arith.select %lt3A_101, %get3A_109, %broadcast_in_dim3A_111 : vector<1x384xf32>
      %get3A_113 = arith.constant 2 : index
      %get3A_114 = memref.load %arg5[%get3A_113] : memref<16xi32, #tpu.memory_space<smem>>
      %lt3A_115 = arith.cmpi slt, %add3A_85, %get3A_114 : i32
      %get3A_116 = arith.constant 2 : index
      %get3A_117 = memref.load %arg4[%get3A_116] : memref<16xi32, #tpu.memory_space<smem>>
      %add3A_118 = arith.addi %get3A_117, %add3A_85 : i32
      %jit3A_119 = arith.constant 0 : i32
      %select_n3A_120 = arith.select %lt3A_115, %add3A_118, %jit3A_119 : i32
      %get3A_121 = arith.index_cast %select_n3A_120 : i32 to index
      %get3A_122 = arith.constant 0 : index
      %get3A_123 = vector.load %arg0[%get3A_121, %get3A_122] : memref<10008x384xf32, #tpu.memory_space<vmem>>, vector<1x384xf32>
      %jit3A_124 = arith.constant 0.000000e+00 : f32
      %broadcast_in_dim3A_125 = vector.broadcast %jit3A_124 : f32 to vector<1x384xf32>
      %select_n3A_126 = arith.select %lt3A_115, %get3A_123, %broadcast_in_dim3A_125 : vector<1x384xf32>
      %get3A_127 = arith.constant 3 : index
      %get3A_128 = memref.load %arg5[%get3A_127] : memref<16xi32, #tpu.memory_space<smem>>
      %lt3A_129 = arith.cmpi slt, %add3A_85, %get3A_128 : i32
      %get3A_130 = arith.constant 3 : index
      %get3A_131 = memref.load %arg4[%get3A_130] : memref<16xi32, #tpu.memory_space<smem>>
      %add3A_132 = arith.addi %get3A_131, %add3A_85 : i32
      %jit3A_133 = arith.constant 0 : i32
      %select_n3A_134 = arith.select %lt3A_129, %add3A_132, %jit3A_133 : i32
      %get3A_135 = arith.index_cast %select_n3A_134 : i32 to index
      %get3A_136 = arith.constant 0 : index
      %get3A_137 = vector.load %arg0[%get3A_135, %get3A_136] : memref<10008x384xf32, #tpu.memory_space<vmem>>, vector<1x384xf32>
      %jit3A_138 = arith.constant 0.000000e+00 : f32
      %broadcast_in_dim3A_139 = vector.broadcast %jit3A_138 : f32 to vector<1x384xf32>
      %select_n3A_140 = arith.select %lt3A_129, %get3A_137, %broadcast_in_dim3A_139 : vector<1x384xf32>
      %get3A_141 = arith.constant 4 : index
      %get3A_142 = memref.load %arg5[%get3A_141] : memref<16xi32, #tpu.memory_space<smem>>
      %lt3A_143 = arith.cmpi slt, %add3A_85, %get3A_142 : i32
      %get3A_144 = arith.constant 4 : index
      %get3A_145 = memref.load %arg4[%get3A_144] : memref<16xi32, #tpu.memory_space<smem>>
      %add3A_146 = arith.addi %get3A_145, %add3A_85 : i32
      %jit3A_147 = arith.constant 0 : i32
      %select_n3A_148 = arith.select %lt3A_143, %add3A_146, %jit3A_147 : i32
      %get3A_149 = arith.index_cast %select_n3A_148 : i32 to index
      %get3A_150 = arith.constant 0 : index
      %get3A_151 = vector.load %arg0[%get3A_149, %get3A_150] : memref<10008x384xf32, #tpu.memory_space<vmem>>, vector<1x384xf32>
      %jit3A_152 = arith.constant 0.000000e+00 : f32
      %broadcast_in_dim3A_153 = vector.broadcast %jit3A_152 : f32 to vector<1x384xf32>
      %select_n3A_154 = arith.select %lt3A_143, %get3A_151, %broadcast_in_dim3A_153 : vector<1x384xf32>
      %get3A_155 = arith.constant 5 : index
      %get3A_156 = memref.load %arg5[%get3A_155] : memref<16xi32, #tpu.memory_space<smem>>
      %lt3A_157 = arith.cmpi slt, %add3A_85, %get3A_156 : i32
      %get3A_158 = arith.constant 5 : index
      %get3A_159 = memref.load %arg4[%get3A_158] : memref<16xi32, #tpu.memory_space<smem>>
      %add3A_160 = arith.addi %get3A_159, %add3A_85 : i32
      %jit3A_161 = arith.constant 0 : i32
      %select_n3A_162 = arith.select %lt3A_157, %add3A_160, %jit3A_161 : i32
      %get3A_163 = arith.index_cast %select_n3A_162 : i32 to index
      %get3A_164 = arith.constant 0 : index
      %get3A_165 = vector.load %arg0[%get3A_163, %get3A_164] : memref<10008x384xf32, #tpu.memory_space<vmem>>, vector<1x384xf32>
      %jit3A_166 = arith.constant 0.000000e+00 : f32
      %broadcast_in_dim3A_167 = vector.broadcast %jit3A_166 : f32 to vector<1x384xf32>
      %select_n3A_168 = arith.select %lt3A_157, %get3A_165, %broadcast_in_dim3A_167 : vector<1x384xf32>
      %get3A_169 = arith.constant 6 : index
      %get3A_170 = memref.load %arg5[%get3A_169] : memref<16xi32, #tpu.memory_space<smem>>
      %lt3A_171 = arith.cmpi slt, %add3A_85, %get3A_170 : i32
      %get3A_172 = arith.constant 6 : index
      %get3A_173 = memref.load %arg4[%get3A_172] : memref<16xi32, #tpu.memory_space<smem>>
      %add3A_174 = arith.addi %get3A_173, %add3A_85 : i32
      %jit3A_175 = arith.constant 0 : i32
      %select_n3A_176 = arith.select %lt3A_171, %add3A_174, %jit3A_175 : i32
      %get3A_177 = arith.index_cast %select_n3A_176 : i32 to index
      %get3A_178 = arith.constant 0 : index
      %get3A_179 = vector.load %arg0[%get3A_177, %get3A_178] : memref<10008x384xf32, #tpu.memory_space<vmem>>, vector<1x384xf32>
      %jit3A_180 = arith.constant 0.000000e+00 : f32
      %broadcast_in_dim3A_181 = vector.broadcast %jit3A_180 : f32 to vector<1x384xf32>
      %select_n3A_182 = arith.select %lt3A_171, %get3A_179, %broadcast_in_dim3A_181 : vector<1x384xf32>
      %get3A_183 = arith.constant 7 : index
      %get3A_184 = memref.load %arg5[%get3A_183] : memref<16xi32, #tpu.memory_space<smem>>
      %lt3A_185 = arith.cmpi slt, %add3A_85, %get3A_184 : i32
      %get3A_186 = arith.constant 7 : index
      %get3A_187 = memref.load %arg4[%get3A_186] : memref<16xi32, #tpu.memory_space<smem>>
      %add3A_188 = arith.addi %get3A_187, %add3A_85 : i32
      %jit3A_189 = arith.constant 0 : i32
      %select_n3A_190 = arith.select %lt3A_185, %add3A_188, %jit3A_189 : i32
      %get3A_191 = arith.index_cast %select_n3A_190 : i32 to index
      %get3A_192 = arith.constant 0 : index
      %get3A_193 = vector.load %arg0[%get3A_191, %get3A_192] : memref<10008x384xf32, #tpu.memory_space<vmem>>, vector<1x384xf32>
      %jit3A_194 = arith.constant 0.000000e+00 : f32
      %broadcast_in_dim3A_195 = vector.broadcast %jit3A_194 : f32 to vector<1x384xf32>
      %select_n3A_196 = arith.select %lt3A_185, %get3A_193, %broadcast_in_dim3A_195 : vector<1x384xf32>
      %get3A_197 = arith.constant 8 : index
      %get3A_198 = memref.load %arg5[%get3A_197] : memref<16xi32, #tpu.memory_space<smem>>
      %lt3A_199 = arith.cmpi slt, %add3A_85, %get3A_198 : i32
      %get3A_200 = arith.constant 8 : index
      %get3A_201 = memref.load %arg4[%get3A_200] : memref<16xi32, #tpu.memory_space<smem>>
      %add3A_202 = arith.addi %get3A_201, %add3A_85 : i32
      %jit3A_203 = arith.constant 0 : i32
      %select_n3A_204 = arith.select %lt3A_199, %add3A_202, %jit3A_203 : i32
      %get3A_205 = arith.index_cast %select_n3A_204 : i32 to index
      %get3A_206 = arith.constant 0 : index
      %get3A_207 = vector.load %arg0[%get3A_205, %get3A_206] : memref<10008x384xf32, #tpu.memory_space<vmem>>, vector<1x384xf32>
      %jit3A_208 = arith.constant 0.000000e+00 : f32
      %broadcast_in_dim3A_209 = vector.broadcast %jit3A_208 : f32 to vector<1x384xf32>
      %select_n3A_210 = arith.select %lt3A_199, %get3A_207, %broadcast_in_dim3A_209 : vector<1x384xf32>
      %get3A_211 = arith.constant 9 : index
      %get3A_212 = memref.load %arg5[%get3A_211] : memref<16xi32, #tpu.memory_space<smem>>
      %lt3A_213 = arith.cmpi slt, %add3A_85, %get3A_212 : i32
      %get3A_214 = arith.constant 9 : index
      %get3A_215 = memref.load %arg4[%get3A_214] : memref<16xi32, #tpu.memory_space<smem>>
      %add3A_216 = arith.addi %get3A_215, %add3A_85 : i32
      %jit3A_217 = arith.constant 0 : i32
      %select_n3A_218 = arith.select %lt3A_213, %add3A_216, %jit3A_217 : i32
      %get3A_219 = arith.index_cast %select_n3A_218 : i32 to index
      %get3A_220 = arith.constant 0 : index
      %get3A_221 = vector.load %arg0[%get3A_219, %get3A_220] : memref<10008x384xf32, #tpu.memory_space<vmem>>, vector<1x384xf32>
      %jit3A_222 = arith.constant 0.000000e+00 : f32
      %broadcast_in_dim3A_223 = vector.broadcast %jit3A_222 : f32 to vector<1x384xf32>
      %select_n3A_224 = arith.select %lt3A_213, %get3A_221, %broadcast_in_dim3A_223 : vector<1x384xf32>
      %get3A_225 = arith.constant 10 : index
      %get3A_226 = memref.load %arg5[%get3A_225] : memref<16xi32, #tpu.memory_space<smem>>
      %lt3A_227 = arith.cmpi slt, %add3A_85, %get3A_226 : i32
      %get3A_228 = arith.constant 10 : index
      %get3A_229 = memref.load %arg4[%get3A_228] : memref<16xi32, #tpu.memory_space<smem>>
      %add3A_230 = arith.addi %get3A_229, %add3A_85 : i32
      %jit3A_231 = arith.constant 0 : i32
      %select_n3A_232 = arith.select %lt3A_227, %add3A_230, %jit3A_231 : i32
      %get3A_233 = arith.index_cast %select_n3A_232 : i32 to index
      %get3A_234 = arith.constant 0 : index
      %get3A_235 = vector.load %arg0[%get3A_233, %get3A_234] : memref<10008x384xf32, #tpu.memory_space<vmem>>, vector<1x384xf32>
      %jit3A_236 = arith.constant 0.000000e+00 : f32
      %broadcast_in_dim3A_237 = vector.broadcast %jit3A_236 : f32 to vector<1x384xf32>
      %select_n3A_238 = arith.select %lt3A_227, %get3A_235, %broadcast_in_dim3A_237 : vector<1x384xf32>
      %get3A_239 = arith.constant 11 : index
      %get3A_240 = memref.load %arg5[%get3A_239] : memref<16xi32, #tpu.memory_space<smem>>
      %lt3A_241 = arith.cmpi slt, %add3A_85, %get3A_240 : i32
      %get3A_242 = arith.constant 11 : index
      %get3A_243 = memref.load %arg4[%get3A_242] : memref<16xi32, #tpu.memory_space<smem>>
      %add3A_244 = arith.addi %get3A_243, %add3A_85 : i32
      %jit3A_245 = arith.constant 0 : i32
      %select_n3A_246 = arith.select %lt3A_241, %add3A_244, %jit3A_245 : i32
      %get3A_247 = arith.index_cast %select_n3A_246 : i32 to index
      %get3A_248 = arith.constant 0 : index
      %get3A_249 = vector.load %arg0[%get3A_247, %get3A_248] : memref<10008x384xf32, #tpu.memory_space<vmem>>, vector<1x384xf32>
      %jit3A_250 = arith.constant 0.000000e+00 : f32
      %broadcast_in_dim3A_251 = vector.broadcast %jit3A_250 : f32 to vector<1x384xf32>
      %select_n3A_252 = arith.select %lt3A_241, %get3A_249, %broadcast_in_dim3A_251 : vector<1x384xf32>
      %get3A_253 = arith.constant 12 : index
      %get3A_254 = memref.load %arg5[%get3A_253] : memref<16xi32, #tpu.memory_space<smem>>
      %lt3A_255 = arith.cmpi slt, %add3A_85, %get3A_254 : i32
      %get3A_256 = arith.constant 12 : index
      %get3A_257 = memref.load %arg4[%get3A_256] : memref<16xi32, #tpu.memory_space<smem>>
      %add3A_258 = arith.addi %get3A_257, %add3A_85 : i32
      %jit3A_259 = arith.constant 0 : i32
      %select_n3A_260 = arith.select %lt3A_255, %add3A_258, %jit3A_259 : i32
      %get3A_261 = arith.index_cast %select_n3A_260 : i32 to index
      %get3A_262 = arith.constant 0 : index
      %get3A_263 = vector.load %arg0[%get3A_261, %get3A_262] : memref<10008x384xf32, #tpu.memory_space<vmem>>, vector<1x384xf32>
      %jit3A_264 = arith.constant 0.000000e+00 : f32
      %broadcast_in_dim3A_265 = vector.broadcast %jit3A_264 : f32 to vector<1x384xf32>
      %select_n3A_266 = arith.select %lt3A_255, %get3A_263, %broadcast_in_dim3A_265 : vector<1x384xf32>
      %get3A_267 = arith.constant 13 : index
      %get3A_268 = memref.load %arg5[%get3A_267] : memref<16xi32, #tpu.memory_space<smem>>
      %lt3A_269 = arith.cmpi slt, %add3A_85, %get3A_268 : i32
      %get3A_270 = arith.constant 13 : index
      %get3A_271 = memref.load %arg4[%get3A_270] : memref<16xi32, #tpu.memory_space<smem>>
      %add3A_272 = arith.addi %get3A_271, %add3A_85 : i32
      %jit3A_273 = arith.constant 0 : i32
      %select_n3A_274 = arith.select %lt3A_269, %add3A_272, %jit3A_273 : i32
      %get3A_275 = arith.index_cast %select_n3A_274 : i32 to index
      %get3A_276 = arith.constant 0 : index
      %get3A_277 = vector.load %arg0[%get3A_275, %get3A_276] : memref<10008x384xf32, #tpu.memory_space<vmem>>, vector<1x384xf32>
      %jit3A_278 = arith.constant 0.000000e+00 : f32
      %broadcast_in_dim3A_279 = vector.broadcast %jit3A_278 : f32 to vector<1x384xf32>
      %select_n3A_280 = arith.select %lt3A_269, %get3A_277, %broadcast_in_dim3A_279 : vector<1x384xf32>
      %get3A_281 = arith.constant 14 : index
      %get3A_282 = memref.load %arg5[%get3A_281] : memref<16xi32, #tpu.memory_space<smem>>
      %lt3A_283 = arith.cmpi slt, %add3A_85, %get3A_282 : i32
      %get3A_284 = arith.constant 14 : index
      %get3A_285 = memref.load %arg4[%get3A_284] : memref<16xi32, #tpu.memory_space<smem>>
      %add3A_286 = arith.addi %get3A_285, %add3A_85 : i32
      %jit3A_287 = arith.constant 0 : i32
      %select_n3A_288 = arith.select %lt3A_283, %add3A_286, %jit3A_287 : i32
      %get3A_289 = arith.index_cast %select_n3A_288 : i32 to index
      %get3A_290 = arith.constant 0 : index
      %get3A_291 = vector.load %arg0[%get3A_289, %get3A_290] : memref<10008x384xf32, #tpu.memory_space<vmem>>, vector<1x384xf32>
      %jit3A_292 = arith.constant 0.000000e+00 : f32
      %broadcast_in_dim3A_293 = vector.broadcast %jit3A_292 : f32 to vector<1x384xf32>
      %select_n3A_294 = arith.select %lt3A_283, %get3A_291, %broadcast_in_dim3A_293 : vector<1x384xf32>
      %get3A_295 = arith.constant 15 : index
      %get3A_296 = memref.load %arg5[%get3A_295] : memref<16xi32, #tpu.memory_space<smem>>
      %lt3A_297 = arith.cmpi slt, %add3A_85, %get3A_296 : i32
      %get3A_298 = arith.constant 15 : index
      %get3A_299 = memref.load %arg4[%get3A_298] : memref<16xi32, #tpu.memory_space<smem>>
      %add3A_300 = arith.addi %get3A_299, %add3A_85 : i32
      %jit3A_301 = arith.constant 0 : i32
      %select_n3A_302 = arith.select %lt3A_297, %add3A_300, %jit3A_301 : i32
      %get3A_303 = arith.index_cast %select_n3A_302 : i32 to index
      %get3A_304 = arith.constant 0 : index
      %get3A_305 = vector.load %arg0[%get3A_303, %get3A_304] : memref<10008x384xf32, #tpu.memory_space<vmem>>, vector<1x384xf32>
      %jit3A_306 = arith.constant 0.000000e+00 : f32
      %broadcast_in_dim3A_307 = vector.broadcast %jit3A_306 : f32 to vector<1x384xf32>
      %select_n3A_308 = arith.select %lt3A_297, %get3A_305, %broadcast_in_dim3A_307 : vector<1x384xf32>
      %concatenate3A = tpu.concatenate %select_n3A_98, %select_n3A_112, %select_n3A_126, %select_n3A_140, %select_n3A_154, %select_n3A_168, %select_n3A_182, %select_n3A_196, %select_n3A_210, %select_n3A_224, %select_n3A_238, %select_n3A_252, %select_n3A_266, %select_n3A_280, %select_n3A_294, %select_n3A_308 in 0 : vector<1x384xf32>, vector<1x384xf32>, vector<1x384xf32>, vector<1x384xf32>, vector<1x384xf32>, vector<1x384xf32>, vector<1x384xf32>, vector<1x384xf32>, vector<1x384xf32>, vector<1x384xf32>, vector<1x384xf32>, vector<1x384xf32>, vector<1x384xf32>, vector<1x384xf32>, vector<1x384xf32>, vector<1x384xf32> -> vector<16x384xf32>
      %add3A_309 = vector.broadcast %get3A_3 : vector<1x384xf32> to vector<16x384xf32>
      %add3A_310 = arith.addf %concatenate3A, %add3A_309 : vector<16x384xf32>
      %add3A_311 = arith.constant 1 : i32
      %add3A_312 = arith.addi %mul3A_83, %add3A_311 : i32
      %get3A_313 = arith.constant 0 : index
      %get3A_314 = memref.load %arg5[%get3A_313] : memref<16xi32, #tpu.memory_space<smem>>
      %lt3A_315 = arith.cmpi slt, %add3A_312, %get3A_314 : i32
      %get3A_316 = arith.constant 0 : index
      %get3A_317 = memref.load %arg4[%get3A_316] : memref<16xi32, #tpu.memory_space<smem>>
      %add3A_318 = arith.addi %get3A_317, %add3A_312 : i32
      %jit3A_319 = arith.constant 0 : i32
      %select_n3A_320 = arith.select %lt3A_315, %add3A_318, %jit3A_319 : i32
      %get3A_321 = arith.index_cast %select_n3A_320 : i32 to index
      %get3A_322 = arith.constant 0 : index
      %get3A_323 = vector.load %arg0[%get3A_321, %get3A_322] : memref<10008x384xf32, #tpu.memory_space<vmem>>, vector<1x384xf32>
      %jit3A_324 = arith.constant 0.000000e+00 : f32
      %broadcast_in_dim3A_325 = vector.broadcast %jit3A_324 : f32 to vector<1x384xf32>
      %select_n3A_326 = arith.select %lt3A_315, %get3A_323, %broadcast_in_dim3A_325 : vector<1x384xf32>
      %get3A_327 = arith.constant 1 : index
      %get3A_328 = memref.load %arg5[%get3A_327] : memref<16xi32, #tpu.memory_space<smem>>
      %lt3A_329 = arith.cmpi slt, %add3A_312, %get3A_328 : i32
      %get3A_330 = arith.constant 1 : index
      %get3A_331 = memref.load %arg4[%get3A_330] : memref<16xi32, #tpu.memory_space<smem>>
      %add3A_332 = arith.addi %get3A_331, %add3A_312 : i32
      %jit3A_333 = arith.constant 0 : i32
      %select_n3A_334 = arith.select %lt3A_329, %add3A_332, %jit3A_333 : i32
      %get3A_335 = arith.index_cast %select_n3A_334 : i32 to index
      %get3A_336 = arith.constant 0 : index
      %get3A_337 = vector.load %arg0[%get3A_335, %get3A_336] : memref<10008x384xf32, #tpu.memory_space<vmem>>, vector<1x384xf32>
      %jit3A_338 = arith.constant 0.000000e+00 : f32
      %broadcast_in_dim3A_339 = vector.broadcast %jit3A_338 : f32 to vector<1x384xf32>
      %select_n3A_340 = arith.select %lt3A_329, %get3A_337, %broadcast_in_dim3A_339 : vector<1x384xf32>
      %get3A_341 = arith.constant 2 : index
      %get3A_342 = memref.load %arg5[%get3A_341] : memref<16xi32, #tpu.memory_space<smem>>
      %lt3A_343 = arith.cmpi slt, %add3A_312, %get3A_342 : i32
      %get3A_344 = arith.constant 2 : index
      %get3A_345 = memref.load %arg4[%get3A_344] : memref<16xi32, #tpu.memory_space<smem>>
      %add3A_346 = arith.addi %get3A_345, %add3A_312 : i32
      %jit3A_347 = arith.constant 0 : i32
      %select_n3A_348 = arith.select %lt3A_343, %add3A_346, %jit3A_347 : i32
      %get3A_349 = arith.index_cast %select_n3A_348 : i32 to index
      %get3A_350 = arith.constant 0 : index
      %get3A_351 = vector.load %arg0[%get3A_349, %get3A_350] : memref<10008x384xf32, #tpu.memory_space<vmem>>, vector<1x384xf32>
      %jit3A_352 = arith.constant 0.000000e+00 : f32
      %broadcast_in_dim3A_353 = vector.broadcast %jit3A_352 : f32 to vector<1x384xf32>
      %select_n3A_354 = arith.select %lt3A_343, %get3A_351, %broadcast_in_dim3A_353 : vector<1x384xf32>
      %get3A_355 = arith.constant 3 : index
      %get3A_356 = memref.load %arg5[%get3A_355] : memref<16xi32, #tpu.memory_space<smem>>
      %lt3A_357 = arith.cmpi slt, %add3A_312, %get3A_356 : i32
      %get3A_358 = arith.constant 3 : index
      %get3A_359 = memref.load %arg4[%get3A_358] : memref<16xi32, #tpu.memory_space<smem>>
      %add3A_360 = arith.addi %get3A_359, %add3A_312 : i32
      %jit3A_361 = arith.constant 0 : i32
      %select_n3A_362 = arith.select %lt3A_357, %add3A_360, %jit3A_361 : i32
      %get3A_363 = arith.index_cast %select_n3A_362 : i32 to index
      %get3A_364 = arith.constant 0 : index
      %get3A_365 = vector.load %arg0[%get3A_363, %get3A_364] : memref<10008x384xf32, #tpu.memory_space<vmem>>, vector<1x384xf32>
      %jit3A_366 = arith.constant 0.000000e+00 : f32
      %broadcast_in_dim3A_367 = vector.broadcast %jit3A_366 : f32 to vector<1x384xf32>
      %select_n3A_368 = arith.select %lt3A_357, %get3A_365, %broadcast_in_dim3A_367 : vector<1x384xf32>
      %get3A_369 = arith.constant 4 : index
      %get3A_370 = memref.load %arg5[%get3A_369] : memref<16xi32, #tpu.memory_space<smem>>
      %lt3A_371 = arith.cmpi slt, %add3A_312, %get3A_370 : i32
      %get3A_372 = arith.constant 4 : index
      %get3A_373 = memref.load %arg4[%get3A_372] : memref<16xi32, #tpu.memory_space<smem>>
      %add3A_374 = arith.addi %get3A_373, %add3A_312 : i32
      %jit3A_375 = arith.constant 0 : i32
      %select_n3A_376 = arith.select %lt3A_371, %add3A_374, %jit3A_375 : i32
      %get3A_377 = arith.index_cast %select_n3A_376 : i32 to index
      %get3A_378 = arith.constant 0 : index
      %get3A_379 = vector.load %arg0[%get3A_377, %get3A_378] : memref<10008x384xf32, #tpu.memory_space<vmem>>, vector<1x384xf32>
      %jit3A_380 = arith.constant 0.000000e+00 : f32
      %broadcast_in_dim3A_381 = vector.broadcast %jit3A_380 : f32 to vector<1x384xf32>
      %select_n3A_382 = arith.select %lt3A_371, %get3A_379, %broadcast_in_dim3A_381 : vector<1x384xf32>
      %get3A_383 = arith.constant 5 : index
      %get3A_384 = memref.load %arg5[%get3A_383] : memref<16xi32, #tpu.memory_space<smem>>
      %lt3A_385 = arith.cmpi slt, %add3A_312, %get3A_384 : i32
      %get3A_386 = arith.constant 5 : index
      %get3A_387 = memref.load %arg4[%get3A_386] : memref<16xi32, #tpu.memory_space<smem>>
      %add3A_388 = arith.addi %get3A_387, %add3A_312 : i32
      %jit3A_389 = arith.constant 0 : i32
      %select_n3A_390 = arith.select %lt3A_385, %add3A_388, %jit3A_389 : i32
      %get3A_391 = arith.index_cast %select_n3A_390 : i32 to index
      %get3A_392 = arith.constant 0 : index
      %get3A_393 = vector.load %arg0[%get3A_391, %get3A_392] : memref<10008x384xf32, #tpu.memory_space<vmem>>, vector<1x384xf32>
      %jit3A_394 = arith.constant 0.000000e+00 : f32
      %broadcast_in_dim3A_395 = vector.broadcast %jit3A_394 : f32 to vector<1x384xf32>
      %select_n3A_396 = arith.select %lt3A_385, %get3A_393, %broadcast_in_dim3A_395 : vector<1x384xf32>
      %get3A_397 = arith.constant 6 : index
      %get3A_398 = memref.load %arg5[%get3A_397] : memref<16xi32, #tpu.memory_space<smem>>
      %lt3A_399 = arith.cmpi slt, %add3A_312, %get3A_398 : i32
      %get3A_400 = arith.constant 6 : index
      %get3A_401 = memref.load %arg4[%get3A_400] : memref<16xi32, #tpu.memory_space<smem>>
      %add3A_402 = arith.addi %get3A_401, %add3A_312 : i32
      %jit3A_403 = arith.constant 0 : i32
      %select_n3A_404 = arith.select %lt3A_399, %add3A_402, %jit3A_403 : i32
      %get3A_405 = arith.index_cast %select_n3A_404 : i32 to index
      %get3A_406 = arith.constant 0 : index
      %get3A_407 = vector.load %arg0[%get3A_405, %get3A_406] : memref<10008x384xf32, #tpu.memory_space<vmem>>, vector<1x384xf32>
      %jit3A_408 = arith.constant 0.000000e+00 : f32
      %broadcast_in_dim3A_409 = vector.broadcast %jit3A_408 : f32 to vector<1x384xf32>
      %select_n3A_410 = arith.select %lt3A_399, %get3A_407, %broadcast_in_dim3A_409 : vector<1x384xf32>
      %get3A_411 = arith.constant 7 : index
      %get3A_412 = memref.load %arg5[%get3A_411] : memref<16xi32, #tpu.memory_space<smem>>
      %lt3A_413 = arith.cmpi slt, %add3A_312, %get3A_412 : i32
      %get3A_414 = arith.constant 7 : index
      %get3A_415 = memref.load %arg4[%get3A_414] : memref<16xi32, #tpu.memory_space<smem>>
      %add3A_416 = arith.addi %get3A_415, %add3A_312 : i32
      %jit3A_417 = arith.constant 0 : i32
      %select_n3A_418 = arith.select %lt3A_413, %add3A_416, %jit3A_417 : i32
      %get3A_419 = arith.index_cast %select_n3A_418 : i32 to index
      %get3A_420 = arith.constant 0 : index
      %get3A_421 = vector.load %arg0[%get3A_419, %get3A_420] : memref<10008x384xf32, #tpu.memory_space<vmem>>, vector<1x384xf32>
      %jit3A_422 = arith.constant 0.000000e+00 : f32
      %broadcast_in_dim3A_423 = vector.broadcast %jit3A_422 : f32 to vector<1x384xf32>
      %select_n3A_424 = arith.select %lt3A_413, %get3A_421, %broadcast_in_dim3A_423 : vector<1x384xf32>
      %get3A_425 = arith.constant 8 : index
      %get3A_426 = memref.load %arg5[%get3A_425] : memref<16xi32, #tpu.memory_space<smem>>
      %lt3A_427 = arith.cmpi slt, %add3A_312, %get3A_426 : i32
      %get3A_428 = arith.constant 8 : index
      %get3A_429 = memref.load %arg4[%get3A_428] : memref<16xi32, #tpu.memory_space<smem>>
      %add3A_430 = arith.addi %get3A_429, %add3A_312 : i32
      %jit3A_431 = arith.constant 0 : i32
      %select_n3A_432 = arith.select %lt3A_427, %add3A_430, %jit3A_431 : i32
      %get3A_433 = arith.index_cast %select_n3A_432 : i32 to index
      %get3A_434 = arith.constant 0 : index
      %get3A_435 = vector.load %arg0[%get3A_433, %get3A_434] : memref<10008x384xf32, #tpu.memory_space<vmem>>, vector<1x384xf32>
      %jit3A_436 = arith.constant 0.000000e+00 : f32
      %broadcast_in_dim3A_437 = vector.broadcast %jit3A_436 : f32 to vector<1x384xf32>
      %select_n3A_438 = arith.select %lt3A_427, %get3A_435, %broadcast_in_dim3A_437 : vector<1x384xf32>
      %get3A_439 = arith.constant 9 : index
      %get3A_440 = memref.load %arg5[%get3A_439] : memref<16xi32, #tpu.memory_space<smem>>
      %lt3A_441 = arith.cmpi slt, %add3A_312, %get3A_440 : i32
      %get3A_442 = arith.constant 9 : index
      %get3A_443 = memref.load %arg4[%get3A_442] : memref<16xi32, #tpu.memory_space<smem>>
      %add3A_444 = arith.addi %get3A_443, %add3A_312 : i32
      %jit3A_445 = arith.constant 0 : i32
      %select_n3A_446 = arith.select %lt3A_441, %add3A_444, %jit3A_445 : i32
      %get3A_447 = arith.index_cast %select_n3A_446 : i32 to index
      %get3A_448 = arith.constant 0 : index
      %get3A_449 = vector.load %arg0[%get3A_447, %get3A_448] : memref<10008x384xf32, #tpu.memory_space<vmem>>, vector<1x384xf32>
      %jit3A_450 = arith.constant 0.000000e+00 : f32
      %broadcast_in_dim3A_451 = vector.broadcast %jit3A_450 : f32 to vector<1x384xf32>
      %select_n3A_452 = arith.select %lt3A_441, %get3A_449, %broadcast_in_dim3A_451 : vector<1x384xf32>
      %get3A_453 = arith.constant 10 : index
      %get3A_454 = memref.load %arg5[%get3A_453] : memref<16xi32, #tpu.memory_space<smem>>
      %lt3A_455 = arith.cmpi slt, %add3A_312, %get3A_454 : i32
      %get3A_456 = arith.constant 10 : index
      %get3A_457 = memref.load %arg4[%get3A_456] : memref<16xi32, #tpu.memory_space<smem>>
      %add3A_458 = arith.addi %get3A_457, %add3A_312 : i32
      %jit3A_459 = arith.constant 0 : i32
      %select_n3A_460 = arith.select %lt3A_455, %add3A_458, %jit3A_459 : i32
      %get3A_461 = arith.index_cast %select_n3A_460 : i32 to index
      %get3A_462 = arith.constant 0 : index
      %get3A_463 = vector.load %arg0[%get3A_461, %get3A_462] : memref<10008x384xf32, #tpu.memory_space<vmem>>, vector<1x384xf32>
      %jit3A_464 = arith.constant 0.000000e+00 : f32
      %broadcast_in_dim3A_465 = vector.broadcast %jit3A_464 : f32 to vector<1x384xf32>
      %select_n3A_466 = arith.select %lt3A_455, %get3A_463, %broadcast_in_dim3A_465 : vector<1x384xf32>
      %get3A_467 = arith.constant 11 : index
      %get3A_468 = memref.load %arg5[%get3A_467] : memref<16xi32, #tpu.memory_space<smem>>
      %lt3A_469 = arith.cmpi slt, %add3A_312, %get3A_468 : i32
      %get3A_470 = arith.constant 11 : index
      %get3A_471 = memref.load %arg4[%get3A_470] : memref<16xi32, #tpu.memory_space<smem>>
      %add3A_472 = arith.addi %get3A_471, %add3A_312 : i32
      %jit3A_473 = arith.constant 0 : i32
      %select_n3A_474 = arith.select %lt3A_469, %add3A_472, %jit3A_473 : i32
      %get3A_475 = arith.index_cast %select_n3A_474 : i32 to index
      %get3A_476 = arith.constant 0 : index
      %get3A_477 = vector.load %arg0[%get3A_475, %get3A_476] : memref<10008x384xf32, #tpu.memory_space<vmem>>, vector<1x384xf32>
      %jit3A_478 = arith.constant 0.000000e+00 : f32
      %broadcast_in_dim3A_479 = vector.broadcast %jit3A_478 : f32 to vector<1x384xf32>
      %select_n3A_480 = arith.select %lt3A_469, %get3A_477, %broadcast_in_dim3A_479 : vector<1x384xf32>
      %get3A_481 = arith.constant 12 : index
      %get3A_482 = memref.load %arg5[%get3A_481] : memref<16xi32, #tpu.memory_space<smem>>
      %lt3A_483 = arith.cmpi slt, %add3A_312, %get3A_482 : i32
      %get3A_484 = arith.constant 12 : index
      %get3A_485 = memref.load %arg4[%get3A_484] : memref<16xi32, #tpu.memory_space<smem>>
      %add3A_486 = arith.addi %get3A_485, %add3A_312 : i32
      %jit3A_487 = arith.constant 0 : i32
      %select_n3A_488 = arith.select %lt3A_483, %add3A_486, %jit3A_487 : i32
      %get3A_489 = arith.index_cast %select_n3A_488 : i32 to index
      %get3A_490 = arith.constant 0 : index
      %get3A_491 = vector.load %arg0[%get3A_489, %get3A_490] : memref<10008x384xf32, #tpu.memory_space<vmem>>, vector<1x384xf32>
      %jit3A_492 = arith.constant 0.000000e+00 : f32
      %broadcast_in_dim3A_493 = vector.broadcast %jit3A_492 : f32 to vector<1x384xf32>
      %select_n3A_494 = arith.select %lt3A_483, %get3A_491, %broadcast_in_dim3A_493 : vector<1x384xf32>
      %get3A_495 = arith.constant 13 : index
      %get3A_496 = memref.load %arg5[%get3A_495] : memref<16xi32, #tpu.memory_space<smem>>
      %lt3A_497 = arith.cmpi slt, %add3A_312, %get3A_496 : i32
      %get3A_498 = arith.constant 13 : index
      %get3A_499 = memref.load %arg4[%get3A_498] : memref<16xi32, #tpu.memory_space<smem>>
      %add3A_500 = arith.addi %get3A_499, %add3A_312 : i32
      %jit3A_501 = arith.constant 0 : i32
      %select_n3A_502 = arith.select %lt3A_497, %add3A_500, %jit3A_501 : i32
      %get3A_503 = arith.index_cast %select_n3A_502 : i32 to index
      %get3A_504 = arith.constant 0 : index
      %get3A_505 = vector.load %arg0[%get3A_503, %get3A_504] : memref<10008x384xf32, #tpu.memory_space<vmem>>, vector<1x384xf32>
      %jit3A_506 = arith.constant 0.000000e+00 : f32
      %broadcast_in_dim3A_507 = vector.broadcast %jit3A_506 : f32 to vector<1x384xf32>
      %select_n3A_508 = arith.select %lt3A_497, %get3A_505, %broadcast_in_dim3A_507 : vector<1x384xf32>
      %get3A_509 = arith.constant 14 : index
      %get3A_510 = memref.load %arg5[%get3A_509] : memref<16xi32, #tpu.memory_space<smem>>
      %lt3A_511 = arith.cmpi slt, %add3A_312, %get3A_510 : i32
      %get3A_512 = arith.constant 14 : index
      %get3A_513 = memref.load %arg4[%get3A_512] : memref<16xi32, #tpu.memory_space<smem>>
      %add3A_514 = arith.addi %get3A_513, %add3A_312 : i32
      %jit3A_515 = arith.constant 0 : i32
      %select_n3A_516 = arith.select %lt3A_511, %add3A_514, %jit3A_515 : i32
      %get3A_517 = arith.index_cast %select_n3A_516 : i32 to index
      %get3A_518 = arith.constant 0 : index
      %get3A_519 = vector.load %arg0[%get3A_517, %get3A_518] : memref<10008x384xf32, #tpu.memory_space<vmem>>, vector<1x384xf32>
      %jit3A_520 = arith.constant 0.000000e+00 : f32
      %broadcast_in_dim3A_521 = vector.broadcast %jit3A_520 : f32 to vector<1x384xf32>
      %select_n3A_522 = arith.select %lt3A_511, %get3A_519, %broadcast_in_dim3A_521 : vector<1x384xf32>
      %get3A_523 = arith.constant 15 : index
      %get3A_524 = memref.load %arg5[%get3A_523] : memref<16xi32, #tpu.memory_space<smem>>
      %lt3A_525 = arith.cmpi slt, %add3A_312, %get3A_524 : i32
      %get3A_526 = arith.constant 15 : index
      %get3A_527 = memref.load %arg4[%get3A_526] : memref<16xi32, #tpu.memory_space<smem>>
      %add3A_528 = arith.addi %get3A_527, %add3A_312 : i32
      %jit3A_529 = arith.constant 0 : i32
      %select_n3A_530 = arith.select %lt3A_525, %add3A_528, %jit3A_529 : i32
      %get3A_531 = arith.index_cast %select_n3A_530 : i32 to index
      %get3A_532 = arith.constant 0 : index
      %get3A_533 = vector.load %arg0[%get3A_531, %get3A_532] : memref<10008x384xf32, #tpu.memory_space<vmem>>, vector<1x384xf32>
      %jit3A_534 = arith.constant 0.000000e+00 : f32
      %broadcast_in_dim3A_535 = vector.broadcast %jit3A_534 : f32 to vector<1x384xf32>
      %select_n3A_536 = arith.select %lt3A_525, %get3A_533, %broadcast_in_dim3A_535 : vector<1x384xf32>
      %concatenate3A_537 = tpu.concatenate %select_n3A_326, %select_n3A_340, %select_n3A_354, %select_n3A_368, %select_n3A_382, %select_n3A_396, %select_n3A_410, %select_n3A_424, %select_n3A_438, %select_n3A_452, %select_n3A_466, %select_n3A_480, %select_n3A_494, %select_n3A_508, %select_n3A_522, %select_n3A_536 in 0 : vector<1x384xf32>, vector<1x384xf32>, vector<1x384xf32>, vector<1x384xf32>, vector<1x384xf32>, vector<1x384xf32>, vector<1x384xf32>, vector<1x384xf32>, vector<1x384xf32>, vector<1x384xf32>, vector<1x384xf32>, vector<1x384xf32>, vector<1x384xf32>, vector<1x384xf32>, vector<1x384xf32>, vector<1x384xf32> -> vector<16x384xf32>
      %add3A_538 = vector.broadcast %get3A_3 : vector<1x384xf32> to vector<16x384xf32>
      %add3A_539 = arith.addf %concatenate3A_537, %add3A_538 : vector<16x384xf32>
      %add3A_540 = arith.constant 0 : i32
      %add3A_541 = arith.addi %mul3A_83, %add3A_540 : i32
      %dot_general3A_542 = arith.constant dense<0.000000e+00> : vector<16x384xf32>
      %dot_general3A_543 = tpu.matmul %while3A_80, %get3A_9, %dot_general3A_542 {dimension_numbers = #tpu.dot_dimension_numbers<[1], [0], [0], [1], [0, 0, 1, 1], [], []>, transpose_lhs_hint = false} : vector<16x128xf32>, vector<128x384xf32>, vector<16x384xf32> -> vector<16x384xf32>
      %add3A_544 = vector.broadcast %get3A_6 : vector<1x384xf32> to vector<16x384xf32>
      %add3A_545 = arith.addf %dot_general3A_543, %add3A_544 : vector<16x384xf32>
      %slice3A = vector.extract_strided_slice %add3A_310 {offsets = [0, 0], sizes = [16, 128], strides = [1, 1]} : vector<16x384xf32> to vector<16x128xf32>
      %slice3A_546 = vector.extract_strided_slice %add3A_545 {offsets = [0, 0], sizes = [16, 128], strides = [1, 1]} : vector<16x384xf32> to vector<16x128xf32>
      %add3A_547 = arith.addf %slice3A, %slice3A_546 : vector<16x128xf32>
      %logistic3A_548 = arith.negf %add3A_547 : vector<16x128xf32>
      %logistic3A_549 = math.exp %logistic3A_548 : vector<16x128xf32>
      %logistic3A_550 = arith.constant 1.000000e+00 : f32
      %logistic3A_551 = vector.broadcast %logistic3A_550 : f32 to vector<16x128xf32>
      %logistic3A_552 = arith.addf %logistic3A_551, %logistic3A_549 : vector<16x128xf32>
      %logistic3A_553 = arith.divf %logistic3A_551, %logistic3A_552 : vector<16x128xf32>
      %slice3A_554 = vector.extract_strided_slice %add3A_310 {offsets = [0, 128], sizes = [16, 128], strides = [1, 1]} : vector<16x384xf32> to vector<16x128xf32>
      %slice3A_555 = vector.extract_strided_slice %add3A_545 {offsets = [0, 128], sizes = [16, 128], strides = [1, 1]} : vector<16x384xf32> to vector<16x128xf32>
      %add3A_556 = arith.addf %slice3A_554, %slice3A_555 : vector<16x128xf32>
      %logistic3A_557 = arith.negf %add3A_556 : vector<16x128xf32>
      %logistic3A_558 = math.exp %logistic3A_557 : vector<16x128xf32>
      %logistic3A_559 = arith.constant 1.000000e+00 : f32
      %logistic3A_560 = vector.broadcast %logistic3A_559 : f32 to vector<16x128xf32>
      %logistic3A_561 = arith.addf %logistic3A_560, %logistic3A_558 : vector<16x128xf32>
      %logistic3A_562 = arith.divf %logistic3A_560, %logistic3A_561 : vector<16x128xf32>
      %slice3A_563 = vector.extract_strided_slice %add3A_310 {offsets = [0, 256], sizes = [16, 128], strides = [1, 1]} : vector<16x384xf32> to vector<16x128xf32>
      %slice3A_564 = vector.extract_strided_slice %add3A_545 {offsets = [0, 256], sizes = [16, 128], strides = [1, 1]} : vector<16x384xf32> to vector<16x128xf32>
      %mul3A_565 = arith.mulf %logistic3A_553, %slice3A_564 : vector<16x128xf32>
      %add3A_566 = arith.addf %slice3A_563, %mul3A_565 : vector<16x128xf32>
      %tanh3A = math.tanh %add3A_566 : vector<16x128xf32>
      %sub3A_567 = arith.constant 1.000000e+00 : f32
      %sub3A_568 = vector.broadcast %sub3A_567 : f32 to vector<16x128xf32>
      %sub3A_569 = arith.subf %sub3A_568, %logistic3A_562 : vector<16x128xf32>
      %mul3A_570 = arith.mulf %sub3A_569, %tanh3A : vector<16x128xf32>
      %mul3A_571 = arith.mulf %logistic3A_562, %while3A_80 : vector<16x128xf32>
      %add3A_572 = arith.addf %mul3A_570, %mul3A_571 : vector<16x128xf32>
      %lt3A_573 = arith.cmpi slt, %add3A_541, %get3A_0 : i32
      %select_n3A_574 = arith.select %lt3A_573, %add3A_572, %while3A_80 : vector<16x128xf32>
      %jit3A_575 = arith.constant 0.000000e+00 : f32
      %broadcast_in_dim3A_576 = vector.broadcast %jit3A_575 : f32 to vector<16x128xf32>
      %select_n3A_577 = arith.select %lt3A_573, %add3A_572, %broadcast_in_dim3A_576 : vector<16x128xf32>
      %add3A_578 = arith.addf %while3A_81, %select_n3A_577 : vector<16x128xf32>
      %add3A_579 = arith.constant 1 : i32
      %add3A_580 = arith.addi %mul3A_83, %add3A_579 : i32
      %dot_general3A_581 = arith.constant dense<0.000000e+00> : vector<16x384xf32>
      %dot_general3A_582 = tpu.matmul %select_n3A_574, %get3A_9, %dot_general3A_581 {dimension_numbers = #tpu.dot_dimension_numbers<[1], [0], [0], [1], [0, 0, 1, 1], [], []>, transpose_lhs_hint = false} : vector<16x128xf32>, vector<128x384xf32>, vector<16x384xf32> -> vector<16x384xf32>
      %add3A_583 = vector.broadcast %get3A_6 : vector<1x384xf32> to vector<16x384xf32>
      %add3A_584 = arith.addf %dot_general3A_582, %add3A_583 : vector<16x384xf32>
      %slice3A_585 = vector.extract_strided_slice %add3A_539 {offsets = [0, 0], sizes = [16, 128], strides = [1, 1]} : vector<16x384xf32> to vector<16x128xf32>
      %slice3A_586 = vector.extract_strided_slice %add3A_584 {offsets = [0, 0], sizes = [16, 128], strides = [1, 1]} : vector<16x384xf32> to vector<16x128xf32>
      %add3A_587 = arith.addf %slice3A_585, %slice3A_586 : vector<16x128xf32>
      %logistic3A_588 = arith.negf %add3A_587 : vector<16x128xf32>
      %logistic3A_589 = math.exp %logistic3A_588 : vector<16x128xf32>
      %logistic3A_590 = arith.constant 1.000000e+00 : f32
      %logistic3A_591 = vector.broadcast %logistic3A_590 : f32 to vector<16x128xf32>
      %logistic3A_592 = arith.addf %logistic3A_591, %logistic3A_589 : vector<16x128xf32>
      %logistic3A_593 = arith.divf %logistic3A_591, %logistic3A_592 : vector<16x128xf32>
      %slice3A_594 = vector.extract_strided_slice %add3A_539 {offsets = [0, 128], sizes = [16, 128], strides = [1, 1]} : vector<16x384xf32> to vector<16x128xf32>
      %slice3A_595 = vector.extract_strided_slice %add3A_584 {offsets = [0, 128], sizes = [16, 128], strides = [1, 1]} : vector<16x384xf32> to vector<16x128xf32>
      %add3A_596 = arith.addf %slice3A_594, %slice3A_595 : vector<16x128xf32>
      %logistic3A_597 = arith.negf %add3A_596 : vector<16x128xf32>
      %logistic3A_598 = math.exp %logistic3A_597 : vector<16x128xf32>
      %logistic3A_599 = arith.constant 1.000000e+00 : f32
      %logistic3A_600 = vector.broadcast %logistic3A_599 : f32 to vector<16x128xf32>
      %logistic3A_601 = arith.addf %logistic3A_600, %logistic3A_598 : vector<16x128xf32>
      %logistic3A_602 = arith.divf %logistic3A_600, %logistic3A_601 : vector<16x128xf32>
      %slice3A_603 = vector.extract_strided_slice %add3A_539 {offsets = [0, 256], sizes = [16, 128], strides = [1, 1]} : vector<16x384xf32> to vector<16x128xf32>
      %slice3A_604 = vector.extract_strided_slice %add3A_584 {offsets = [0, 256], sizes = [16, 128], strides = [1, 1]} : vector<16x384xf32> to vector<16x128xf32>
      %mul3A_605 = arith.mulf %logistic3A_593, %slice3A_604 : vector<16x128xf32>
      %add3A_606 = arith.addf %slice3A_603, %mul3A_605 : vector<16x128xf32>
      %tanh3A_607 = math.tanh %add3A_606 : vector<16x128xf32>
      %sub3A_608 = arith.constant 1.000000e+00 : f32
      %sub3A_609 = vector.broadcast %sub3A_608 : f32 to vector<16x128xf32>
      %sub3A_610 = arith.subf %sub3A_609, %logistic3A_602 : vector<16x128xf32>
      %mul3A_611 = arith.mulf %sub3A_610, %tanh3A_607 : vector<16x128xf32>
      %mul3A_612 = arith.mulf %logistic3A_602, %select_n3A_574 : vector<16x128xf32>
      %add3A_613 = arith.addf %mul3A_611, %mul3A_612 : vector<16x128xf32>
      %lt3A_614 = arith.cmpi slt, %add3A_580, %get3A_0 : i32
      %select_n3A_615 = arith.select %lt3A_614, %add3A_613, %select_n3A_574 : vector<16x128xf32>
      %jit3A_616 = arith.constant 0.000000e+00 : f32
      %broadcast_in_dim3A_617 = vector.broadcast %jit3A_616 : f32 to vector<16x128xf32>
      %select_n3A_618 = arith.select %lt3A_614, %add3A_613, %broadcast_in_dim3A_617 : vector<16x128xf32>
      %add3A_619 = arith.addf %add3A_578, %select_n3A_618 : vector<16x128xf32>
      scf.yield %select_n3A_615, %add3A_619 : vector<16x128xf32>, vector<16x128xf32>
    }
    %while3A_38 = arith.constant 1 : i32
    %while3A_39:2 = scf.for %while3A_79 = %while3A_35 to %while3A_31 step %while3A_38 iter_args(%while3A_80 = %while3A_37#0, %while3A_81 = %while3A_37#1) -> (vector<16x128xf32>, vector<16x128xf32>)  : i32 {
      %mul3A_82 = arith.constant 2 : i32
      %mul3A_83 = arith.muli %mul3A_82, %while3A_79 : i32
      %add3A_84 = arith.constant 0 : i32
      %add3A_85 = arith.addi %mul3A_83, %add3A_84 : i32
      %get3A_86 = arith.constant 0 : index
      %get3A_87 = memref.load %arg5[%get3A_86] : memref<16xi32, #tpu.memory_space<smem>>
      %lt3A = arith.cmpi slt, %add3A_85, %get3A_87 : i32
      %get3A_88 = arith.constant 0 : index
      %get3A_89 = memref.load %arg4[%get3A_88] : memref<16xi32, #tpu.memory_space<smem>>
      %add3A_90 = arith.addi %get3A_89, %add3A_85 : i32
      %jit3A_91 = arith.constant 0 : i32
      %select_n3A_92 = arith.select %lt3A, %add3A_90, %jit3A_91 : i32
      %get3A_93 = arith.index_cast %select_n3A_92 : i32 to index
      %get3A_94 = arith.constant 0 : index
      %get3A_95 = vector.load %arg0[%get3A_93, %get3A_94] : memref<10008x384xf32, #tpu.memory_space<vmem>>, vector<1x384xf32>
      %jit3A_96 = arith.constant 0.000000e+00 : f32
      %broadcast_in_dim3A_97 = vector.broadcast %jit3A_96 : f32 to vector<1x384xf32>
      %select_n3A_98 = arith.select %lt3A, %get3A_95, %broadcast_in_dim3A_97 : vector<1x384xf32>
      %get3A_99 = arith.constant 1 : index
      %get3A_100 = memref.load %arg5[%get3A_99] : memref<16xi32, #tpu.memory_space<smem>>
      %lt3A_101 = arith.cmpi slt, %add3A_85, %get3A_100 : i32
      %get3A_102 = arith.constant 1 : index
      %get3A_103 = memref.load %arg4[%get3A_102] : memref<16xi32, #tpu.memory_space<smem>>
      %add3A_104 = arith.addi %get3A_103, %add3A_85 : i32
      %jit3A_105 = arith.constant 0 : i32
      %select_n3A_106 = arith.select %lt3A_101, %add3A_104, %jit3A_105 : i32
      %get3A_107 = arith.index_cast %select_n3A_106 : i32 to index
      %get3A_108 = arith.constant 0 : index
      %get3A_109 = vector.load %arg0[%get3A_107, %get3A_108] : memref<10008x384xf32, #tpu.memory_space<vmem>>, vector<1x384xf32>
      %jit3A_110 = arith.constant 0.000000e+00 : f32
      %broadcast_in_dim3A_111 = vector.broadcast %jit3A_110 : f32 to vector<1x384xf32>
      %select_n3A_112 = arith.select %lt3A_101, %get3A_109, %broadcast_in_dim3A_111 : vector<1x384xf32>
      %get3A_113 = arith.constant 2 : index
      %get3A_114 = memref.load %arg5[%get3A_113] : memref<16xi32, #tpu.memory_space<smem>>
      %lt3A_115 = arith.cmpi slt, %add3A_85, %get3A_114 : i32
      %get3A_116 = arith.constant 2 : index
      %get3A_117 = memref.load %arg4[%get3A_116] : memref<16xi32, #tpu.memory_space<smem>>
      %add3A_118 = arith.addi %get3A_117, %add3A_85 : i32
      %jit3A_119 = arith.constant 0 : i32
      %select_n3A_120 = arith.select %lt3A_115, %add3A_118, %jit3A_119 : i32
      %get3A_121 = arith.index_cast %select_n3A_120 : i32 to index
      %get3A_122 = arith.constant 0 : index
      %get3A_123 = vector.load %arg0[%get3A_121, %get3A_122] : memref<10008x384xf32, #tpu.memory_space<vmem>>, vector<1x384xf32>
      %jit3A_124 = arith.constant 0.000000e+00 : f32
      %broadcast_in_dim3A_125 = vector.broadcast %jit3A_124 : f32 to vector<1x384xf32>
      %select_n3A_126 = arith.select %lt3A_115, %get3A_123, %broadcast_in_dim3A_125 : vector<1x384xf32>
      %get3A_127 = arith.constant 3 : index
      %get3A_128 = memref.load %arg5[%get3A_127] : memref<16xi32, #tpu.memory_space<smem>>
      %lt3A_129 = arith.cmpi slt, %add3A_85, %get3A_128 : i32
      %get3A_130 = arith.constant 3 : index
      %get3A_131 = memref.load %arg4[%get3A_130] : memref<16xi32, #tpu.memory_space<smem>>
      %add3A_132 = arith.addi %get3A_131, %add3A_85 : i32
      %jit3A_133 = arith.constant 0 : i32
      %select_n3A_134 = arith.select %lt3A_129, %add3A_132, %jit3A_133 : i32
      %get3A_135 = arith.index_cast %select_n3A_134 : i32 to index
      %get3A_136 = arith.constant 0 : index
      %get3A_137 = vector.load %arg0[%get3A_135, %get3A_136] : memref<10008x384xf32, #tpu.memory_space<vmem>>, vector<1x384xf32>
      %jit3A_138 = arith.constant 0.000000e+00 : f32
      %broadcast_in_dim3A_139 = vector.broadcast %jit3A_138 : f32 to vector<1x384xf32>
      %select_n3A_140 = arith.select %lt3A_129, %get3A_137, %broadcast_in_dim3A_139 : vector<1x384xf32>
      %get3A_141 = arith.constant 4 : index
      %get3A_142 = memref.load %arg5[%get3A_141] : memref<16xi32, #tpu.memory_space<smem>>
      %lt3A_143 = arith.cmpi slt, %add3A_85, %get3A_142 : i32
      %get3A_144 = arith.constant 4 : index
      %get3A_145 = memref.load %arg4[%get3A_144] : memref<16xi32, #tpu.memory_space<smem>>
      %add3A_146 = arith.addi %get3A_145, %add3A_85 : i32
      %jit3A_147 = arith.constant 0 : i32
      %select_n3A_148 = arith.select %lt3A_143, %add3A_146, %jit3A_147 : i32
      %get3A_149 = arith.index_cast %select_n3A_148 : i32 to index
      %get3A_150 = arith.constant 0 : index
      %get3A_151 = vector.load %arg0[%get3A_149, %get3A_150] : memref<10008x384xf32, #tpu.memory_space<vmem>>, vector<1x384xf32>
      %jit3A_152 = arith.constant 0.000000e+00 : f32
      %broadcast_in_dim3A_153 = vector.broadcast %jit3A_152 : f32 to vector<1x384xf32>
      %select_n3A_154 = arith.select %lt3A_143, %get3A_151, %broadcast_in_dim3A_153 : vector<1x384xf32>
      %get3A_155 = arith.constant 5 : index
      %get3A_156 = memref.load %arg5[%get3A_155] : memref<16xi32, #tpu.memory_space<smem>>
      %lt3A_157 = arith.cmpi slt, %add3A_85, %get3A_156 : i32
      %get3A_158 = arith.constant 5 : index
      %get3A_159 = memref.load %arg4[%get3A_158] : memref<16xi32, #tpu.memory_space<smem>>
      %add3A_160 = arith.addi %get3A_159, %add3A_85 : i32
      %jit3A_161 = arith.constant 0 : i32
      %select_n3A_162 = arith.select %lt3A_157, %add3A_160, %jit3A_161 : i32
      %get3A_163 = arith.index_cast %select_n3A_162 : i32 to index
      %get3A_164 = arith.constant 0 : index
      %get3A_165 = vector.load %arg0[%get3A_163, %get3A_164] : memref<10008x384xf32, #tpu.memory_space<vmem>>, vector<1x384xf32>
      %jit3A_166 = arith.constant 0.000000e+00 : f32
      %broadcast_in_dim3A_167 = vector.broadcast %jit3A_166 : f32 to vector<1x384xf32>
      %select_n3A_168 = arith.select %lt3A_157, %get3A_165, %broadcast_in_dim3A_167 : vector<1x384xf32>
      %get3A_169 = arith.constant 6 : index
      %get3A_170 = memref.load %arg5[%get3A_169] : memref<16xi32, #tpu.memory_space<smem>>
      %lt3A_171 = arith.cmpi slt, %add3A_85, %get3A_170 : i32
      %get3A_172 = arith.constant 6 : index
      %get3A_173 = memref.load %arg4[%get3A_172] : memref<16xi32, #tpu.memory_space<smem>>
      %add3A_174 = arith.addi %get3A_173, %add3A_85 : i32
      %jit3A_175 = arith.constant 0 : i32
      %select_n3A_176 = arith.select %lt3A_171, %add3A_174, %jit3A_175 : i32
      %get3A_177 = arith.index_cast %select_n3A_176 : i32 to index
      %get3A_178 = arith.constant 0 : index
      %get3A_179 = vector.load %arg0[%get3A_177, %get3A_178] : memref<10008x384xf32, #tpu.memory_space<vmem>>, vector<1x384xf32>
      %jit3A_180 = arith.constant 0.000000e+00 : f32
      %broadcast_in_dim3A_181 = vector.broadcast %jit3A_180 : f32 to vector<1x384xf32>
      %select_n3A_182 = arith.select %lt3A_171, %get3A_179, %broadcast_in_dim3A_181 : vector<1x384xf32>
      %get3A_183 = arith.constant 7 : index
      %get3A_184 = memref.load %arg5[%get3A_183] : memref<16xi32, #tpu.memory_space<smem>>
      %lt3A_185 = arith.cmpi slt, %add3A_85, %get3A_184 : i32
      %get3A_186 = arith.constant 7 : index
      %get3A_187 = memref.load %arg4[%get3A_186] : memref<16xi32, #tpu.memory_space<smem>>
      %add3A_188 = arith.addi %get3A_187, %add3A_85 : i32
      %jit3A_189 = arith.constant 0 : i32
      %select_n3A_190 = arith.select %lt3A_185, %add3A_188, %jit3A_189 : i32
      %get3A_191 = arith.index_cast %select_n3A_190 : i32 to index
      %get3A_192 = arith.constant 0 : index
      %get3A_193 = vector.load %arg0[%get3A_191, %get3A_192] : memref<10008x384xf32, #tpu.memory_space<vmem>>, vector<1x384xf32>
      %jit3A_194 = arith.constant 0.000000e+00 : f32
      %broadcast_in_dim3A_195 = vector.broadcast %jit3A_194 : f32 to vector<1x384xf32>
      %select_n3A_196 = arith.select %lt3A_185, %get3A_193, %broadcast_in_dim3A_195 : vector<1x384xf32>
      %get3A_197 = arith.constant 8 : index
      %get3A_198 = memref.load %arg5[%get3A_197] : memref<16xi32, #tpu.memory_space<smem>>
      %lt3A_199 = arith.cmpi slt, %add3A_85, %get3A_198 : i32
      %get3A_200 = arith.constant 8 : index
      %get3A_201 = memref.load %arg4[%get3A_200] : memref<16xi32, #tpu.memory_space<smem>>
      %add3A_202 = arith.addi %get3A_201, %add3A_85 : i32
      %jit3A_203 = arith.constant 0 : i32
      %select_n3A_204 = arith.select %lt3A_199, %add3A_202, %jit3A_203 : i32
      %get3A_205 = arith.index_cast %select_n3A_204 : i32 to index
      %get3A_206 = arith.constant 0 : index
      %get3A_207 = vector.load %arg0[%get3A_205, %get3A_206] : memref<10008x384xf32, #tpu.memory_space<vmem>>, vector<1x384xf32>
      %jit3A_208 = arith.constant 0.000000e+00 : f32
      %broadcast_in_dim3A_209 = vector.broadcast %jit3A_208 : f32 to vector<1x384xf32>
      %select_n3A_210 = arith.select %lt3A_199, %get3A_207, %broadcast_in_dim3A_209 : vector<1x384xf32>
      %get3A_211 = arith.constant 9 : index
      %get3A_212 = memref.load %arg5[%get3A_211] : memref<16xi32, #tpu.memory_space<smem>>
      %lt3A_213 = arith.cmpi slt, %add3A_85, %get3A_212 : i32
      %get3A_214 = arith.constant 9 : index
      %get3A_215 = memref.load %arg4[%get3A_214] : memref<16xi32, #tpu.memory_space<smem>>
      %add3A_216 = arith.addi %get3A_215, %add3A_85 : i32
      %jit3A_217 = arith.constant 0 : i32
      %select_n3A_218 = arith.select %lt3A_213, %add3A_216, %jit3A_217 : i32
      %get3A_219 = arith.index_cast %select_n3A_218 : i32 to index
      %get3A_220 = arith.constant 0 : index
      %get3A_221 = vector.load %arg0[%get3A_219, %get3A_220] : memref<10008x384xf32, #tpu.memory_space<vmem>>, vector<1x384xf32>
      %jit3A_222 = arith.constant 0.000000e+00 : f32
      %broadcast_in_dim3A_223 = vector.broadcast %jit3A_222 : f32 to vector<1x384xf32>
      %select_n3A_224 = arith.select %lt3A_213, %get3A_221, %broadcast_in_dim3A_223 : vector<1x384xf32>
      %get3A_225 = arith.constant 10 : index
      %get3A_226 = memref.load %arg5[%get3A_225] : memref<16xi32, #tpu.memory_space<smem>>
      %lt3A_227 = arith.cmpi slt, %add3A_85, %get3A_226 : i32
      %get3A_228 = arith.constant 10 : index
      %get3A_229 = memref.load %arg4[%get3A_228] : memref<16xi32, #tpu.memory_space<smem>>
      %add3A_230 = arith.addi %get3A_229, %add3A_85 : i32
      %jit3A_231 = arith.constant 0 : i32
      %select_n3A_232 = arith.select %lt3A_227, %add3A_230, %jit3A_231 : i32
      %get3A_233 = arith.index_cast %select_n3A_232 : i32 to index
      %get3A_234 = arith.constant 0 : index
      %get3A_235 = vector.load %arg0[%get3A_233, %get3A_234] : memref<10008x384xf32, #tpu.memory_space<vmem>>, vector<1x384xf32>
      %jit3A_236 = arith.constant 0.000000e+00 : f32
      %broadcast_in_dim3A_237 = vector.broadcast %jit3A_236 : f32 to vector<1x384xf32>
      %select_n3A_238 = arith.select %lt3A_227, %get3A_235, %broadcast_in_dim3A_237 : vector<1x384xf32>
      %get3A_239 = arith.constant 11 : index
      %get3A_240 = memref.load %arg5[%get3A_239] : memref<16xi32, #tpu.memory_space<smem>>
      %lt3A_241 = arith.cmpi slt, %add3A_85, %get3A_240 : i32
      %get3A_242 = arith.constant 11 : index
      %get3A_243 = memref.load %arg4[%get3A_242] : memref<16xi32, #tpu.memory_space<smem>>
      %add3A_244 = arith.addi %get3A_243, %add3A_85 : i32
      %jit3A_245 = arith.constant 0 : i32
      %select_n3A_246 = arith.select %lt3A_241, %add3A_244, %jit3A_245 : i32
      %get3A_247 = arith.index_cast %select_n3A_246 : i32 to index
      %get3A_248 = arith.constant 0 : index
      %get3A_249 = vector.load %arg0[%get3A_247, %get3A_248] : memref<10008x384xf32, #tpu.memory_space<vmem>>, vector<1x384xf32>
      %jit3A_250 = arith.constant 0.000000e+00 : f32
      %broadcast_in_dim3A_251 = vector.broadcast %jit3A_250 : f32 to vector<1x384xf32>
      %select_n3A_252 = arith.select %lt3A_241, %get3A_249, %broadcast_in_dim3A_251 : vector<1x384xf32>
      %get3A_253 = arith.constant 12 : index
      %get3A_254 = memref.load %arg5[%get3A_253] : memref<16xi32, #tpu.memory_space<smem>>
      %lt3A_255 = arith.cmpi slt, %add3A_85, %get3A_254 : i32
      %get3A_256 = arith.constant 12 : index
      %get3A_257 = memref.load %arg4[%get3A_256] : memref<16xi32, #tpu.memory_space<smem>>
      %add3A_258 = arith.addi %get3A_257, %add3A_85 : i32
      %jit3A_259 = arith.constant 0 : i32
      %select_n3A_260 = arith.select %lt3A_255, %add3A_258, %jit3A_259 : i32
      %get3A_261 = arith.index_cast %select_n3A_260 : i32 to index
      %get3A_262 = arith.constant 0 : index
      %get3A_263 = vector.load %arg0[%get3A_261, %get3A_262] : memref<10008x384xf32, #tpu.memory_space<vmem>>, vector<1x384xf32>
      %jit3A_264 = arith.constant 0.000000e+00 : f32
      %broadcast_in_dim3A_265 = vector.broadcast %jit3A_264 : f32 to vector<1x384xf32>
      %select_n3A_266 = arith.select %lt3A_255, %get3A_263, %broadcast_in_dim3A_265 : vector<1x384xf32>
      %get3A_267 = arith.constant 13 : index
      %get3A_268 = memref.load %arg5[%get3A_267] : memref<16xi32, #tpu.memory_space<smem>>
      %lt3A_269 = arith.cmpi slt, %add3A_85, %get3A_268 : i32
      %get3A_270 = arith.constant 13 : index
      %get3A_271 = memref.load %arg4[%get3A_270] : memref<16xi32, #tpu.memory_space<smem>>
      %add3A_272 = arith.addi %get3A_271, %add3A_85 : i32
      %jit3A_273 = arith.constant 0 : i32
      %select_n3A_274 = arith.select %lt3A_269, %add3A_272, %jit3A_273 : i32
      %get3A_275 = arith.index_cast %select_n3A_274 : i32 to index
      %get3A_276 = arith.constant 0 : index
      %get3A_277 = vector.load %arg0[%get3A_275, %get3A_276] : memref<10008x384xf32, #tpu.memory_space<vmem>>, vector<1x384xf32>
      %jit3A_278 = arith.constant 0.000000e+00 : f32
      %broadcast_in_dim3A_279 = vector.broadcast %jit3A_278 : f32 to vector<1x384xf32>
      %select_n3A_280 = arith.select %lt3A_269, %get3A_277, %broadcast_in_dim3A_279 : vector<1x384xf32>
      %get3A_281 = arith.constant 14 : index
      %get3A_282 = memref.load %arg5[%get3A_281] : memref<16xi32, #tpu.memory_space<smem>>
      %lt3A_283 = arith.cmpi slt, %add3A_85, %get3A_282 : i32
      %get3A_284 = arith.constant 14 : index
      %get3A_285 = memref.load %arg4[%get3A_284] : memref<16xi32, #tpu.memory_space<smem>>
      %add3A_286 = arith.addi %get3A_285, %add3A_85 : i32
      %jit3A_287 = arith.constant 0 : i32
      %select_n3A_288 = arith.select %lt3A_283, %add3A_286, %jit3A_287 : i32
      %get3A_289 = arith.index_cast %select_n3A_288 : i32 to index
      %get3A_290 = arith.constant 0 : index
      %get3A_291 = vector.load %arg0[%get3A_289, %get3A_290] : memref<10008x384xf32, #tpu.memory_space<vmem>>, vector<1x384xf32>
      %jit3A_292 = arith.constant 0.000000e+00 : f32
      %broadcast_in_dim3A_293 = vector.broadcast %jit3A_292 : f32 to vector<1x384xf32>
      %select_n3A_294 = arith.select %lt3A_283, %get3A_291, %broadcast_in_dim3A_293 : vector<1x384xf32>
      %get3A_295 = arith.constant 15 : index
      %get3A_296 = memref.load %arg5[%get3A_295] : memref<16xi32, #tpu.memory_space<smem>>
      %lt3A_297 = arith.cmpi slt, %add3A_85, %get3A_296 : i32
      %get3A_298 = arith.constant 15 : index
      %get3A_299 = memref.load %arg4[%get3A_298] : memref<16xi32, #tpu.memory_space<smem>>
      %add3A_300 = arith.addi %get3A_299, %add3A_85 : i32
      %jit3A_301 = arith.constant 0 : i32
      %select_n3A_302 = arith.select %lt3A_297, %add3A_300, %jit3A_301 : i32
      %get3A_303 = arith.index_cast %select_n3A_302 : i32 to index
      %get3A_304 = arith.constant 0 : index
      %get3A_305 = vector.load %arg0[%get3A_303, %get3A_304] : memref<10008x384xf32, #tpu.memory_space<vmem>>, vector<1x384xf32>
      %jit3A_306 = arith.constant 0.000000e+00 : f32
      %broadcast_in_dim3A_307 = vector.broadcast %jit3A_306 : f32 to vector<1x384xf32>
      %select_n3A_308 = arith.select %lt3A_297, %get3A_305, %broadcast_in_dim3A_307 : vector<1x384xf32>
      %concatenate3A = tpu.concatenate %select_n3A_98, %select_n3A_112, %select_n3A_126, %select_n3A_140, %select_n3A_154, %select_n3A_168, %select_n3A_182, %select_n3A_196, %select_n3A_210, %select_n3A_224, %select_n3A_238, %select_n3A_252, %select_n3A_266, %select_n3A_280, %select_n3A_294, %select_n3A_308 in 0 : vector<1x384xf32>, vector<1x384xf32>, vector<1x384xf32>, vector<1x384xf32>, vector<1x384xf32>, vector<1x384xf32>, vector<1x384xf32>, vector<1x384xf32>, vector<1x384xf32>, vector<1x384xf32>, vector<1x384xf32>, vector<1x384xf32>, vector<1x384xf32>, vector<1x384xf32>, vector<1x384xf32>, vector<1x384xf32> -> vector<16x384xf32>
      %add3A_309 = vector.broadcast %get3A_3 : vector<1x384xf32> to vector<16x384xf32>
      %add3A_310 = arith.addf %concatenate3A, %add3A_309 : vector<16x384xf32>
      %add3A_311 = arith.constant 1 : i32
      %add3A_312 = arith.addi %mul3A_83, %add3A_311 : i32
      %get3A_313 = arith.constant 0 : index
      %get3A_314 = memref.load %arg5[%get3A_313] : memref<16xi32, #tpu.memory_space<smem>>
      %lt3A_315 = arith.cmpi slt, %add3A_312, %get3A_314 : i32
      %get3A_316 = arith.constant 0 : index
      %get3A_317 = memref.load %arg4[%get3A_316] : memref<16xi32, #tpu.memory_space<smem>>
      %add3A_318 = arith.addi %get3A_317, %add3A_312 : i32
      %jit3A_319 = arith.constant 0 : i32
      %select_n3A_320 = arith.select %lt3A_315, %add3A_318, %jit3A_319 : i32
      %get3A_321 = arith.index_cast %select_n3A_320 : i32 to index
      %get3A_322 = arith.constant 0 : index
      %get3A_323 = vector.load %arg0[%get3A_321, %get3A_322] : memref<10008x384xf32, #tpu.memory_space<vmem>>, vector<1x384xf32>
      %jit3A_324 = arith.constant 0.000000e+00 : f32
      %broadcast_in_dim3A_325 = vector.broadcast %jit3A_324 : f32 to vector<1x384xf32>
      %select_n3A_326 = arith.select %lt3A_315, %get3A_323, %broadcast_in_dim3A_325 : vector<1x384xf32>
      %get3A_327 = arith.constant 1 : index
      %get3A_328 = memref.load %arg5[%get3A_327] : memref<16xi32, #tpu.memory_space<smem>>
      %lt3A_329 = arith.cmpi slt, %add3A_312, %get3A_328 : i32
      %get3A_330 = arith.constant 1 : index
      %get3A_331 = memref.load %arg4[%get3A_330] : memref<16xi32, #tpu.memory_space<smem>>
      %add3A_332 = arith.addi %get3A_331, %add3A_312 : i32
      %jit3A_333 = arith.constant 0 : i32
      %select_n3A_334 = arith.select %lt3A_329, %add3A_332, %jit3A_333 : i32
      %get3A_335 = arith.index_cast %select_n3A_334 : i32 to index
      %get3A_336 = arith.constant 0 : index
      %get3A_337 = vector.load %arg0[%get3A_335, %get3A_336] : memref<10008x384xf32, #tpu.memory_space<vmem>>, vector<1x384xf32>
      %jit3A_338 = arith.constant 0.000000e+00 : f32
      %broadcast_in_dim3A_339 = vector.broadcast %jit3A_338 : f32 to vector<1x384xf32>
      %select_n3A_340 = arith.select %lt3A_329, %get3A_337, %broadcast_in_dim3A_339 : vector<1x384xf32>
      %get3A_341 = arith.constant 2 : index
      %get3A_342 = memref.load %arg5[%get3A_341] : memref<16xi32, #tpu.memory_space<smem>>
      %lt3A_343 = arith.cmpi slt, %add3A_312, %get3A_342 : i32
      %get3A_344 = arith.constant 2 : index
      %get3A_345 = memref.load %arg4[%get3A_344] : memref<16xi32, #tpu.memory_space<smem>>
      %add3A_346 = arith.addi %get3A_345, %add3A_312 : i32
      %jit3A_347 = arith.constant 0 : i32
      %select_n3A_348 = arith.select %lt3A_343, %add3A_346, %jit3A_347 : i32
      %get3A_349 = arith.index_cast %select_n3A_348 : i32 to index
      %get3A_350 = arith.constant 0 : index
      %get3A_351 = vector.load %arg0[%get3A_349, %get3A_350] : memref<10008x384xf32, #tpu.memory_space<vmem>>, vector<1x384xf32>
      %jit3A_352 = arith.constant 0.000000e+00 : f32
      %broadcast_in_dim3A_353 = vector.broadcast %jit3A_352 : f32 to vector<1x384xf32>
      %select_n3A_354 = arith.select %lt3A_343, %get3A_351, %broadcast_in_dim3A_353 : vector<1x384xf32>
      %get3A_355 = arith.constant 3 : index
      %get3A_356 = memref.load %arg5[%get3A_355] : memref<16xi32, #tpu.memory_space<smem>>
      %lt3A_357 = arith.cmpi slt, %add3A_312, %get3A_356 : i32
      %get3A_358 = arith.constant 3 : index
      %get3A_359 = memref.load %arg4[%get3A_358] : memref<16xi32, #tpu.memory_space<smem>>
      %add3A_360 = arith.addi %get3A_359, %add3A_312 : i32
      %jit3A_361 = arith.constant 0 : i32
      %select_n3A_362 = arith.select %lt3A_357, %add3A_360, %jit3A_361 : i32
      %get3A_363 = arith.index_cast %select_n3A_362 : i32 to index
      %get3A_364 = arith.constant 0 : index
      %get3A_365 = vector.load %arg0[%get3A_363, %get3A_364] : memref<10008x384xf32, #tpu.memory_space<vmem>>, vector<1x384xf32>
      %jit3A_366 = arith.constant 0.000000e+00 : f32
      %broadcast_in_dim3A_367 = vector.broadcast %jit3A_366 : f32 to vector<1x384xf32>
      %select_n3A_368 = arith.select %lt3A_357, %get3A_365, %broadcast_in_dim3A_367 : vector<1x384xf32>
      %get3A_369 = arith.constant 4 : index
      %get3A_370 = memref.load %arg5[%get3A_369] : memref<16xi32, #tpu.memory_space<smem>>
      %lt3A_371 = arith.cmpi slt, %add3A_312, %get3A_370 : i32
      %get3A_372 = arith.constant 4 : index
      %get3A_373 = memref.load %arg4[%get3A_372] : memref<16xi32, #tpu.memory_space<smem>>
      %add3A_374 = arith.addi %get3A_373, %add3A_312 : i32
      %jit3A_375 = arith.constant 0 : i32
      %select_n3A_376 = arith.select %lt3A_371, %add3A_374, %jit3A_375 : i32
      %get3A_377 = arith.index_cast %select_n3A_376 : i32 to index
      %get3A_378 = arith.constant 0 : index
      %get3A_379 = vector.load %arg0[%get3A_377, %get3A_378] : memref<10008x384xf32, #tpu.memory_space<vmem>>, vector<1x384xf32>
      %jit3A_380 = arith.constant 0.000000e+00 : f32
      %broadcast_in_dim3A_381 = vector.broadcast %jit3A_380 : f32 to vector<1x384xf32>
      %select_n3A_382 = arith.select %lt3A_371, %get3A_379, %broadcast_in_dim3A_381 : vector<1x384xf32>
      %get3A_383 = arith.constant 5 : index
      %get3A_384 = memref.load %arg5[%get3A_383] : memref<16xi32, #tpu.memory_space<smem>>
      %lt3A_385 = arith.cmpi slt, %add3A_312, %get3A_384 : i32
      %get3A_386 = arith.constant 5 : index
      %get3A_387 = memref.load %arg4[%get3A_386] : memref<16xi32, #tpu.memory_space<smem>>
      %add3A_388 = arith.addi %get3A_387, %add3A_312 : i32
      %jit3A_389 = arith.constant 0 : i32
      %select_n3A_390 = arith.select %lt3A_385, %add3A_388, %jit3A_389 : i32
      %get3A_391 = arith.index_cast %select_n3A_390 : i32 to index
      %get3A_392 = arith.constant 0 : index
      %get3A_393 = vector.load %arg0[%get3A_391, %get3A_392] : memref<10008x384xf32, #tpu.memory_space<vmem>>, vector<1x384xf32>
      %jit3A_394 = arith.constant 0.000000e+00 : f32
      %broadcast_in_dim3A_395 = vector.broadcast %jit3A_394 : f32 to vector<1x384xf32>
      %select_n3A_396 = arith.select %lt3A_385, %get3A_393, %broadcast_in_dim3A_395 : vector<1x384xf32>
      %get3A_397 = arith.constant 6 : index
      %get3A_398 = memref.load %arg5[%get3A_397] : memref<16xi32, #tpu.memory_space<smem>>
      %lt3A_399 = arith.cmpi slt, %add3A_312, %get3A_398 : i32
      %get3A_400 = arith.constant 6 : index
      %get3A_401 = memref.load %arg4[%get3A_400] : memref<16xi32, #tpu.memory_space<smem>>
      %add3A_402 = arith.addi %get3A_401, %add3A_312 : i32
      %jit3A_403 = arith.constant 0 : i32
      %select_n3A_404 = arith.select %lt3A_399, %add3A_402, %jit3A_403 : i32
      %get3A_405 = arith.index_cast %select_n3A_404 : i32 to index
      %get3A_406 = arith.constant 0 : index
      %get3A_407 = vector.load %arg0[%get3A_405, %get3A_406] : memref<10008x384xf32, #tpu.memory_space<vmem>>, vector<1x384xf32>
      %jit3A_408 = arith.constant 0.000000e+00 : f32
      %broadcast_in_dim3A_409 = vector.broadcast %jit3A_408 : f32 to vector<1x384xf32>
      %select_n3A_410 = arith.select %lt3A_399, %get3A_407, %broadcast_in_dim3A_409 : vector<1x384xf32>
      %get3A_411 = arith.constant 7 : index
      %get3A_412 = memref.load %arg5[%get3A_411] : memref<16xi32, #tpu.memory_space<smem>>
      %lt3A_413 = arith.cmpi slt, %add3A_312, %get3A_412 : i32
      %get3A_414 = arith.constant 7 : index
      %get3A_415 = memref.load %arg4[%get3A_414] : memref<16xi32, #tpu.memory_space<smem>>
      %add3A_416 = arith.addi %get3A_415, %add3A_312 : i32
      %jit3A_417 = arith.constant 0 : i32
      %select_n3A_418 = arith.select %lt3A_413, %add3A_416, %jit3A_417 : i32
      %get3A_419 = arith.index_cast %select_n3A_418 : i32 to index
      %get3A_420 = arith.constant 0 : index
      %get3A_421 = vector.load %arg0[%get3A_419, %get3A_420] : memref<10008x384xf32, #tpu.memory_space<vmem>>, vector<1x384xf32>
      %jit3A_422 = arith.constant 0.000000e+00 : f32
      %broadcast_in_dim3A_423 = vector.broadcast %jit3A_422 : f32 to vector<1x384xf32>
      %select_n3A_424 = arith.select %lt3A_413, %get3A_421, %broadcast_in_dim3A_423 : vector<1x384xf32>
      %get3A_425 = arith.constant 8 : index
      %get3A_426 = memref.load %arg5[%get3A_425] : memref<16xi32, #tpu.memory_space<smem>>
      %lt3A_427 = arith.cmpi slt, %add3A_312, %get3A_426 : i32
      %get3A_428 = arith.constant 8 : index
      %get3A_429 = memref.load %arg4[%get3A_428] : memref<16xi32, #tpu.memory_space<smem>>
      %add3A_430 = arith.addi %get3A_429, %add3A_312 : i32
      %jit3A_431 = arith.constant 0 : i32
      %select_n3A_432 = arith.select %lt3A_427, %add3A_430, %jit3A_431 : i32
      %get3A_433 = arith.index_cast %select_n3A_432 : i32 to index
      %get3A_434 = arith.constant 0 : index
      %get3A_435 = vector.load %arg0[%get3A_433, %get3A_434] : memref<10008x384xf32, #tpu.memory_space<vmem>>, vector<1x384xf32>
      %jit3A_436 = arith.constant 0.000000e+00 : f32
      %broadcast_in_dim3A_437 = vector.broadcast %jit3A_436 : f32 to vector<1x384xf32>
      %select_n3A_438 = arith.select %lt3A_427, %get3A_435, %broadcast_in_dim3A_437 : vector<1x384xf32>
      %get3A_439 = arith.constant 9 : index
      %get3A_440 = memref.load %arg5[%get3A_439] : memref<16xi32, #tpu.memory_space<smem>>
      %lt3A_441 = arith.cmpi slt, %add3A_312, %get3A_440 : i32
      %get3A_442 = arith.constant 9 : index
      %get3A_443 = memref.load %arg4[%get3A_442] : memref<16xi32, #tpu.memory_space<smem>>
      %add3A_444 = arith.addi %get3A_443, %add3A_312 : i32
      %jit3A_445 = arith.constant 0 : i32
      %select_n3A_446 = arith.select %lt3A_441, %add3A_444, %jit3A_445 : i32
      %get3A_447 = arith.index_cast %select_n3A_446 : i32 to index
      %get3A_448 = arith.constant 0 : index
      %get3A_449 = vector.load %arg0[%get3A_447, %get3A_448] : memref<10008x384xf32, #tpu.memory_space<vmem>>, vector<1x384xf32>
      %jit3A_450 = arith.constant 0.000000e+00 : f32
      %broadcast_in_dim3A_451 = vector.broadcast %jit3A_450 : f32 to vector<1x384xf32>
      %select_n3A_452 = arith.select %lt3A_441, %get3A_449, %broadcast_in_dim3A_451 : vector<1x384xf32>
      %get3A_453 = arith.constant 10 : index
      %get3A_454 = memref.load %arg5[%get3A_453] : memref<16xi32, #tpu.memory_space<smem>>
      %lt3A_455 = arith.cmpi slt, %add3A_312, %get3A_454 : i32
      %get3A_456 = arith.constant 10 : index
      %get3A_457 = memref.load %arg4[%get3A_456] : memref<16xi32, #tpu.memory_space<smem>>
      %add3A_458 = arith.addi %get3A_457, %add3A_312 : i32
      %jit3A_459 = arith.constant 0 : i32
      %select_n3A_460 = arith.select %lt3A_455, %add3A_458, %jit3A_459 : i32
      %get3A_461 = arith.index_cast %select_n3A_460 : i32 to index
      %get3A_462 = arith.constant 0 : index
      %get3A_463 = vector.load %arg0[%get3A_461, %get3A_462] : memref<10008x384xf32, #tpu.memory_space<vmem>>, vector<1x384xf32>
      %jit3A_464 = arith.constant 0.000000e+00 : f32
      %broadcast_in_dim3A_465 = vector.broadcast %jit3A_464 : f32 to vector<1x384xf32>
      %select_n3A_466 = arith.select %lt3A_455, %get3A_463, %broadcast_in_dim3A_465 : vector<1x384xf32>
      %get3A_467 = arith.constant 11 : index
      %get3A_468 = memref.load %arg5[%get3A_467] : memref<16xi32, #tpu.memory_space<smem>>
      %lt3A_469 = arith.cmpi slt, %add3A_312, %get3A_468 : i32
      %get3A_470 = arith.constant 11 : index
      %get3A_471 = memref.load %arg4[%get3A_470] : memref<16xi32, #tpu.memory_space<smem>>
      %add3A_472 = arith.addi %get3A_471, %add3A_312 : i32
      %jit3A_473 = arith.constant 0 : i32
      %select_n3A_474 = arith.select %lt3A_469, %add3A_472, %jit3A_473 : i32
      %get3A_475 = arith.index_cast %select_n3A_474 : i32 to index
      %get3A_476 = arith.constant 0 : index
      %get3A_477 = vector.load %arg0[%get3A_475, %get3A_476] : memref<10008x384xf32, #tpu.memory_space<vmem>>, vector<1x384xf32>
      %jit3A_478 = arith.constant 0.000000e+00 : f32
      %broadcast_in_dim3A_479 = vector.broadcast %jit3A_478 : f32 to vector<1x384xf32>
      %select_n3A_480 = arith.select %lt3A_469, %get3A_477, %broadcast_in_dim3A_479 : vector<1x384xf32>
      %get3A_481 = arith.constant 12 : index
      %get3A_482 = memref.load %arg5[%get3A_481] : memref<16xi32, #tpu.memory_space<smem>>
      %lt3A_483 = arith.cmpi slt, %add3A_312, %get3A_482 : i32
      %get3A_484 = arith.constant 12 : index
      %get3A_485 = memref.load %arg4[%get3A_484] : memref<16xi32, #tpu.memory_space<smem>>
      %add3A_486 = arith.addi %get3A_485, %add3A_312 : i32
      %jit3A_487 = arith.constant 0 : i32
      %select_n3A_488 = arith.select %lt3A_483, %add3A_486, %jit3A_487 : i32
      %get3A_489 = arith.index_cast %select_n3A_488 : i32 to index
      %get3A_490 = arith.constant 0 : index
      %get3A_491 = vector.load %arg0[%get3A_489, %get3A_490] : memref<10008x384xf32, #tpu.memory_space<vmem>>, vector<1x384xf32>
      %jit3A_492 = arith.constant 0.000000e+00 : f32
      %broadcast_in_dim3A_493 = vector.broadcast %jit3A_492 : f32 to vector<1x384xf32>
      %select_n3A_494 = arith.select %lt3A_483, %get3A_491, %broadcast_in_dim3A_493 : vector<1x384xf32>
      %get3A_495 = arith.constant 13 : index
      %get3A_496 = memref.load %arg5[%get3A_495] : memref<16xi32, #tpu.memory_space<smem>>
      %lt3A_497 = arith.cmpi slt, %add3A_312, %get3A_496 : i32
      %get3A_498 = arith.constant 13 : index
      %get3A_499 = memref.load %arg4[%get3A_498] : memref<16xi32, #tpu.memory_space<smem>>
      %add3A_500 = arith.addi %get3A_499, %add3A_312 : i32
      %jit3A_501 = arith.constant 0 : i32
      %select_n3A_502 = arith.select %lt3A_497, %add3A_500, %jit3A_501 : i32
      %get3A_503 = arith.index_cast %select_n3A_502 : i32 to index
      %get3A_504 = arith.constant 0 : index
      %get3A_505 = vector.load %arg0[%get3A_503, %get3A_504] : memref<10008x384xf32, #tpu.memory_space<vmem>>, vector<1x384xf32>
      %jit3A_506 = arith.constant 0.000000e+00 : f32
      %broadcast_in_dim3A_507 = vector.broadcast %jit3A_506 : f32 to vector<1x384xf32>
      %select_n3A_508 = arith.select %lt3A_497, %get3A_505, %broadcast_in_dim3A_507 : vector<1x384xf32>
      %get3A_509 = arith.constant 14 : index
      %get3A_510 = memref.load %arg5[%get3A_509] : memref<16xi32, #tpu.memory_space<smem>>
      %lt3A_511 = arith.cmpi slt, %add3A_312, %get3A_510 : i32
      %get3A_512 = arith.constant 14 : index
      %get3A_513 = memref.load %arg4[%get3A_512] : memref<16xi32, #tpu.memory_space<smem>>
      %add3A_514 = arith.addi %get3A_513, %add3A_312 : i32
      %jit3A_515 = arith.constant 0 : i32
      %select_n3A_516 = arith.select %lt3A_511, %add3A_514, %jit3A_515 : i32
      %get3A_517 = arith.index_cast %select_n3A_516 : i32 to index
      %get3A_518 = arith.constant 0 : index
      %get3A_519 = vector.load %arg0[%get3A_517, %get3A_518] : memref<10008x384xf32, #tpu.memory_space<vmem>>, vector<1x384xf32>
      %jit3A_520 = arith.constant 0.000000e+00 : f32
      %broadcast_in_dim3A_521 = vector.broadcast %jit3A_520 : f32 to vector<1x384xf32>
      %select_n3A_522 = arith.select %lt3A_511, %get3A_519, %broadcast_in_dim3A_521 : vector<1x384xf32>
      %get3A_523 = arith.constant 15 : index
      %get3A_524 = memref.load %arg5[%get3A_523] : memref<16xi32, #tpu.memory_space<smem>>
      %lt3A_525 = arith.cmpi slt, %add3A_312, %get3A_524 : i32
      %get3A_526 = arith.constant 15 : index
      %get3A_527 = memref.load %arg4[%get3A_526] : memref<16xi32, #tpu.memory_space<smem>>
      %add3A_528 = arith.addi %get3A_527, %add3A_312 : i32
      %jit3A_529 = arith.constant 0 : i32
      %select_n3A_530 = arith.select %lt3A_525, %add3A_528, %jit3A_529 : i32
      %get3A_531 = arith.index_cast %select_n3A_530 : i32 to index
      %get3A_532 = arith.constant 0 : index
      %get3A_533 = vector.load %arg0[%get3A_531, %get3A_532] : memref<10008x384xf32, #tpu.memory_space<vmem>>, vector<1x384xf32>
      %jit3A_534 = arith.constant 0.000000e+00 : f32
      %broadcast_in_dim3A_535 = vector.broadcast %jit3A_534 : f32 to vector<1x384xf32>
      %select_n3A_536 = arith.select %lt3A_525, %get3A_533, %broadcast_in_dim3A_535 : vector<1x384xf32>
      %concatenate3A_537 = tpu.concatenate %select_n3A_326, %select_n3A_340, %select_n3A_354, %select_n3A_368, %select_n3A_382, %select_n3A_396, %select_n3A_410, %select_n3A_424, %select_n3A_438, %select_n3A_452, %select_n3A_466, %select_n3A_480, %select_n3A_494, %select_n3A_508, %select_n3A_522, %select_n3A_536 in 0 : vector<1x384xf32>, vector<1x384xf32>, vector<1x384xf32>, vector<1x384xf32>, vector<1x384xf32>, vector<1x384xf32>, vector<1x384xf32>, vector<1x384xf32>, vector<1x384xf32>, vector<1x384xf32>, vector<1x384xf32>, vector<1x384xf32>, vector<1x384xf32>, vector<1x384xf32>, vector<1x384xf32>, vector<1x384xf32> -> vector<16x384xf32>
      %add3A_538 = vector.broadcast %get3A_3 : vector<1x384xf32> to vector<16x384xf32>
      %add3A_539 = arith.addf %concatenate3A_537, %add3A_538 : vector<16x384xf32>
      %add3A_540 = arith.constant 0 : i32
      %add3A_541 = arith.addi %mul3A_83, %add3A_540 : i32
      %dot_general3A_542 = arith.constant dense<0.000000e+00> : vector<16x384xf32>
      %dot_general3A_543 = tpu.matmul %while3A_80, %get3A_9, %dot_general3A_542 {dimension_numbers = #tpu.dot_dimension_numbers<[1], [0], [0], [1], [0, 0, 1, 1], [], []>, transpose_lhs_hint = false} : vector<16x128xf32>, vector<128x384xf32>, vector<16x384xf32> -> vector<16x384xf32>
      %add3A_544 = vector.broadcast %get3A_6 : vector<1x384xf32> to vector<16x384xf32>
      %add3A_545 = arith.addf %dot_general3A_543, %add3A_544 : vector<16x384xf32>
      %slice3A = vector.extract_strided_slice %add3A_310 {offsets = [0, 0], sizes = [16, 128], strides = [1, 1]} : vector<16x384xf32> to vector<16x128xf32>
      %slice3A_546 = vector.extract_strided_slice %add3A_545 {offsets = [0, 0], sizes = [16, 128], strides = [1, 1]} : vector<16x384xf32> to vector<16x128xf32>
      %add3A_547 = arith.addf %slice3A, %slice3A_546 : vector<16x128xf32>
      %logistic3A_548 = arith.negf %add3A_547 : vector<16x128xf32>
      %logistic3A_549 = math.exp %logistic3A_548 : vector<16x128xf32>
      %logistic3A_550 = arith.constant 1.000000e+00 : f32
      %logistic3A_551 = vector.broadcast %logistic3A_550 : f32 to vector<16x128xf32>
      %logistic3A_552 = arith.addf %logistic3A_551, %logistic3A_549 : vector<16x128xf32>
      %logistic3A_553 = arith.divf %logistic3A_551, %logistic3A_552 : vector<16x128xf32>
      %slice3A_554 = vector.extract_strided_slice %add3A_310 {offsets = [0, 128], sizes = [16, 128], strides = [1, 1]} : vector<16x384xf32> to vector<16x128xf32>
      %slice3A_555 = vector.extract_strided_slice %add3A_545 {offsets = [0, 128], sizes = [16, 128], strides = [1, 1]} : vector<16x384xf32> to vector<16x128xf32>
      %add3A_556 = arith.addf %slice3A_554, %slice3A_555 : vector<16x128xf32>
      %logistic3A_557 = arith.negf %add3A_556 : vector<16x128xf32>
      %logistic3A_558 = math.exp %logistic3A_557 : vector<16x128xf32>
      %logistic3A_559 = arith.constant 1.000000e+00 : f32
      %logistic3A_560 = vector.broadcast %logistic3A_559 : f32 to vector<16x128xf32>
      %logistic3A_561 = arith.addf %logistic3A_560, %logistic3A_558 : vector<16x128xf32>
      %logistic3A_562 = arith.divf %logistic3A_560, %logistic3A_561 : vector<16x128xf32>
      %slice3A_563 = vector.extract_strided_slice %add3A_310 {offsets = [0, 256], sizes = [16, 128], strides = [1, 1]} : vector<16x384xf32> to vector<16x128xf32>
      %slice3A_564 = vector.extract_strided_slice %add3A_545 {offsets = [0, 256], sizes = [16, 128], strides = [1, 1]} : vector<16x384xf32> to vector<16x128xf32>
      %mul3A_565 = arith.mulf %logistic3A_553, %slice3A_564 : vector<16x128xf32>
      %add3A_566 = arith.addf %slice3A_563, %mul3A_565 : vector<16x128xf32>
      %tanh3A = math.tanh %add3A_566 : vector<16x128xf32>
      %sub3A_567 = arith.constant 1.000000e+00 : f32
      %sub3A_568 = vector.broadcast %sub3A_567 : f32 to vector<16x128xf32>
      %sub3A_569 = arith.subf %sub3A_568, %logistic3A_562 : vector<16x128xf32>
      %mul3A_570 = arith.mulf %sub3A_569, %tanh3A : vector<16x128xf32>
      %mul3A_571 = arith.mulf %logistic3A_562, %while3A_80 : vector<16x128xf32>
      %add3A_572 = arith.addf %mul3A_570, %mul3A_571 : vector<16x128xf32>
      %lt3A_573 = arith.cmpi slt, %add3A_541, %get3A_0 : i32
      %select_n3A_574 = arith.select %lt3A_573, %add3A_572, %while3A_80 : vector<16x128xf32>
      %jit3A_575 = arith.constant 0.000000e+00 : f32
      %broadcast_in_dim3A_576 = vector.broadcast %jit3A_575 : f32 to vector<16x128xf32>
      %select_n3A_577 = arith.select %lt3A_573, %add3A_572, %broadcast_in_dim3A_576 : vector<16x128xf32>
      %add3A_578 = arith.addf %while3A_81, %select_n3A_577 : vector<16x128xf32>
      %add3A_579 = arith.constant 1 : i32
      %add3A_580 = arith.addi %mul3A_83, %add3A_579 : i32
      %dot_general3A_581 = arith.constant dense<0.000000e+00> : vector<16x384xf32>
      %dot_general3A_582 = tpu.matmul %select_n3A_574, %get3A_9, %dot_general3A_581 {dimension_numbers = #tpu.dot_dimension_numbers<[1], [0], [0], [1], [0, 0, 1, 1], [], []>, transpose_lhs_hint = false} : vector<16x128xf32>, vector<128x384xf32>, vector<16x384xf32> -> vector<16x384xf32>
      %add3A_583 = vector.broadcast %get3A_6 : vector<1x384xf32> to vector<16x384xf32>
      %add3A_584 = arith.addf %dot_general3A_582, %add3A_583 : vector<16x384xf32>
      %slice3A_585 = vector.extract_strided_slice %add3A_539 {offsets = [0, 0], sizes = [16, 128], strides = [1, 1]} : vector<16x384xf32> to vector<16x128xf32>
      %slice3A_586 = vector.extract_strided_slice %add3A_584 {offsets = [0, 0], sizes = [16, 128], strides = [1, 1]} : vector<16x384xf32> to vector<16x128xf32>
      %add3A_587 = arith.addf %slice3A_585, %slice3A_586 : vector<16x128xf32>
      %logistic3A_588 = arith.negf %add3A_587 : vector<16x128xf32>
      %logistic3A_589 = math.exp %logistic3A_588 : vector<16x128xf32>
      %logistic3A_590 = arith.constant 1.000000e+00 : f32
      %logistic3A_591 = vector.broadcast %logistic3A_590 : f32 to vector<16x128xf32>
      %logistic3A_592 = arith.addf %logistic3A_591, %logistic3A_589 : vector<16x128xf32>
      %logistic3A_593 = arith.divf %logistic3A_591, %logistic3A_592 : vector<16x128xf32>
      %slice3A_594 = vector.extract_strided_slice %add3A_539 {offsets = [0, 128], sizes = [16, 128], strides = [1, 1]} : vector<16x384xf32> to vector<16x128xf32>
      %slice3A_595 = vector.extract_strided_slice %add3A_584 {offsets = [0, 128], sizes = [16, 128], strides = [1, 1]} : vector<16x384xf32> to vector<16x128xf32>
      %add3A_596 = arith.addf %slice3A_594, %slice3A_595 : vector<16x128xf32>
      %logistic3A_597 = arith.negf %add3A_596 : vector<16x128xf32>
      %logistic3A_598 = math.exp %logistic3A_597 : vector<16x128xf32>
      %logistic3A_599 = arith.constant 1.000000e+00 : f32
      %logistic3A_600 = vector.broadcast %logistic3A_599 : f32 to vector<16x128xf32>
      %logistic3A_601 = arith.addf %logistic3A_600, %logistic3A_598 : vector<16x128xf32>
      %logistic3A_602 = arith.divf %logistic3A_600, %logistic3A_601 : vector<16x128xf32>
      %slice3A_603 = vector.extract_strided_slice %add3A_539 {offsets = [0, 256], sizes = [16, 128], strides = [1, 1]} : vector<16x384xf32> to vector<16x128xf32>
      %slice3A_604 = vector.extract_strided_slice %add3A_584 {offsets = [0, 256], sizes = [16, 128], strides = [1, 1]} : vector<16x384xf32> to vector<16x128xf32>
      %mul3A_605 = arith.mulf %logistic3A_593, %slice3A_604 : vector<16x128xf32>
      %add3A_606 = arith.addf %slice3A_603, %mul3A_605 : vector<16x128xf32>
      %tanh3A_607 = math.tanh %add3A_606 : vector<16x128xf32>
      %sub3A_608 = arith.constant 1.000000e+00 : f32
      %sub3A_609 = vector.broadcast %sub3A_608 : f32 to vector<16x128xf32>
      %sub3A_610 = arith.subf %sub3A_609, %logistic3A_602 : vector<16x128xf32>
      %mul3A_611 = arith.mulf %sub3A_610, %tanh3A_607 : vector<16x128xf32>
      %mul3A_612 = arith.mulf %logistic3A_602, %select_n3A_574 : vector<16x128xf32>
      %add3A_613 = arith.addf %mul3A_611, %mul3A_612 : vector<16x128xf32>
      %lt3A_614 = arith.cmpi slt, %add3A_580, %get3A_0 : i32
      %select_n3A_615 = arith.select %lt3A_614, %add3A_613, %select_n3A_574 : vector<16x128xf32>
      %jit3A_616 = arith.constant 0.000000e+00 : f32
      %broadcast_in_dim3A_617 = vector.broadcast %jit3A_616 : f32 to vector<16x128xf32>
      %select_n3A_618 = arith.select %lt3A_614, %add3A_613, %broadcast_in_dim3A_617 : vector<16x128xf32>
      %add3A_619 = arith.addf %add3A_578, %select_n3A_618 : vector<16x128xf32>
      scf.yield %select_n3A_615, %add3A_619 : vector<16x128xf32>, vector<16x128xf32>
    }
    %convert_element_type3A = arith.sitofp %get3A_0 : i32 to f32
    %div3A_40 = vector.broadcast %convert_element_type3A : f32 to vector<16x128xf32>
    %div3A_41 = arith.divf %while3A_39#1, %div3A_40 : vector<16x128xf32>
    %get3A_42 = arith.constant 0 : index
    %get3A_43 = arith.constant 0 : index
    %get3A_44 = vector.load %arg8[%get3A_42, %get3A_43] : memref<128x128xf32, #tpu.memory_space<vmem>>, vector<128x128xf32>
    %dot_general3A = arith.constant dense<0.000000e+00> : vector<16x128xf32>
    %dot_general3A_45 = tpu.matmul %div3A_41, %get3A_44, %dot_general3A {dimension_numbers = #tpu.dot_dimension_numbers<[1], [0], [0], [1], [0, 0, 1, 1], [], []>, precision = #tpu.contract_precision<fp32>, transpose_lhs_hint = false} : vector<16x128xf32>, vector<128x128xf32>, vector<16x128xf32> -> vector<16x128xf32>
    %get3A_46 = arith.constant 0 : index
    %get3A_47 = arith.constant 0 : index
    %get3A_48 = vector.load %arg7[%get3A_46, %get3A_47] : memref<16x1xf32, #tpu.memory_space<vmem>>, vector<16x1xf32>
    %get3A_49 = arith.constant 0 : index
    %get3A_50 = arith.constant 0 : index
    %get3A_51 = vector.load %arg9[%get3A_49, %get3A_50] : memref<1x128xf32, #tpu.memory_space<vmem>>, vector<1x128xf32>
    %mul3A = vector.broadcast %get3A_48 : vector<16x1xf32> to vector<16x128xf32>
    %mul3A_52 = vector.broadcast %get3A_51 : vector<1x128xf32> to vector<16x128xf32>
    %mul3A_53 = arith.mulf %mul3A, %mul3A_52 : vector<16x128xf32>
    %add3A_54 = arith.addf %dot_general3A_45, %mul3A_53 : vector<16x128xf32>
    %get3A_55 = arith.constant 0 : index
    %get3A_56 = arith.constant 0 : index
    %get3A_57 = vector.load %arg10[%get3A_55, %get3A_56] : memref<1x128xf32, #tpu.memory_space<vmem>>, vector<1x128xf32>
    %add3A_58 = vector.broadcast %get3A_57 : vector<1x128xf32> to vector<16x128xf32>
    %add3A_59 = arith.addf %add3A_54, %add3A_58 : vector<16x128xf32>
    %max3A = arith.constant 0.000000e+00 : f32
    %max3A_60 = vector.broadcast %max3A : f32 to vector<16x128xf32>
    %max3A_61 = arith.maximumf %add3A_59, %max3A_60 : vector<16x128xf32>
    %get3A_62 = arith.constant 0 : index
    %get3A_63 = arith.constant 0 : index
    %get3A_64 = vector.load %arg11[%get3A_62, %get3A_63] : memref<128x1xf32, #tpu.memory_space<vmem>>, vector<128x1xf32>
    %dot_general3A_65 = arith.constant dense<0.000000e+00> : vector<16x1xf32>
    %dot_general3A_66 = tpu.matmul %max3A_61, %get3A_64, %dot_general3A_65 {dimension_numbers = #tpu.dot_dimension_numbers<[1], [0], [0], [1], [0, 0, 1, 1], [], []>, precision = #tpu.contract_precision<fp32>, transpose_lhs_hint = false} : vector<16x128xf32>, vector<128x1xf32>, vector<16x1xf32> -> vector<16x1xf32>
    %get3A_67 = arith.constant 0 : index
    %get3A_68 = arith.constant 0 : index
    %get3A_69 = vector.load %arg12[%get3A_67, %get3A_68] : memref<1x1xf32, #tpu.memory_space<vmem>>, vector<1x1xf32>
    %add3A_70 = vector.broadcast %get3A_69 : vector<1x1xf32> to vector<16x1xf32>
    %add3A_71 = arith.addf %dot_general3A_66, %add3A_70 : vector<16x1xf32>
    %logistic3A = arith.negf %add3A_71 : vector<16x1xf32>
    %logistic3A_72 = math.exp %logistic3A : vector<16x1xf32>
    %logistic3A_73 = arith.constant 1.000000e+00 : f32
    %logistic3A_74 = vector.broadcast %logistic3A_73 : f32 to vector<16x1xf32>
    %logistic3A_75 = arith.addf %logistic3A_74, %logistic3A_72 : vector<16x1xf32>
    %logistic3A_76 = arith.divf %logistic3A_74, %logistic3A_75 : vector<16x1xf32>
    %swap3A = arith.constant 0 : index
    %swap3A_77 = arith.constant 0 : index
    %swap3A_78 = vector.load %arg13[%swap3A, %swap3A_77] : memref<16x1xf32, #tpu.memory_space<vmem>>, vector<16x1xf32>
    tpu.vector_store %arg13[%swap3A, %swap3A_77], %logistic3A_76 {strides = array<i32>} : memref<16x1xf32, #tpu.memory_space<vmem>>, vector<16x1xf32>,
    return
  }
}

</mosaic_0001>

<sc_bundles>
// kernel: kernel.12.cloned.1.call-start
scs
__scs_entry_jumppad:
0x0: {  	(pc) =	sbr.rel $0x88, $3  }
0x1: {  	(tag) =	ssettag $0x0;
	lr =	simm.s32 $0x1  }
0x2: {  	[smem:$0x3F90] =	sst lr;
	_ =	strace $0xD0000000  }
0x3: {  	_ = 	snop  }
0x4: {  	_ = 	snop  }
0x5: {  	_ = 	snop  }
0x6: {  	_ = 	snop  }
0x7: {  	_ = 	snop  }
__scs_overlays_trampoline_lowered:
0x8: {  	[smem:$0x3F9F] =	sst s0  }
0x9: {  	[smem:$0x3FA0] =	sst s1  }
0xa: {  	[smem:$0x3FA1] =	sst s2  }
0xb: {  	[smem:$0x3FA2] =	sst s3  }
0xc: {  	[smem:$0x3FA3] =	sst s4  }
0xd: {  	[smem:$0x3FA4] =	sst s5  }
0xe: {  	[smem:$0x3FA5] =	sst s6  }
0xf: {  	[smem:$0x3FA6] =	sst s7  }
0x10: {  	[smem:$0x3FA7] =	sst s8  }
0x11: {  	[smem:$0x3FA8] =	sst s9;
	s0 =	simm.s32 @!p0 $0x0  }
0x12: {  	s1 =	sld [smem:$0x3F8E];
	s0 =	simm.s32 @p0 $0x1  }
0x13: {  	[smem:$0x3FA9] =	sst s0;
	s0 =	simm.s32 @!p1 $0x0  }
0x14: {  	s2 =	sld [smem:$0x3F8D];
	s0 =	simm.s32 @p1 $0x1  }
0x15: {  	[smem:$0x3FAA] =	sst s0;
	s0 =	simm.s32 @!p2 $0x0  }
0x16: {  	s3 =	sld [smem:$0x3FDB];
	s0 =	simm.s32 @p2 $0x1  }
0x17: {  	s4 =	simm.s32 $0x1BF5;
	[smem:$0x3FAC] =	sst s0  }
0x18: {  	s0 =	sld [smem:$0x3F8F];
	_ =	swait.ge [sflag:s4], $0x0  }
0x19: {  	s7 =	sld [smem:$0x3F90]  }
0x1a: {  	s8 =	sadd.s32 $0xFFFFE003, lr  }
0x1b: {  	s9 =	sadd.s32 $0xFFFFFEF7, lr;
	s5 =	simm.s32 $0xFFFFFFFF;
	p2 =	slt.u32 s8, $0xFFFFF086  }
0x1c: {  	p1 =	slt.u32 s9, $0xF7A;
	s5 =	simm.s32 @!p2 $0x0  }
0x1d: {  	s5 =	simm.s32 @p1 $0x1;
	p0 =	seq.s32 s7, s2  }
0x1e: {  	s7 =	smul.u32 @!p0 $0xF7A, s2;
	p2 =	seq.s32 @!p0 s5, $0x0  }
0x1f: {  	s9 =	smul.u32 $0xF7A, s1;
	s8 =	simm.s32 @!p0 $0x1BF5;
	p2 =	por !p2, p0  }
0x20: {  	[sflag:s8] =	ssyncset.s32 @!p0 $0xFFFFF086;
	s6 =	sadd.s32 @!p0 s3, s7;
	s7 =	simm.s32 @!p0 $0x108  }
0x21: {  	s3 =	sadd.s32 s3, s9;
	s6 =	sadd.s32 @!p0 $0x88, s6;
	s7 =	simm.s32 @p2 $0x1082  }
0x22: {  	[simem:s7], [sflag:s8] =	dma.local @!p0 [hbm:s6], $0xF7A  }
0x23: {  	s9 =	sor.u32 $0xD0000000, s2;
	s6 =	simm.s32 $0x108;
	_ =	swait.ge @!p0 [sflag:s8], $0x0  }
0x24: {  	s3 =	sadd.s32 $0x88, s3;
	s6 =	simm.s32 @!p1 $0x1082;
	[sflag:s4] =	ssyncset.s32 $0xFFFFF086  }
0x25: {  	[simem:s6], [sflag:s4] =	dma.local [hbm:s3], $0xF7A  }
0x26: {  	[smem:$0x3F90] =	sst s1;
	(tag) =	ssettag s2;
	_ =	strace s9  }
0x27: {  	s1 =	sld [smem:$0x3FA0]  }
0x28: {  	s2 =	sld [smem:$0x3FA1]  }
0x29: {  	s4 =	sld [smem:$0x3FA3]  }
0x2a: {  	p0 =	seq.s32 s5, $0x0;
	s5 =	sld [smem:$0x3FA4]  }
0x2b: {  	s6 =	sld [smem:$0x3FA5]  }
0x2c: {  	s7 =	sld [smem:$0x3FA6]  }
0x2d: {  	s3 =	simm.s32 $0x108;
	s8 =	sld [smem:$0x3FA7]  }
0x2e: {  	s3 =	simm.s32 @!p0 $0x1082;
	s9 =	sld [smem:$0x3FA8]  }
0x2f: {  	lr =	sadd.s32 s0, s3;
	s0 =	sld [smem:$0x3F9F]  }
0x30: {  	s3 =	sld [smem:$0x3FA2]  }
0x31: {  	[smem:$0x3FAB] =	sst s10  }
0x32: {  	s10 =	sld [smem:$0x3FA9];
	_ =	sdelay $0x3  }
0x33: {  	p0 =	seq.s32 s10, $0x1;
	s10 =	sld [smem:$0x3FAB];
	_ =	sdelay $0x3  }
0x34: {  	[smem:$0x3FAB] =	sst s10  }
0x35: {  	s10 =	sld [smem:$0x3FAA];
	_ =	sdelay $0x3  }
0x36: {  	p1 =	seq.s32 s10, $0x1;
	s10 =	sld [smem:$0x3FAB];
	_ =	sdelay $0x3  }
0x37: {  	[smem:$0x3FAB] =	sst s10  }
0x38: {  	s10 =	sld [smem:$0x3FAC]  }
0x39: {  	_ = 	snop;
	(pc) =	sbr.ind lr, $3  }
0x3a: {  	_ = 	snop  }
0x3b: {  	_ = 	snop  }
0x3c: {  	p2 =	seq.s32 s10, $0x1;
	s10 =	sld [smem:$0x3FAB]  }
0x3d: {  	_ =	shalt  }
0x3e: {  	_ =	shalt  }
0x3f: {  	_ =	shalt  }
0x40: {  	_ =	shalt  }
0x41: {  	_ =	shalt  }
0x42: {  	_ =	shalt  }
0x43: {  	_ =	shalt  }
0x44: {  	_ =	shalt  }
0x45: {  	_ =	shalt  }
0x46: {  	_ =	shalt  }
0x47: {  	_ =	shalt  }
0x48: {  	_ =	shalt  }
0x49: {  	_ =	shalt  }
0x4a: {  	_ =	shalt  }
0x4b: {  	_ =	shalt  }
0x4c: {  	_ =	shalt  }
0x4d: {  	_ =	shalt  }
0x4e: {  	_ =	shalt  }
0x4f: {  	_ =	shalt  }
0x50: {  	_ =	shalt  }
0x51: {  	_ =	shalt  }
0x52: {  	_ =	shalt  }
0x53: {  	_ =	shalt  }
0x54: {  	_ =	shalt  }
0x55: {  	_ =	shalt  }
0x56: {  	_ =	shalt  }
0x57: {  	_ =	shalt  }
0x58: {  	_ =	shalt  }
0x59: {  	_ =	shalt  }
0x5a: {  	_ =	shalt  }
0x5b: {  	_ =	shalt  }
0x5c: {  	_ =	shalt  }
0x5d: {  	_ =	shalt  }
0x5e: {  	_ =	shalt  }
0x5f: {  	_ =	shalt  }
0x60: {  	_ =	shalt  }
0x61: {  	_ =	shalt  }
0x62: {  	_ =	shalt  }
0x63: {  	_ =	shalt  }
0x64: {  	_ =	shalt  }
0x65: {  	_ =	shalt  }
0x66: {  	_ =	shalt  }
0x67: {  	_ =	shalt  }
0x68: {  	_ =	shalt  }
0x69: {  	_ =	shalt  }
0x6a: {  	_ =	shalt  }
0x6b: {  	_ =	shalt  }
0x6c: {  	_ =	shalt  }
0x6d: {  	_ =	shalt  }
0x6e: {  	_ =	shalt  }
0x6f: {  	_ =	shalt  }
0x70: {  	_ =	shalt  }
0x71: {  	_ =	shalt  }
0x72: {  	_ =	shalt  }
0x73: {  	_ =	shalt  }
0x74: {  	_ =	shalt  }
0x75: {  	_ =	shalt  }
0x76: {  	_ =	shalt  }
0x77: {  	_ =	shalt  }
0x78: {  	_ =	shalt  }
0x79: {  	_ =	shalt  }
0x7a: {  	_ =	shalt  }
0x7b: {  	_ =	shalt  }
0x7c: {  	_ =	shalt  }
0x7d: {  	_ =	shalt  }
0x7e: {  	_ =	shalt  }
0x7f: {  	_ =	shalt  }
0x80: {  	_ =	shalt  }
0x81: {  	_ =	shalt  }
0x82: {  	_ =	shalt  }
0x83: {  	_ =	shalt  }
0x84: {  	_ =	shalt  }
0x85: {  	_ =	shalt  }
0x86: {  	_ =	shalt  }
0x87: {  	_ =	shalt  }
.Lfunc_end0:
.L_simem_size_0:
called_computation.1_lowered:
.L_overlay_start_0:
0x88: {  	s2 =	sld [smem:$0x3FD9]  }
0x89: {  	s3 =	sld [smem:$0x3FFE];
	_ =	sdelay $0x1  }
0x8a: {  	s1 =	srdreg.scid  }
0x8b: {  	s0 =	sand.u32 $0x1, s1  }
0x8c: {  	s16 =	sshll.u32 s0, $0xA;
	s2 =	sadd.s32 s3, s2  }
0x8d: {  	s2 =	sadd.s32 s2, s16  }
0x8e: {  	[smem:$0x3FB7] =	sst s2  }
0x8f: {  	_ = 	snop  }
0x90: {  	(tm) =	ssettm $0x1  }
0x91: {  	s17 =	sld [smem:$0x3FFB];
	_ =	sdelay $0x3  }
0x92: {  	_ =	strace s17  }
0x93: {  	s2 =	sld [smem:$0x3FFC];
	_ =	sdelay $0x3  }
0x94: {  	_ =	strace s2  }
0x95: {  	s2 =	sld [smem:$0x3FFD];
	_ =	sdelay $0x3  }
0x96: {  	_ =	strace s2  }
0x97: {  	_ =	strace $0x8FFFFFFF  }
0x98: {  	s18 =	sld [smem:$0x3FDB];
	_ =	sdelay $0x1  }
0x99: {  	s19 =	simm.s32 $_scs_section_size  }
0x9a: {  	s4 =	simm.s32 $_size__tile_overlayer_lowered;
	s5 =	simm.s32 $_tile_overlayer_lowered  }
0x9b: {  	s22 =	simm.s32 $0x1BFF;
	s21 =	sshll.u32 s5, $0x1;
	s2 =	sadd.s32 s19, s18  }
0x9c: {  	s6 =	simm.s32 $0x0;
	s20 =	sshll.u32 s4, $0x1;
	s4 =	sadd.s32 s21, s2  }
0x9d: {  	[timem:s6], [sflag:s22] =	dma.local [hbm:s4], s20  }
0x9e: {  	_ =	swait.ge [sflag:s22], s20  }
0x9f: {  	s3 =	ssub.s32 $0x0, s20;
	[sflag:s22] =	ssyncset.done $0x0  }
0xa0: {  	[sflag:s22] =	ssyncadd.s32 s3;
	_ =	sdelay $0x1  }
0xa1: {  	s23 =	simm.s32 $0x1B8B  }
0xa2: {  	_ =	swait.ge [sflag:s23], $0x1  }
0xa3: {  	[sflag:s23] =	ssyncset.done $0x0  }
0xa4: {  	s25 =	simm.s32 $0x1B8E;
	s24 =	sld [smem:$0x3FFE];
	[sflag:s23] =	ssyncadd.s32 $0xFFFFFFFF  }
0xa5: {  	s26 =	simm.s32 $execute0_lowered;
	[smem:$0x3FD2] =	sst s25  }
0xa6: {  	s4 =	sshll.u32 s26, $0x1;
	_ =	strace $0x80000049;
	[dreg:$0x1] =	wrdreg $0xFFFFFFFF  }
0xa7: {  	s28 =	simm.s32 $_size_execute0_lowered;
	s2 =	sadd.s32 s2, s4;
	[dreg:$0x0] =	wrdreg $0x0  }
0xa8: {  	s4 =	sshll.u32 s28, $0x1;
	[dreg:$0x2] =	wrdreg s2  }
0xa9: {  	[dreg:$0x3] =	wrdreg s4  }
0xaa: {  	[dreg:$0x4] =	wrdreg $0xC0  }
0xab: {  	_ =	task [dreg:s6], $0x5FFFF  }
0xac: {  	[dreg:$0x1] =	wrdreg $0xFFFFFFFF  }
0xad: {  	[dreg:$0x0] =	wrdreg $0x60  }
0xae: {  	[dreg:$0x2] =	wrdreg s24  }
0xaf: {  	[dreg:$0x3] =	wrdreg $0x52000  }
0xb0: {  	[dreg:$0x4] =	wrdreg $0x9  }
0xb1: {  	_ =	task.clear_ibuf [dreg:s6], $0x5FFFF;
	_ =	strace $0x90000049  }
0xb2: {  	s29 =	simm.s32 $0x9;
	_ =	strace $0x8000004B  }
0xb3: {  	_ =	swait.ge [sflag:s29], $0x1  }
0xb4: {  	[sflag:s29] =	ssyncadd.s32 $0xFFFFFFFF  }
0xb5: {  	_ =	strace $0x9000004B  }
0xb6: {  	_ =	sfence  }
0xb7: {  	s30 =	sld [smem:$0x0];
	_ =	sdelay $0x2  }
0xb8: {  	s31 =	sshll.u32 s1, $0xD;
	s1 =	sshrl.u32 s1, $0x2  }
0xb9: {  	s3 =	sand.u32 $0x4000, s31;
	s1 =	sadd.s32 s1, s30  }
0xba: {  	s0 =	sor.u32 s3, s0;
	s1 =	sshll.u32 s1, $0x11  }
0xbb: {  	s0 =	sor.u32 s1, s0  }
0xbc: {  	s0 =	sadd.s32 $0x8F2B, s0  }
0xbd: {  	[sflag:s0] =	ssyncadd.remote.s32 $0x1  }
0xbe: {  	_ =	sfence.sel $0xFFFF  }
0xbf: {  	[dreg:$0x0] =	wrdreg $0xFFFFFFFF;
	(pc) =	sbr.abs _section_cstart, $3  }
0xc0: {  	[dreg:$0x1] =	wrdreg $0xFFFFFFFF  }
0xc1: {  	_ =	task.clear_ibuf [dreg:s6], $0x2FFFF;
	_ =	strace $0x9FFFFFFF  }
0xc2: {  	(tm) =	ssettm $0x7FFFFFFF  }
0xc3: {  	_ =	shalt  }
tec
execute0_lowered:
.L_overlay_start_1:
0x0: {  	(tag) =	ssettag $0x1  }
0x1: {  	s6 =	rddreg [dreg:$0x0]  }
0x2: {  	s1 =	rddreg [dreg:$0x1]  }
0x3: {  	s2 =	srdreg.scid;
	s0 =	rddreg [dreg:$0x2];
	s3 =	simm.s32 $0x0  }
0x4: {  	s17 =	simm.s32 $0x100;
	s18 =	simm.s32 $0x2A00;
	s19 =	simm.s32 $0x1  }
0x5: {  	s20 =	simm.s32 $0x80;
	s21 =	simm.s32 $0x3;
	s22 =	simm.s32 $0x2  }
0x6: {  	s23 =	simm.s32 $0x180;
	s24 =	simm.s32 $0x4;
	s25 =	simm.s32 $0x0  }
0x7: {  	s7 =	sand.u32 $0x1, s2;
	s2 =	stileid.u32;
	[smem:$0x7FF] =	sst s3  }
0x8: {  	s11 =	sadd.s32 $0x87600, s6;
	s4 =	sadd.s32 $0xFE00, s6;
	s5 =	smul.u32 $0x140000, s7  }
0x9: {  	s8 =	smul.u32 $0x14000, s2;
	_ =	strace $0x8000004A;
	s9 =	ssub.s32 $0x2, s7  }
0xa: {  	s10 =	smul.u32 $0x50000, s2;
	s12 =	sshll.u32 s2, $0x6;
	s13 =	sshll.u32 s7, $0x5  }
0xb: {  	s30 =	sshrl.u32 s9, $0x1;
	s7 =	sor.u32 s13, s12;
	s8 =	sadd.s32 s8, s5  }
0xc: {  	s5 =	sadd.s32 $0xD600, s6;
	s15 =	ssub.s32 s9, s30;
	s31 =	sshrl.u32 s10, $0x2  }
0xd: {  	s8 =	sshrl.u32 s8, $0x3;
	s16 =	sadd.s32 s31, s1;
	s10 =	smax.u32 s15, $0x1  }
0xe: {  	s15 =	simm.s32 $0x50;
	s14 =	sadd.s32 s8, s6;
	s6 =	sadd.s32 s11, s7  }
0xf: {  	s7 =	sor.u32 $0x1C05, s12;
	s12 =	sadd.s32 s12, s11;
	s8 =	sadd.s32 $0x400, s6  }
0x10: {  	s9 =	sadd.s32 $0x37000, s14;
	s11 =	sadd.s32 $0x800, s6;
	s12 =	sadd.s32 s13, s12  }
0x11: {  	s13 =	sshrl.u32 s16, $0x3;
	s14 =	simm.s32 $0x5;
	s16 =	simm.s32 $0x200  }
.LBB2_1:
0x12: {  	[spmem:s13], [sflag:s7] =	dma.local [hbm:s5], $0x2800  }
0x13: {  	_ =	swait.ge [sflag:s14], $0x2800  }
0x14: {  	[sflag:s14] =	ssyncset.done $0x0  }
0x15: {  	[sflag:s14] =	ssyncadd.s32 $0xFFFFD800  }
0x16: {  	[bflag:$0x0] =	sbarrier.arrive $0xFFFF  }
0x17: {  	[tilespmem:s3], [sflag:$0x5] =	stream.linear.gather [hbm4b:s6+s3], $0x100, $0x38;
	[tilespmem:$0x19200] =	vst v63  }
0x18: {  	_ =	swait.ge [sflag:s14], $0x100  }
0x19: {  	[sflag:s14] =	ssyncset.done $0x0  }
0x1a: {  	[sflag:s14] =	ssyncadd.s32 $0xFFFFFF00  }
0x1b: {  	[tilespmem:s16], [sflag:$0x1] =	stream.indirect.gather [hbm4b:s4+s15], $0x80, s3, s15, $0xb8;
	[tilespmem:$0x19200] =	vst v63  }
0x1c: {  	_ = 	snop  }
0x1d: {  	[tilespmem:s17], [sflag:$0x5] =	stream.linear.gather [hbm4b:s8+s3], $0x100, $0x38;
	[tilespmem:$0x19200] =	vst v63  }
0x1e: {  	_ =	swait.ge [sflag:s14], $0x100  }
0x1f: {  	[sflag:s14] =	ssyncset.done $0x0  }
0x20: {  	[sflag:s14] =	ssyncadd.s32 $0xFFFFFF00  }
0x21: {  	[tilespmem:s18], [sflag:$0x2] =	stream.indirect.gather [hbm4b:s4+s15], $0x80, s17, s15, $0xb8;
	[tilespmem:$0x19200] =	vst v63  }
0x22: {  	_ =	swait.ge [sflag:s19], $0x2800  }
0x23: {  	[sflag:s19] =	ssyncset.done $0x0  }
0x24: {  	[sflag:s19] =	ssyncadd.s32 $0xFFFFD800  }
0x25: {  	[spmem:s1] =	stream.indirect.scatter.add.f32 [tilespmem:s16], [sflag:$0x3], $0x80, s20, s15, $0xb8;
	[tilespmem:$0x19200] =	vst v63  }
0x26: {  	_ =	swait.ge [sflag:s21], $0x2800  }
0x27: {  	[sflag:s21] =	ssyncset.done $0x0  }
0x28: {  	[sflag:s21] =	ssyncadd.s32 $0xFFFFD800  }
0x29: {  	[tilespmem:s3], [sflag:$0x5] =	stream.linear.gather [hbm4b:s11+s3], $0x100, $0x38;
	[tilespmem:$0x19200] =	vst v63  }
0x2a: {  	_ =	swait.ge [sflag:s14], $0x100  }
0x2b: {  	[sflag:s14] =	ssyncset.done $0x0  }
0x2c: {  	[sflag:s14] =	ssyncadd.s32 $0xFFFFFF00  }
0x2d: {  	[tilespmem:s16], [sflag:$0x1] =	stream.indirect.gather [hbm4b:s4+s15], $0x80, s3, s15, $0xb8;
	[tilespmem:$0x19200] =	vst v63  }
0x2e: {  	_ =	swait.ge [sflag:s22], $0x2800  }
0x2f: {  	[sflag:s22] =	ssyncset.done $0x0  }
0x30: {  	[sflag:s22] =	ssyncadd.s32 $0xFFFFD800  }
0x31: {  	[spmem:s1] =	stream.indirect.scatter.add.f32 [tilespmem:s18], [sflag:$0x4], $0x80, s23, s15, $0xb8;
	[tilespmem:$0x19200] =	vst v63  }
0x32: {  	_ =	swait.ge [sflag:s24], $0x2800  }
0x33: {  	s26 =	sadd.s32 $0xFFFE1800, s12;
	[sflag:s24] =	ssyncset.done $0x0  }
0x34: {  	s28 =	sadd.s32 $0x1F400, s26;
	[sflag:s24] =	ssyncadd.s32 $0xFFFFD800  }
0x35: {  	[tilespmem:s17], [sflag:$0x5] =	stream.linear.gather [hbm4b:s28+s3], $0x100, $0x38;
	[tilespmem:$0x19200] =	vst v63  }
0x36: {  	_ =	swait.ge [sflag:s14], $0x100  }
0x37: {  	[sflag:s14] =	ssyncset.done $0x0  }
0x38: {  	[sflag:s14] =	ssyncadd.s32 $0xFFFFFF00  }
0x39: {  	[tilespmem:s18], [sflag:$0x2] =	stream.indirect.gather [hbm4b:s4+s15], $0x80, s17, s15, $0xb8;
	[tilespmem:$0x19200] =	vst v63  }
0x3a: {  	_ =	swait.ge [sflag:s19], $0x2800  }
0x3b: {  	[sflag:s19] =	ssyncset.done $0x0  }
0x3c: {  	[sflag:s19] =	ssyncadd.s32 $0xFFFFD800  }
0x3d: {  	[spmem:s1] =	stream.indirect.scatter.add.f32 [tilespmem:s16], [sflag:$0x3], $0x80, s20, s15, $0xb8;
	[tilespmem:$0x19200] =	vst v63  }
0x3e: {  	_ =	swait.ge [sflag:s21], $0x2800  }
0x3f: {  	[sflag:s21] =	ssyncset.done $0x0  }
0x40: {  	s26 =	sadd.s32 $0x1F800, s26;
	[sflag:s21] =	ssyncadd.s32 $0xFFFFD800  }
0x41: {  	[tilespmem:s3], [sflag:$0x5] =	stream.linear.gather [hbm4b:s26+s3], $0x100, $0x38;
	[tilespmem:$0x19200] =	vst v63  }
0x42: {  	_ =	swait.ge [sflag:s14], $0x100  }
0x43: {  	[sflag:s14] =	ssyncset.done $0x0  }
0x44: {  	[sflag:s14] =	ssyncadd.s32 $0xFFFFFF00  }
0x45: {  	[tilespmem:s16], [sflag:$0x1] =	stream.indirect.gather [hbm4b:s4+s15], $0x80, s3, s15, $0xb8;
	[tilespmem:$0x19200] =	vst v63  }
0x46: {  	_ =	swait.ge [sflag:s22], $0x2800  }
0x47: {  	[sflag:s22] =	ssyncset.done $0x0  }
0x48: {  	s26 =	simm.s32 $0xFFFE2000;
	[sflag:s22] =	ssyncadd.s32 $0xFFFFD800  }
.LBB2_2:
0x49: {  	[spmem:s1] =	stream.indirect.scatter.add.f32 [tilespmem:s18], [sflag:$0x4], $0x80, s23, s15, $0xb8;
	[tilespmem:$0x19200] =	vst v63  }
0x4a: {  	s28 =	smov.u32 s26  }
0x4b: {  	p0 =	sne.s32 s26, $0xFFFFF800;
	s26 =	sadd.s32 $0x800, s26;
	_ =	swait.ge [sflag:s24], $0x2800  }
0x4c: {  	s28 =	sadd.s32 s28, s12;
	[sflag:s24] =	ssyncset.done $0x0  }
0x4d: {  	s29 =	sadd.s32 $0x1F400, s28;
	[sflag:s24] =	ssyncadd.s32 $0xFFFFD800  }
0x4e: {  	[tilespmem:s17], [sflag:$0x5] =	stream.linear.gather [hbm4b:s29+s3], $0x100, $0x38;
	[tilespmem:$0x19200] =	vst v63  }
0x4f: {  	_ =	swait.ge [sflag:s14], $0x100  }
0x50: {  	[sflag:s14] =	ssyncset.done $0x0  }
0x51: {  	[sflag:s14] =	ssyncadd.s32 $0xFFFFFF00  }
0x52: {  	[tilespmem:s18], [sflag:$0x2] =	stream.indirect.gather [hbm4b:s4+s15], $0x80, s17, s15, $0xb8;
	[tilespmem:$0x19200] =	vst v63  }
0x53: {  	_ =	swait.ge [sflag:s19], $0x2800  }
0x54: {  	[sflag:s19] =	ssyncset.done $0x0  }
0x55: {  	[sflag:s19] =	ssyncadd.s32 $0xFFFFD800  }
0x56: {  	[spmem:s1] =	stream.indirect.scatter.add.f32 [tilespmem:s16], [sflag:$0x3], $0x80, s20, s15, $0xb8;
	[tilespmem:$0x19200] =	vst v63  }
0x57: {  	_ =	swait.ge [sflag:s21], $0x2800  }
0x58: {  	[sflag:s21] =	ssyncset.done $0x0  }
0x59: {  	s28 =	sadd.s32 $0x1F800, s28;
	[sflag:s21] =	ssyncadd.s32 $0xFFFFD800  }
0x5a: {  	[tilespmem:s3], [sflag:$0x5] =	stream.linear.gather [hbm4b:s28+s3], $0x100, $0x38;
	[tilespmem:$0x19200] =	vst v63  }
0x5b: {  	_ =	swait.ge [sflag:s14], $0x100  }
0x5c: {  	[sflag:s14] =	ssyncset.done $0x0  }
.Ltmp0:
0x5d: {  	[sflag:s14] =	ssyncadd.s32 $0xFFFFFF00;
	(pc) =	sbr.rel @p0 .LBB2_2-.Ltmp0, $4  }
0x5e: {  	[tilespmem:s16], [sflag:$0x1] =	stream.indirect.gather [hbm4b:s4+s15], $0x80, s3, s15, $0xb8;
	[tilespmem:$0x19200] =	vst v63  }
0x5f: {  	_ =	swait.ge [sflag:s22], $0x2800  }
0x60: {  	[sflag:s22] =	ssyncset.done $0x0  }
0x61: {  	[sflag:s22] =	ssyncadd.s32 $0xFFFFD800  }
0x62: {  	[spmem:s1] =	stream.indirect.scatter.add.f32 [tilespmem:s18], [sflag:$0x4], $0x80, s23, s15, $0xb8;
	[tilespmem:$0x19200] =	vst v63  }
0x63: {  	_ =	swait.ge [sflag:s24], $0x2800  }
0x64: {  	[sflag:s24] =	ssyncset.done $0x0  }
0x65: {  	[sflag:s24] =	ssyncadd.s32 $0xFFFFD800  }
0x66: {  	_ =	swait.ge [sflag:s19], $0x2800  }
0x67: {  	[sflag:s19] =	ssyncset.done $0x0  }
0x68: {  	[sflag:s19] =	ssyncadd.s32 $0xFFFFD800  }
0x69: {  	[spmem:s1] =	stream.indirect.scatter.add.f32 [tilespmem:s16], [sflag:$0x3], $0x80, s20, s15, $0xb8;
	[tilespmem:$0x19200] =	vst v63  }
0x6a: {  	_ =	swait.ge [sflag:s21], $0x2800  }
0x6b: {  	s25 =	sadd.s32 $0x1, s25;
	[sflag:s21] =	ssyncset.done $0x0  }
0x6c: {  	p0 =	sne.s32 s25, s10;
	[sflag:s21] =	ssyncadd.s32 $0xFFFFD800  }
.Ltmp1:
0x6d: {  	[bflag:$0x0] =	sbarrier.arrive $0xFFFF;
	(pc) =	sbr.rel @p0 .LBB2_1-.Ltmp1, $4  }
0x6e: {  	[hbm:s9], [sflag:s7] =	dma.local [spmem:s13], $0x2800  }
0x6f: {  	_ =	swait.ge [sflag:s14], $0x2800  }
0x70: {  	[sflag:s14] =	ssyncset.done $0x0  }
0x71: {  	[sflag:s14] =	ssyncadd.s32 $0xFFFFD800  }
0x72: {  	_ =	sfence.sel $0x180000  }
0x73: {  	[bflag:$0x0] =	sbarrier.arrive $0xFFFF  }
0x74: {  	p0 =	sne.s32 s2, $0x0;
	_ =	strace $0x9000004A  }
0x75: {  	s0 =	sadd.s32 @!p0 $0x100000, s0;
	[bflag:$0x2] =	sbarrier.arrive $0xFFFF  }
0x76: {  	[sflag:s0] =	ssyncadd.tile.s32 @!p0 $0x1;
	_ =	shalt  }
.Lfunc_end2:
_tile_overlayer_lowered:
.L_overlay_start_2:
0x77: {  	(tag) =	ssettag $0x2  }
0x78: {  	s0 =	rddreg [dreg:$0x0];
	s2 =	stileid.u32  }
0x79: {  	s1 =	rddreg [dreg:$0x1];
	p0 =	sne.s32 s2, $0x0  }
0x7a: {  	s3 =	rddreg [dreg:$0x2];
	[bflag:$0x3] =	sbarrier.arrive $0xFFFF;
	s2 =	simm.s32 @!p0 $0x1C05  }
0x7b: {  	[timem:s3], [sflag:s2] =	dma.local @!p0 [hbm:s0], s1  }
0x7c: {  	s0 =	simm.s32 @!p0 $0x5  }
0x7d: {  	_ =	swait.ge @!p0 [sflag:s0], s1  }
0x7e: {  	s1 =	ssub.s32 @!p0 $0x0, s1;
	[sflag:s0] =	ssyncset.done @!p0 $0x0  }
0x7f: {  	[sflag:s0] =	ssyncadd.s32 @!p0 s1  }
0x80: {  	[bflag:$0x3] =	sbarrier.arrive $0xFFFF  }
0x81: {  	_ =	shalt  }

// kernel: kernel.15.cloned.1.call-start
scs
__scs_entry_jumppad:
0x0: {  	(pc) =	sbr.rel $0x88, $3  }
0x1: {  	(tag) =	ssettag $0x0;
	lr =	simm.s32 $0x1  }
0x2: {  	[smem:$0x3F90] =	sst lr;
	_ =	strace $0xD0000000  }
0x3: {  	_ = 	snop  }
0x4: {  	_ = 	snop  }
0x5: {  	_ = 	snop  }
0x6: {  	_ = 	snop  }
0x7: {  	_ = 	snop  }
__scs_overlays_trampoline_lowered:
0x8: {  	[smem:$0x3F9F] =	sst s0  }
0x9: {  	[smem:$0x3FA0] =	sst s1  }
0xa: {  	[smem:$0x3FA1] =	sst s2  }
0xb: {  	[smem:$0x3FA2] =	sst s3  }
0xc: {  	[smem:$0x3FA3] =	sst s4  }
0xd: {  	[smem:$0x3FA4] =	sst s5  }
0xe: {  	[smem:$0x3FA5] =	sst s6  }
0xf: {  	[smem:$0x3FA6] =	sst s7  }
0x10: {  	[smem:$0x3FA7] =	sst s8  }
0x11: {  	[smem:$0x3FA8] =	sst s9;
	s0 =	simm.s32 @!p0 $0x0  }
0x12: {  	s1 =	sld [smem:$0x3F8E];
	s0 =	simm.s32 @p0 $0x1  }
0x13: {  	[smem:$0x3FA9] =	sst s0;
	s0 =	simm.s32 @!p1 $0x0  }
0x14: {  	s2 =	sld [smem:$0x3F8D];
	s0 =	simm.s32 @p1 $0x1  }
0x15: {  	[smem:$0x3FAA] =	sst s0;
	s0 =	simm.s32 @!p2 $0x0  }
0x16: {  	s3 =	sld [smem:$0x3FDB];
	s0 =	simm.s32 @p2 $0x1  }
0x17: {  	s4 =	simm.s32 $0x1BF5;
	[smem:$0x3FAC] =	sst s0  }
0x18: {  	s0 =	sld [smem:$0x3F8F];
	_ =	swait.ge [sflag:s4], $0x0  }
0x19: {  	s7 =	sld [smem:$0x3F90]  }
0x1a: {  	s8 =	sadd.s32 $0xFFFFE003, lr  }
0x1b: {  	s9 =	sadd.s32 $0xFFFFFEF7, lr;
	s5 =	simm.s32 $0xFFFFFFFF;
	p2 =	slt.u32 s8, $0xFFFFF086  }
0x1c: {  	p1 =	slt.u32 s9, $0xF7A;
	s5 =	simm.s32 @!p2 $0x0  }
0x1d: {  	s5 =	simm.s32 @p1 $0x1;
	p0 =	seq.s32 s7, s2  }
0x1e: {  	s7 =	smul.u32 @!p0 $0xF7A, s2;
	p2 =	seq.s32 @!p0 s5, $0x0  }
0x1f: {  	s9 =	smul.u32 $0xF7A, s1;
	s8 =	simm.s32 @!p0 $0x1BF5;
	p2 =	por !p2, p0  }
0x20: {  	[sflag:s8] =	ssyncset.s32 @!p0 $0xFFFFF086;
	s6 =	sadd.s32 @!p0 s3, s7;
	s7 =	simm.s32 @!p0 $0x108  }
0x21: {  	s3 =	sadd.s32 s3, s9;
	s6 =	sadd.s32 @!p0 $0x88, s6;
	s7 =	simm.s32 @p2 $0x1082  }
0x22: {  	[simem:s7], [sflag:s8] =	dma.local @!p0 [hbm:s6], $0xF7A  }
0x23: {  	s9 =	sor.u32 $0xD0000000, s2;
	s6 =	simm.s32 $0x108;
	_ =	swait.ge @!p0 [sflag:s8], $0x0  }
0x24: {  	s3 =	sadd.s32 $0x88, s3;
	s6 =	simm.s32 @!p1 $0x1082;
	[sflag:s4] =	ssyncset.s32 $0xFFFFF086  }
0x25: {  	[simem:s6], [sflag:s4] =	dma.local [hbm:s3], $0xF7A  }
0x26: {  	[smem:$0x3F90] =	sst s1;
	(tag) =	ssettag s2;
	_ =	strace s9  }
0x27: {  	s1 =	sld [smem:$0x3FA0]  }
0x28: {  	s2 =	sld [smem:$0x3FA1]  }
0x29: {  	s4 =	sld [smem:$0x3FA3]  }
0x2a: {  	p0 =	seq.s32 s5, $0x0;
	s5 =	sld [smem:$0x3FA4]  }
0x2b: {  	s6 =	sld [smem:$0x3FA5]  }
0x2c: {  	s7 =	sld [smem:$0x3FA6]  }
0x2d: {  	s3 =	simm.s32 $0x108;
	s8 =	sld [smem:$0x3FA7]  }
0x2e: {  	s3 =	simm.s32 @!p0 $0x1082;
	s9 =	sld [smem:$0x3FA8]  }
0x2f: {  	lr =	sadd.s32 s0, s3;
	s0 =	sld [smem:$0x3F9F]  }
0x30: {  	s3 =	sld [smem:$0x3FA2]  }
0x31: {  	[smem:$0x3FAB] =	sst s10  }
0x32: {  	s10 =	sld [smem:$0x3FA9];
	_ =	sdelay $0x3  }
0x33: {  	p0 =	seq.s32 s10, $0x1;
	s10 =	sld [smem:$0x3FAB];
	_ =	sdelay $0x3  }
0x34: {  	[smem:$0x3FAB] =	sst s10  }
0x35: {  	s10 =	sld [smem:$0x3FAA];
	_ =	sdelay $0x3  }
0x36: {  	p1 =	seq.s32 s10, $0x1;
	s10 =	sld [smem:$0x3FAB];
	_ =	sdelay $0x3  }
0x37: {  	[smem:$0x3FAB] =	sst s10  }
0x38: {  	s10 =	sld [smem:$0x3FAC]  }
0x39: {  	_ = 	snop;
	(pc) =	sbr.ind lr, $3  }
0x3a: {  	_ = 	snop  }
0x3b: {  	_ = 	snop  }
0x3c: {  	p2 =	seq.s32 s10, $0x1;
	s10 =	sld [smem:$0x3FAB]  }
0x3d: {  	_ =	shalt  }
0x3e: {  	_ =	shalt  }
0x3f: {  	_ =	shalt  }
0x40: {  	_ =	shalt  }
0x41: {  	_ =	shalt  }
0x42: {  	_ =	shalt  }
0x43: {  	_ =	shalt  }
0x44: {  	_ =	shalt  }
0x45: {  	_ =	shalt  }
0x46: {  	_ =	shalt  }
0x47: {  	_ =	shalt  }
0x48: {  	_ =	shalt  }
0x49: {  	_ =	shalt  }
0x4a: {  	_ =	shalt  }
0x4b: {  	_ =	shalt  }
0x4c: {  	_ =	shalt  }
0x4d: {  	_ =	shalt  }
0x4e: {  	_ =	shalt  }
0x4f: {  	_ =	shalt  }
0x50: {  	_ =	shalt  }
0x51: {  	_ =	shalt  }
0x52: {  	_ =	shalt  }
0x53: {  	_ =	shalt  }
0x54: {  	_ =	shalt  }
0x55: {  	_ =	shalt  }
0x56: {  	_ =	shalt  }
0x57: {  	_ =	shalt  }
0x58: {  	_ =	shalt  }
0x59: {  	_ =	shalt  }
0x5a: {  	_ =	shalt  }
0x5b: {  	_ =	shalt  }
0x5c: {  	_ =	shalt  }
0x5d: {  	_ =	shalt  }
0x5e: {  	_ =	shalt  }
0x5f: {  	_ =	shalt  }
0x60: {  	_ =	shalt  }
0x61: {  	_ =	shalt  }
0x62: {  	_ =	shalt  }
0x63: {  	_ =	shalt  }
0x64: {  	_ =	shalt  }
0x65: {  	_ =	shalt  }
0x66: {  	_ =	shalt  }
0x67: {  	_ =	shalt  }
0x68: {  	_ =	shalt  }
0x69: {  	_ =	shalt  }
0x6a: {  	_ =	shalt  }
0x6b: {  	_ =	shalt  }
0x6c: {  	_ =	shalt  }
0x6d: {  	_ =	shalt  }
0x6e: {  	_ =	shalt  }
0x6f: {  	_ =	shalt  }
0x70: {  	_ =	shalt  }
0x71: {  	_ =	shalt  }
0x72: {  	_ =	shalt  }
0x73: {  	_ =	shalt  }
0x74: {  	_ =	shalt  }
0x75: {  	_ =	shalt  }
0x76: {  	_ =	shalt  }
0x77: {  	_ =	shalt  }
0x78: {  	_ =	shalt  }
0x79: {  	_ =	shalt  }
0x7a: {  	_ =	shalt  }
0x7b: {  	_ =	shalt  }
0x7c: {  	_ =	shalt  }
0x7d: {  	_ =	shalt  }
0x7e: {  	_ =	shalt  }
0x7f: {  	_ =	shalt  }
0x80: {  	_ =	shalt  }
0x81: {  	_ =	shalt  }
0x82: {  	_ =	shalt  }
0x83: {  	_ =	shalt  }
0x84: {  	_ =	shalt  }
0x85: {  	_ =	shalt  }
0x86: {  	_ =	shalt  }
0x87: {  	_ =	shalt  }
.Lfunc_end0:
.L_simem_size_0:
called_computation.2_lowered:
.L_overlay_start_0:
0x88: {  	s2 =	sld [smem:$0x3FD9]  }
0x89: {  	s3 =	sld [smem:$0x3FFE];
	_ =	sdelay $0x1  }
0x8a: {  	s1 =	srdreg.scid  }
0x8b: {  	s0 =	sand.u32 $0x1, s1  }
0x8c: {  	s16 =	sshll.u32 s0, $0xA;
	s2 =	sadd.s32 s3, s2  }
0x8d: {  	s2 =	sadd.s32 s2, s16  }
0x8e: {  	[smem:$0x3FB7] =	sst s2  }
0x8f: {  	_ = 	snop  }
0x90: {  	(tm) =	ssettm $0x1  }
0x91: {  	s17 =	sld [smem:$0x3FFB];
	_ =	sdelay $0x3  }
0x92: {  	_ =	strace s17  }
0x93: {  	s2 =	sld [smem:$0x3FFC];
	_ =	sdelay $0x3  }
0x94: {  	_ =	strace s2  }
0x95: {  	s2 =	sld [smem:$0x3FFD];
	_ =	sdelay $0x3  }
0x96: {  	_ =	strace s2  }
0x97: {  	_ =	strace $0x8FFFFFFF  }
0x98: {  	s18 =	sld [smem:$0x3FDB];
	_ =	sdelay $0x1  }
0x99: {  	s19 =	simm.s32 $_scs_section_size  }
0x9a: {  	s4 =	simm.s32 $_size__tile_overlayer_lowered;
	s5 =	simm.s32 $_tile_overlayer_lowered  }
0x9b: {  	s22 =	simm.s32 $0x1BFF;
	s21 =	sshll.u32 s5, $0x1;
	s2 =	sadd.s32 s19, s18  }
0x9c: {  	s6 =	simm.s32 $0x0;
	s20 =	sshll.u32 s4, $0x1;
	s4 =	sadd.s32 s21, s2  }
0x9d: {  	[timem:s6], [sflag:s22] =	dma.local [hbm:s4], s20  }
0x9e: {  	_ =	swait.ge [sflag:s22], s20  }
0x9f: {  	s3 =	ssub.s32 $0x0, s20;
	[sflag:s22] =	ssyncset.done $0x0  }
0xa0: {  	[sflag:s22] =	ssyncadd.s32 s3;
	_ =	sdelay $0x1  }
0xa1: {  	s23 =	simm.s32 $0x1B8B  }
0xa2: {  	_ =	swait.ge [sflag:s23], $0x1  }
0xa3: {  	[sflag:s23] =	ssyncset.done $0x0  }
0xa4: {  	s25 =	simm.s32 $0x1B8E;
	s24 =	sld [smem:$0x3FFE];
	[sflag:s23] =	ssyncadd.s32 $0xFFFFFFFF  }
0xa5: {  	s26 =	simm.s32 $execute0_lowered;
	[smem:$0x3FD2] =	sst s25  }
0xa6: {  	s4 =	sshll.u32 s26, $0x1;
	_ =	strace $0x8000004C;
	[dreg:$0x1] =	wrdreg $0xFFFFFFFF  }
0xa7: {  	s28 =	simm.s32 $_size_execute0_lowered;
	s2 =	sadd.s32 s2, s4;
	[dreg:$0x0] =	wrdreg $0x0  }
0xa8: {  	s4 =	sshll.u32 s28, $0x1;
	[dreg:$0x2] =	wrdreg s2  }
0xa9: {  	[dreg:$0x3] =	wrdreg s4  }
0xaa: {  	[dreg:$0x4] =	wrdreg $0xC0  }
0xab: {  	_ =	task [dreg:s6], $0x5FFFF  }
0xac: {  	[dreg:$0x1] =	wrdreg $0xFFFFFFFF  }
0xad: {  	[dreg:$0x0] =	wrdreg $0x60  }
0xae: {  	[dreg:$0x2] =	wrdreg s24  }
0xaf: {  	[dreg:$0x3] =	wrdreg $0x52000  }
0xb0: {  	[dreg:$0x4] =	wrdreg $0x9  }
0xb1: {  	_ =	task.clear_ibuf [dreg:s6], $0x5FFFF;
	_ =	strace $0x9000004C  }
0xb2: {  	s29 =	simm.s32 $0x9;
	_ =	strace $0x8000004E  }
0xb3: {  	_ =	swait.ge [sflag:s29], $0x1  }
0xb4: {  	[sflag:s29] =	ssyncadd.s32 $0xFFFFFFFF  }
0xb5: {  	_ =	strace $0x9000004E  }
0xb6: {  	_ =	sfence  }
0xb7: {  	s30 =	sld [smem:$0x0];
	_ =	sdelay $0x2  }
0xb8: {  	s31 =	sshll.u32 s1, $0xD;
	s1 =	sshrl.u32 s1, $0x2  }
0xb9: {  	s3 =	sand.u32 $0x4000, s31;
	s1 =	sadd.s32 s1, s30  }
0xba: {  	s0 =	sor.u32 s3, s0;
	s1 =	sshll.u32 s1, $0x11  }
0xbb: {  	s0 =	sor.u32 s1, s0  }
0xbc: {  	s0 =	sadd.s32 $0x8F2B, s0  }
0xbd: {  	[sflag:s0] =	ssyncadd.remote.s32 $0x1  }
0xbe: {  	_ =	sfence.sel $0xFFFF  }
0xbf: {  	[dreg:$0x0] =	wrdreg $0xFFFFFFFF;
	(pc) =	sbr.abs _section_cstart, $3  }
0xc0: {  	[dreg:$0x1] =	wrdreg $0xFFFFFFFF  }
0xc1: {  	_ =	task.clear_ibuf [dreg:s6], $0x2FFFF;
	_ =	strace $0x9FFFFFFF  }
0xc2: {  	(tm) =	ssettm $0x7FFFFFFF  }
0xc3: {  	_ =	shalt  }
tec
execute0_lowered:
.L_overlay_start_1:
0x0: {  	(tag) =	ssettag $0x1  }
0x1: {  	s6 =	rddreg [dreg:$0x0]  }
0x2: {  	s1 =	rddreg [dreg:$0x1]  }
0x3: {  	s2 =	srdreg.scid;
	s0 =	rddreg [dreg:$0x2];
	s3 =	simm.s32 $0x0  }
0x4: {  	s17 =	simm.s32 $0x100;
	s18 =	simm.s32 $0x2A00;
	s19 =	simm.s32 $0x1  }
0x5: {  	s20 =	simm.s32 $0x80;
	s21 =	simm.s32 $0x3;
	s22 =	simm.s32 $0x2  }
0x6: {  	s23 =	simm.s32 $0x180;
	s24 =	simm.s32 $0x4;
	s25 =	simm.s32 $0x0  }
0x7: {  	s7 =	sand.u32 $0x1, s2;
	s2 =	stileid.u32;
	[smem:$0x7FF] =	sst s3  }
0x8: {  	s11 =	sadd.s32 $0x87600, s6;
	s4 =	sadd.s32 $0xFE00, s6;
	s5 =	smul.u32 $0x140000, s7  }
0x9: {  	s8 =	smul.u32 $0x14000, s2;
	_ =	strace $0x8000004D;
	s9 =	ssub.s32 $0x2, s7  }
0xa: {  	s10 =	smul.u32 $0x50000, s2;
	s12 =	sshll.u32 s2, $0x6;
	s13 =	sshll.u32 s7, $0x5  }
0xb: {  	s30 =	sshrl.u32 s9, $0x1;
	s7 =	sor.u32 s13, s12;
	s8 =	sadd.s32 s8, s5  }
0xc: {  	s5 =	sadd.s32 $0xD600, s6;
	s15 =	ssub.s32 s9, s30;
	s31 =	sshrl.u32 s10, $0x2  }
0xd: {  	s8 =	sshrl.u32 s8, $0x3;
	s16 =	sadd.s32 s31, s1;
	s10 =	smax.u32 s15, $0x1  }
0xe: {  	s15 =	simm.s32 $0x50;
	s14 =	sadd.s32 s8, s6;
	s6 =	sadd.s32 s11, s7  }
0xf: {  	s7 =	sor.u32 $0x1C05, s12;
	s12 =	sadd.s32 s12, s11;
	s8 =	sadd.s32 $0x400, s6  }
0x10: {  	s9 =	sadd.s32 $0x37000, s14;
	s11 =	sadd.s32 $0x800, s6;
	s12 =	sadd.s32 s13, s12  }
0x11: {  	s13 =	sshrl.u32 s16, $0x3;
	s14 =	simm.s32 $0x5;
	s16 =	simm.s32 $0x200  }
.LBB2_1:
0x12: {  	[spmem:s13], [sflag:s7] =	dma.local [hbm:s5], $0x2800  }
0x13: {  	_ =	swait.ge [sflag:s14], $0x2800  }
0x14: {  	[sflag:s14] =	ssyncset.done $0x0  }
0x15: {  	[sflag:s14] =	ssyncadd.s32 $0xFFFFD800  }
0x16: {  	[bflag:$0x0] =	sbarrier.arrive $0xFFFF  }
0x17: {  	[tilespmem:s3], [sflag:$0x5] =	stream.linear.gather [hbm4b:s6+s3], $0x100, $0x38;
	[tilespmem:$0x19200] =	vst v63  }
0x18: {  	_ =	swait.ge [sflag:s14], $0x100  }
0x19: {  	[sflag:s14] =	ssyncset.done $0x0  }
0x1a: {  	[sflag:s14] =	ssyncadd.s32 $0xFFFFFF00  }
0x1b: {  	[tilespmem:s16], [sflag:$0x1] =	stream.indirect.gather [hbm4b:s4+s15], $0x80, s3, s15, $0xb8;
	[tilespmem:$0x19200] =	vst v63  }
0x1c: {  	_ = 	snop  }
0x1d: {  	[tilespmem:s17], [sflag:$0x5] =	stream.linear.gather [hbm4b:s8+s3], $0x100, $0x38;
	[tilespmem:$0x19200] =	vst v63  }
0x1e: {  	_ =	swait.ge [sflag:s14], $0x100  }
0x1f: {  	[sflag:s14] =	ssyncset.done $0x0  }
0x20: {  	[sflag:s14] =	ssyncadd.s32 $0xFFFFFF00  }
0x21: {  	[tilespmem:s18], [sflag:$0x2] =	stream.indirect.gather [hbm4b:s4+s15], $0x80, s17, s15, $0xb8;
	[tilespmem:$0x19200] =	vst v63  }
0x22: {  	_ =	swait.ge [sflag:s19], $0x2800  }
0x23: {  	[sflag:s19] =	ssyncset.done $0x0  }
0x24: {  	[sflag:s19] =	ssyncadd.s32 $0xFFFFD800  }
0x25: {  	[spmem:s1] =	stream.indirect.scatter.add.f32 [tilespmem:s16], [sflag:$0x3], $0x80, s20, s15, $0xb8;
	[tilespmem:$0x19200] =	vst v63  }
0x26: {  	_ =	swait.ge [sflag:s21], $0x2800  }
0x27: {  	[sflag:s21] =	ssyncset.done $0x0  }
0x28: {  	[sflag:s21] =	ssyncadd.s32 $0xFFFFD800  }
0x29: {  	[tilespmem:s3], [sflag:$0x5] =	stream.linear.gather [hbm4b:s11+s3], $0x100, $0x38;
	[tilespmem:$0x19200] =	vst v63  }
0x2a: {  	_ =	swait.ge [sflag:s14], $0x100  }
0x2b: {  	[sflag:s14] =	ssyncset.done $0x0  }
0x2c: {  	[sflag:s14] =	ssyncadd.s32 $0xFFFFFF00  }
0x2d: {  	[tilespmem:s16], [sflag:$0x1] =	stream.indirect.gather [hbm4b:s4+s15], $0x80, s3, s15, $0xb8;
	[tilespmem:$0x19200] =	vst v63  }
0x2e: {  	_ =	swait.ge [sflag:s22], $0x2800  }
0x2f: {  	[sflag:s22] =	ssyncset.done $0x0  }
0x30: {  	[sflag:s22] =	ssyncadd.s32 $0xFFFFD800  }
0x31: {  	[spmem:s1] =	stream.indirect.scatter.add.f32 [tilespmem:s18], [sflag:$0x4], $0x80, s23, s15, $0xb8;
	[tilespmem:$0x19200] =	vst v63  }
0x32: {  	_ =	swait.ge [sflag:s24], $0x2800  }
0x33: {  	s26 =	sadd.s32 $0xFFFE1800, s12;
	[sflag:s24] =	ssyncset.done $0x0  }
0x34: {  	s28 =	sadd.s32 $0x1F400, s26;
	[sflag:s24] =	ssyncadd.s32 $0xFFFFD800  }
0x35: {  	[tilespmem:s17], [sflag:$0x5] =	stream.linear.gather [hbm4b:s28+s3], $0x100, $0x38;
	[tilespmem:$0x19200] =	vst v63  }
0x36: {  	_ =	swait.ge [sflag:s14], $0x100  }
0x37: {  	[sflag:s14] =	ssyncset.done $0x0  }
0x38: {  	[sflag:s14] =	ssyncadd.s32 $0xFFFFFF00  }
0x39: {  	[tilespmem:s18], [sflag:$0x2] =	stream.indirect.gather [hbm4b:s4+s15], $0x80, s17, s15, $0xb8;
	[tilespmem:$0x19200] =	vst v63  }
0x3a: {  	_ =	swait.ge [sflag:s19], $0x2800  }
0x3b: {  	[sflag:s19] =	ssyncset.done $0x0  }
0x3c: {  	[sflag:s19] =	ssyncadd.s32 $0xFFFFD800  }
0x3d: {  	[spmem:s1] =	stream.indirect.scatter.add.f32 [tilespmem:s16], [sflag:$0x3], $0x80, s20, s15, $0xb8;
	[tilespmem:$0x19200] =	vst v63  }
0x3e: {  	_ =	swait.ge [sflag:s21], $0x2800  }
0x3f: {  	[sflag:s21] =	ssyncset.done $0x0  }
0x40: {  	s26 =	sadd.s32 $0x1F800, s26;
	[sflag:s21] =	ssyncadd.s32 $0xFFFFD800  }
0x41: {  	[tilespmem:s3], [sflag:$0x5] =	stream.linear.gather [hbm4b:s26+s3], $0x100, $0x38;
	[tilespmem:$0x19200] =	vst v63  }
0x42: {  	_ =	swait.ge [sflag:s14], $0x100  }
0x43: {  	[sflag:s14] =	ssyncset.done $0x0  }
0x44: {  	[sflag:s14] =	ssyncadd.s32 $0xFFFFFF00  }
0x45: {  	[tilespmem:s16], [sflag:$0x1] =	stream.indirect.gather [hbm4b:s4+s15], $0x80, s3, s15, $0xb8;
	[tilespmem:$0x19200] =	vst v63  }
0x46: {  	_ =	swait.ge [sflag:s22], $0x2800  }
0x47: {  	[sflag:s22] =	ssyncset.done $0x0  }
0x48: {  	s26 =	simm.s32 $0xFFFE2000;
	[sflag:s22] =	ssyncadd.s32 $0xFFFFD800  }
.LBB2_2:
0x49: {  	[spmem:s1] =	stream.indirect.scatter.add.f32 [tilespmem:s18], [sflag:$0x4], $0x80, s23, s15, $0xb8;
	[tilespmem:$0x19200] =	vst v63  }
0x4a: {  	s28 =	smov.u32 s26  }
0x4b: {  	p0 =	sne.s32 s26, $0xFFFFF800;
	s26 =	sadd.s32 $0x800, s26;
	_ =	swait.ge [sflag:s24], $0x2800  }
0x4c: {  	s28 =	sadd.s32 s28, s12;
	[sflag:s24] =	ssyncset.done $0x0  }
0x4d: {  	s29 =	sadd.s32 $0x1F400, s28;
	[sflag:s24] =	ssyncadd.s32 $0xFFFFD800  }
0x4e: {  	[tilespmem:s17], [sflag:$0x5] =	stream.linear.gather [hbm4b:s29+s3], $0x100, $0x38;
	[tilespmem:$0x19200] =	vst v63  }
0x4f: {  	_ =	swait.ge [sflag:s14], $0x100  }
0x50: {  	[sflag:s14] =	ssyncset.done $0x0  }
0x51: {  	[sflag:s14] =	ssyncadd.s32 $0xFFFFFF00  }
0x52: {  	[tilespmem:s18], [sflag:$0x2] =	stream.indirect.gather [hbm4b:s4+s15], $0x80, s17, s15, $0xb8;
	[tilespmem:$0x19200] =	vst v63  }
0x53: {  	_ =	swait.ge [sflag:s19], $0x2800  }
0x54: {  	[sflag:s19] =	ssyncset.done $0x0  }
0x55: {  	[sflag:s19] =	ssyncadd.s32 $0xFFFFD800  }
0x56: {  	[spmem:s1] =	stream.indirect.scatter.add.f32 [tilespmem:s16], [sflag:$0x3], $0x80, s20, s15, $0xb8;
	[tilespmem:$0x19200] =	vst v63  }
0x57: {  	_ =	swait.ge [sflag:s21], $0x2800  }
0x58: {  	[sflag:s21] =	ssyncset.done $0x0  }
0x59: {  	s28 =	sadd.s32 $0x1F800, s28;
	[sflag:s21] =	ssyncadd.s32 $0xFFFFD800  }
0x5a: {  	[tilespmem:s3], [sflag:$0x5] =	stream.linear.gather [hbm4b:s28+s3], $0x100, $0x38;
	[tilespmem:$0x19200] =	vst v63  }
0x5b: {  	_ =	swait.ge [sflag:s14], $0x100  }
0x5c: {  	[sflag:s14] =	ssyncset.done $0x0  }
.Ltmp0:
0x5d: {  	[sflag:s14] =	ssyncadd.s32 $0xFFFFFF00;
	(pc) =	sbr.rel @p0 .LBB2_2-.Ltmp0, $4  }
0x5e: {  	[tilespmem:s16], [sflag:$0x1] =	stream.indirect.gather [hbm4b:s4+s15], $0x80, s3, s15, $0xb8;
	[tilespmem:$0x19200] =	vst v63  }
0x5f: {  	_ =	swait.ge [sflag:s22], $0x2800  }
0x60: {  	[sflag:s22] =	ssyncset.done $0x0  }
0x61: {  	[sflag:s22] =	ssyncadd.s32 $0xFFFFD800  }
0x62: {  	[spmem:s1] =	stream.indirect.scatter.add.f32 [tilespmem:s18], [sflag:$0x4], $0x80, s23, s15, $0xb8;
	[tilespmem:$0x19200] =	vst v63  }
0x63: {  	_ =	swait.ge [sflag:s24], $0x2800  }
0x64: {  	[sflag:s24] =	ssyncset.done $0x0  }
0x65: {  	[sflag:s24] =	ssyncadd.s32 $0xFFFFD800  }
0x66: {  	_ =	swait.ge [sflag:s19], $0x2800  }
0x67: {  	[sflag:s19] =	ssyncset.done $0x0  }
0x68: {  	[sflag:s19] =	ssyncadd.s32 $0xFFFFD800  }
0x69: {  	[spmem:s1] =	stream.indirect.scatter.add.f32 [tilespmem:s16], [sflag:$0x3], $0x80, s20, s15, $0xb8;
	[tilespmem:$0x19200] =	vst v63  }
0x6a: {  	_ =	swait.ge [sflag:s21], $0x2800  }
0x6b: {  	s25 =	sadd.s32 $0x1, s25;
	[sflag:s21] =	ssyncset.done $0x0  }
0x6c: {  	p0 =	sne.s32 s25, s10;
	[sflag:s21] =	ssyncadd.s32 $0xFFFFD800  }
.Ltmp1:
0x6d: {  	[bflag:$0x0] =	sbarrier.arrive $0xFFFF;
	(pc) =	sbr.rel @p0 .LBB2_1-.Ltmp1, $4  }
0x6e: {  	[hbm:s9], [sflag:s7] =	dma.local [spmem:s13], $0x2800  }
0x6f: {  	_ =	swait.ge [sflag:s14], $0x2800  }
0x70: {  	[sflag:s14] =	ssyncset.done $0x0  }
0x71: {  	[sflag:s14] =	ssyncadd.s32 $0xFFFFD800  }
0x72: {  	_ =	sfence.sel $0x180000  }
0x73: {  	[bflag:$0x0] =	sbarrier.arrive $0xFFFF  }
0x74: {  	p0 =	sne.s32 s2, $0x0;
	_ =	strace $0x9000004D  }
0x75: {  	s0 =	sadd.s32 @!p0 $0x100000, s0;
	[bflag:$0x2] =	sbarrier.arrive $0xFFFF  }
0x76: {  	[sflag:s0] =	ssyncadd.tile.s32 @!p0 $0x1;
	_ =	shalt  }
.Lfunc_end2:
_tile_overlayer_lowered:
.L_overlay_start_2:
0x77: {  	(tag) =	ssettag $0x2  }
0x78: {  	s0 =	rddreg [dreg:$0x0];
	s2 =	stileid.u32  }
0x79: {  	s1 =	rddreg [dreg:$0x1];
	p0 =	sne.s32 s2, $0x0  }
0x7a: {  	s3 =	rddreg [dreg:$0x2];
	[bflag:$0x3] =	sbarrier.arrive $0xFFFF;
	s2 =	simm.s32 @!p0 $0x1C05  }
0x7b: {  	[timem:s3], [sflag:s2] =	dma.local @!p0 [hbm:s0], s1  }
0x7c: {  	s0 =	simm.s32 @!p0 $0x5  }
0x7d: {  	_ =	swait.ge @!p0 [sflag:s0], s1  }
0x7e: {  	s1 =	ssub.s32 @!p0 $0x0, s1;
	[sflag:s0] =	ssyncset.done @!p0 $0x0  }
0x7f: {  	[sflag:s0] =	ssyncadd.s32 @!p0 s1  }
0x80: {  	[bflag:$0x3] =	sbarrier.arrive $0xFFFF  }
0x81: {  	_ =	shalt  }

// kernel: kernel.9.cloned.1.call-start
scs
__scs_entry_jumppad:
0x0: {  	(pc) =	sbr.rel $0x88, $3  }
0x1: {  	(tag) =	ssettag $0x0;
	lr =	simm.s32 $0x1  }
0x2: {  	[smem:$0x3F90] =	sst lr;
	_ =	strace $0xD0000000  }
0x3: {  	_ = 	snop  }
0x4: {  	_ = 	snop  }
0x5: {  	_ = 	snop  }
0x6: {  	_ = 	snop  }
0x7: {  	_ = 	snop  }
__scs_overlays_trampoline_lowered:
0x8: {  	[smem:$0x3F9F] =	sst s0  }
0x9: {  	[smem:$0x3FA0] =	sst s1  }
0xa: {  	[smem:$0x3FA1] =	sst s2  }
0xb: {  	[smem:$0x3FA2] =	sst s3  }
0xc: {  	[smem:$0x3FA3] =	sst s4  }
0xd: {  	[smem:$0x3FA4] =	sst s5  }
0xe: {  	[smem:$0x3FA5] =	sst s6  }
0xf: {  	[smem:$0x3FA6] =	sst s7  }
0x10: {  	[smem:$0x3FA7] =	sst s8  }
0x11: {  	[smem:$0x3FA8] =	sst s9;
	s0 =	simm.s32 @!p0 $0x0  }
0x12: {  	s1 =	sld [smem:$0x3F8E];
	s0 =	simm.s32 @p0 $0x1  }
0x13: {  	[smem:$0x3FA9] =	sst s0;
	s0 =	simm.s32 @!p1 $0x0  }
0x14: {  	s2 =	sld [smem:$0x3F8D];
	s0 =	simm.s32 @p1 $0x1  }
0x15: {  	[smem:$0x3FAA] =	sst s0;
	s0 =	simm.s32 @!p2 $0x0  }
0x16: {  	s3 =	sld [smem:$0x3FDB];
	s0 =	simm.s32 @p2 $0x1  }
0x17: {  	s4 =	simm.s32 $0x1BF5;
	[smem:$0x3FAC] =	sst s0  }
0x18: {  	s0 =	sld [smem:$0x3F8F];
	_ =	swait.ge [sflag:s4], $0x0  }
0x19: {  	s7 =	sld [smem:$0x3F90]  }
0x1a: {  	s8 =	sadd.s32 $0xFFFFE003, lr  }
0x1b: {  	s9 =	sadd.s32 $0xFFFFFEF7, lr;
	s5 =	simm.s32 $0xFFFFFFFF;
	p2 =	slt.u32 s8, $0xFFFFF086  }
0x1c: {  	p1 =	slt.u32 s9, $0xF7A;
	s5 =	simm.s32 @!p2 $0x0  }
0x1d: {  	s5 =	simm.s32 @p1 $0x1;
	p0 =	seq.s32 s7, s2  }
0x1e: {  	s7 =	smul.u32 @!p0 $0xF7A, s2;
	p2 =	seq.s32 @!p0 s5, $0x0  }
0x1f: {  	s9 =	smul.u32 $0xF7A, s1;
	s8 =	simm.s32 @!p0 $0x1BF5;
	p2 =	por !p2, p0  }
0x20: {  	[sflag:s8] =	ssyncset.s32 @!p0 $0xFFFFF086;
	s6 =	sadd.s32 @!p0 s3, s7;
	s7 =	simm.s32 @!p0 $0x108  }
0x21: {  	s3 =	sadd.s32 s3, s9;
	s6 =	sadd.s32 @!p0 $0x88, s6;
	s7 =	simm.s32 @p2 $0x1082  }
0x22: {  	[simem:s7], [sflag:s8] =	dma.local @!p0 [hbm:s6], $0xF7A  }
0x23: {  	s9 =	sor.u32 $0xD0000000, s2;
	s6 =	simm.s32 $0x108;
	_ =	swait.ge @!p0 [sflag:s8], $0x0  }
0x24: {  	s3 =	sadd.s32 $0x88, s3;
	s6 =	simm.s32 @!p1 $0x1082;
	[sflag:s4] =	ssyncset.s32 $0xFFFFF086  }
0x25: {  	[simem:s6], [sflag:s4] =	dma.local [hbm:s3], $0xF7A  }
0x26: {  	[smem:$0x3F90] =	sst s1;
	(tag) =	ssettag s2;
	_ =	strace s9  }
0x27: {  	s1 =	sld [smem:$0x3FA0]  }
0x28: {  	s2 =	sld [smem:$0x3FA1]  }
0x29: {  	s4 =	sld [smem:$0x3FA3]  }
0x2a: {  	p0 =	seq.s32 s5, $0x0;
	s5 =	sld [smem:$0x3FA4]  }
0x2b: {  	s6 =	sld [smem:$0x3FA5]  }
0x2c: {  	s7 =	sld [smem:$0x3FA6]  }
0x2d: {  	s3 =	simm.s32 $0x108;
	s8 =	sld [smem:$0x3FA7]  }
0x2e: {  	s3 =	simm.s32 @!p0 $0x1082;
	s9 =	sld [smem:$0x3FA8]  }
0x2f: {  	lr =	sadd.s32 s0, s3;
	s0 =	sld [smem:$0x3F9F]  }
0x30: {  	s3 =	sld [smem:$0x3FA2]  }
0x31: {  	[smem:$0x3FAB] =	sst s10  }
0x32: {  	s10 =	sld [smem:$0x3FA9];
	_ =	sdelay $0x3  }
0x33: {  	p0 =	seq.s32 s10, $0x1;
	s10 =	sld [smem:$0x3FAB];
	_ =	sdelay $0x3  }
0x34: {  	[smem:$0x3FAB] =	sst s10  }
0x35: {  	s10 =	sld [smem:$0x3FAA];
	_ =	sdelay $0x3  }
0x36: {  	p1 =	seq.s32 s10, $0x1;
	s10 =	sld [smem:$0x3FAB];
	_ =	sdelay $0x3  }
0x37: {  	[smem:$0x3FAB] =	sst s10  }
0x38: {  	s10 =	sld [smem:$0x3FAC]  }
0x39: {  	_ = 	snop;
	(pc) =	sbr.ind lr, $3  }
0x3a: {  	_ = 	snop  }
0x3b: {  	_ = 	snop  }
0x3c: {  	p2 =	seq.s32 s10, $0x1;
	s10 =	sld [smem:$0x3FAB]  }
0x3d: {  	_ =	shalt  }
0x3e: {  	_ =	shalt  }
0x3f: {  	_ =	shalt  }
0x40: {  	_ =	shalt  }
0x41: {  	_ =	shalt  }
0x42: {  	_ =	shalt  }
0x43: {  	_ =	shalt  }
0x44: {  	_ =	shalt  }
0x45: {  	_ =	shalt  }
0x46: {  	_ =	shalt  }
0x47: {  	_ =	shalt  }
0x48: {  	_ =	shalt  }
0x49: {  	_ =	shalt  }
0x4a: {  	_ =	shalt  }
0x4b: {  	_ =	shalt  }
0x4c: {  	_ =	shalt  }
0x4d: {  	_ =	shalt  }
0x4e: {  	_ =	shalt  }
0x4f: {  	_ =	shalt  }
0x50: {  	_ =	shalt  }
0x51: {  	_ =	shalt  }
0x52: {  	_ =	shalt  }
0x53: {  	_ =	shalt  }
0x54: {  	_ =	shalt  }
0x55: {  	_ =	shalt  }
0x56: {  	_ =	shalt  }
0x57: {  	_ =	shalt  }
0x58: {  	_ =	shalt  }
0x59: {  	_ =	shalt  }
0x5a: {  	_ =	shalt  }
0x5b: {  	_ =	shalt  }
0x5c: {  	_ =	shalt  }
0x5d: {  	_ =	shalt  }
0x5e: {  	_ =	shalt  }
0x5f: {  	_ =	shalt  }
0x60: {  	_ =	shalt  }
0x61: {  	_ =	shalt  }
0x62: {  	_ =	shalt  }
0x63: {  	_ =	shalt  }
0x64: {  	_ =	shalt  }
0x65: {  	_ =	shalt  }
0x66: {  	_ =	shalt  }
0x67: {  	_ =	shalt  }
0x68: {  	_ =	shalt  }
0x69: {  	_ =	shalt  }
0x6a: {  	_ =	shalt  }
0x6b: {  	_ =	shalt  }
0x6c: {  	_ =	shalt  }
0x6d: {  	_ =	shalt  }
0x6e: {  	_ =	shalt  }
0x6f: {  	_ =	shalt  }
0x70: {  	_ =	shalt  }
0x71: {  	_ =	shalt  }
0x72: {  	_ =	shalt  }
0x73: {  	_ =	shalt  }
0x74: {  	_ =	shalt  }
0x75: {  	_ =	shalt  }
0x76: {  	_ =	shalt  }
0x77: {  	_ =	shalt  }
0x78: {  	_ =	shalt  }
0x79: {  	_ =	shalt  }
0x7a: {  	_ =	shalt  }
0x7b: {  	_ =	shalt  }
0x7c: {  	_ =	shalt  }
0x7d: {  	_ =	shalt  }
0x7e: {  	_ =	shalt  }
0x7f: {  	_ =	shalt  }
0x80: {  	_ =	shalt  }
0x81: {  	_ =	shalt  }
0x82: {  	_ =	shalt  }
0x83: {  	_ =	shalt  }
0x84: {  	_ =	shalt  }
0x85: {  	_ =	shalt  }
0x86: {  	_ =	shalt  }
0x87: {  	_ =	shalt  }
.Lfunc_end0:
.L_simem_size_0:
called_computation_lowered:
.L_overlay_start_0:
0x88: {  	s2 =	sld [smem:$0x3FD9]  }
0x89: {  	s3 =	sld [smem:$0x3FFE];
	_ =	sdelay $0x1  }
0x8a: {  	s1 =	srdreg.scid  }
0x8b: {  	s0 =	sand.u32 $0x1, s1  }
0x8c: {  	s17 =	sshll.u32 s0, $0xA;
	s2 =	sadd.s32 s3, s2  }
0x8d: {  	s2 =	sadd.s32 s2, s17  }
0x8e: {  	[smem:$0x3FB7] =	sst s2  }
0x8f: {  	_ = 	snop  }
0x90: {  	s2 =	sld [smem:$0x3FC9]  }
0x91: {  	s18 =	sld [smem:$0x3FC5];
	(tm) =	ssettm $0x1  }
0x92: {  	s4 =	sld [smem:$0x3FFB];
	_ =	sdelay $0x3  }
0x93: {  	_ =	strace s4  }
0x94: {  	s4 =	sld [smem:$0x3FFC];
	_ =	sdelay $0x3  }
0x95: {  	_ =	strace s4  }
0x96: {  	s4 =	sld [smem:$0x3FFD];
	_ =	sdelay $0x3  }
0x97: {  	_ =	strace s4  }
0x98: {  	_ =	strace $0x8FFFFFFF  }
0x99: {  	s19 =	sld [smem:$0x3FDB];
	_ =	sdelay $0x1  }
0x9a: {  	s5 =	simm.s32 $_scs_section_size  }
0x9b: {  	s6 =	simm.s32 $_size__tile_overlayer_lowered;
	s7 =	simm.s32 $_tile_overlayer_lowered  }
0x9c: {  	s22 =	simm.s32 $0x1BFF;
	s21 =	sshll.u32 s7, $0x1;
	s4 =	sadd.s32 s5, s19  }
0x9d: {  	s8 =	simm.s32 $0x0;
	s20 =	sshll.u32 s6, $0x1;
	s6 =	sadd.s32 s21, s4  }
0x9e: {  	[timem:s8], [sflag:s22] =	dma.local [hbm:s6], s20  }
0x9f: {  	_ =	swait.ge [sflag:s22], s20  }
0xa0: {  	s5 =	ssub.s32 $0x0, s20;
	[sflag:s22] =	ssyncset.done $0x0  }
0xa1: {  	[sflag:s22] =	ssyncadd.s32 s5;
	_ =	sdelay $0x1  }
0xa2: {  	s23 =	simm.s32 $0x1B8B  }
0xa3: {  	_ =	swait.ge [sflag:s23], $0x1  }
0xa4: {  	[sflag:s23] =	ssyncset.done $0x0  }
0xa5: {  	s25 =	simm.s32 $0x1B8E;
	s24 =	sld [smem:$0x3FFE];
	[sflag:s23] =	ssyncadd.s32 $0xFFFFFFFF  }
0xa6: {  	s26 =	simm.s32 $execute0_lowered;
	[smem:$0x3FD2] =	sst s25  }
0xa7: {  	s6 =	sshll.u32 s26, $0x1;
	_ =	strace $0x80000046;
	[dreg:$0x1] =	wrdreg $0xFFFFFFFF  }
0xa8: {  	s28 =	simm.s32 $_size_execute0_lowered;
	s4 =	sadd.s32 s4, s6;
	[dreg:$0x0] =	wrdreg $0x0  }
0xa9: {  	s6 =	sshll.u32 s28, $0x1;
	[dreg:$0x2] =	wrdreg s4  }
0xaa: {  	[dreg:$0x3] =	wrdreg s6  }
0xab: {  	[dreg:$0x4] =	wrdreg $0xC0  }
0xac: {  	_ =	task [dreg:s8], $0x5FFFF  }
0xad: {  	[dreg:$0x1] =	wrdreg $0xFFFFFFFF  }
0xae: {  	[dreg:$0x0] =	wrdreg $0x60  }
0xaf: {  	[dreg:$0x2] =	wrdreg s2  }
0xb0: {  	[dreg:$0x3] =	wrdreg s24  }
0xb1: {  	[dreg:$0x4] =	wrdreg s18  }
0xb2: {  	[dreg:$0x5] =	wrdreg $0x51800  }
0xb3: {  	[dreg:$0x6] =	wrdreg $0x9  }
0xb4: {  	_ =	task.clear_ibuf [dreg:s8], $0x7FFFF;
	_ =	strace $0x90000046  }
0xb5: {  	s29 =	simm.s32 $0x9;
	_ =	strace $0x80000048  }
0xb6: {  	_ =	swait.ge [sflag:s29], $0x1  }
0xb7: {  	[sflag:s29] =	ssyncadd.s32 $0xFFFFFFFF  }
0xb8: {  	_ =	strace $0x90000048  }
0xb9: {  	_ =	sfence  }
0xba: {  	s30 =	sld [smem:$0x0];
	_ =	sdelay $0x2  }
0xbb: {  	s31 =	sshll.u32 s1, $0xD;
	s1 =	sshrl.u32 s1, $0x2  }
0xbc: {  	s3 =	sand.u32 $0x4000, s31;
	s1 =	sadd.s32 s1, s30  }
0xbd: {  	s0 =	sor.u32 s3, s0;
	s1 =	sshll.u32 s1, $0x11  }
0xbe: {  	s0 =	sor.u32 s1, s0  }
0xbf: {  	s0 =	sadd.s32 $0x8F2B, s0  }
0xc0: {  	[sflag:s0] =	ssyncadd.remote.s32 $0x1  }
0xc1: {  	_ =	sfence.sel $0xFFFF  }
0xc2: {  	[dreg:$0x0] =	wrdreg $0xFFFFFFFF;
	(pc) =	sbr.abs _section_cstart, $3  }
0xc3: {  	[dreg:$0x1] =	wrdreg $0xFFFFFFFF  }
0xc4: {  	_ =	task.clear_ibuf [dreg:s8], $0x2FFFF;
	_ =	strace $0x9FFFFFFF  }
0xc5: {  	(tm) =	ssettm $0x7FFFFFFF  }
tec
execute0_lowered:
.L_overlay_start_1:
0x0: {  	(tag) =	ssettag $0x1  }
0x1: {  	s0 =	rddreg [dreg:$0x0]  }
0x2: {  	s3 =	rddreg [dreg:$0x1]  }
0x3: {  	s1 =	rddreg [dreg:$0x2]  }
0x4: {  	s2 =	rddreg [dreg:$0x3];
	s4 =	simm.s32 $0x0  }
0x5: {  	s5 =	srdreg.scid;
	s16 =	stileid.u32;
	s28 =	simm.s32 $0x80  }
0x6: {  	s29 =	simm.s32 $0x1;
	s30 =	simm.s32 $0x2880;
	s31 =	simm.s32 $0x2900  }
0x7: {  	[smem:$0x7FF] =	sst s4;
	s5 =	sand.u32 $0x1, s5;
	s7 =	smul.u32 $0x14000, s16  }
0x8: {  	s21 =	sadd.s32 $0x3800, s3;
	s8 =	sadd.s32 $0xFE00, s3;
	s13 =	sadd.s32 $0xD600, s3  }
0x9: {  	s19 =	sadd.s32 $0x10400, s3;
	s14 =	sshll.u32 s16, $0x1;
	s6 =	smul.u32 $0x140000, s5  }
0xa: {  	s15 =	smul.u32 $0x50000, s16;
	_ =	strace $0x80000047;
	[dreg:$0x5] =	wrdreg s8  }
0xb: {  	s25 =	smul.u32 $0xA, s5;
	s6 =	sadd.s32 s7, s6;
	s7 =	sor.u32 s5, s14  }
0xc: {  	s18 =	sshll.u32 s16, $0x6;
	[dreg:$0x6] =	wrdreg s13;
	s12 =	smul.u32 $0xA, s7  }
0xd: {  	s17 =	ssub.s32 $0x2, s5;
	s13 =	smul.u32 $0x500, s7;
	s10 =	sor.u32 $0x20, s7  }
0xe: {  	s9 =	sshrl.u32 s17, $0x1;
	s8 =	sshrl.u32 s15, $0x2;
	s14 =	smul.u32 $0xA, s10  }
0xf: {  	s8 =	sadd.s32 s8, s2;
	s11 =	sor.u32 $0x40, s7;
	s15 =	smul.u32 $0x500, s10  }
0x10: {  	s6 =	sshrl.u32 s6, $0x3;
	[dreg:$0x7] =	wrdreg s8;
	s22 =	smul.u32 $0xA, s11  }
0x11: {  	s8 =	sor.u32 $0x1C04, s18;
	s7 =	sor.u32 $0x60, s7;
	s18 =	smul.u32 $0x500, s11  }
0x12: {  	s5 =	simm.s32 $0x0;
	s3 =	sadd.s32 s6, s3;
	s23 =	smul.u32 $0xA, s7  }
0x13: {  	s6 =	ssub.s32 s17, s9;
	s24 =	smul.u32 $0x500, s7;
	p0 =	sgt.u32 s7, $0x7C  }
0x14: {  	s9 =	sadd.s32 s21, s12;
	s3 =	sadd.s32 $0x37600, s3;
	s20 =	smax.u32 s6, $0x1  }
0x15: {  	s12 =	sadd.s32 s0, s12;
	s13 =	sadd.s32 s19, s13;
	[dreg:$0x8] =	wrdreg s3  }
0x16: {  	[dreg:$0x9] =	wrdreg s20;
	s14 =	sadd.s32 s0, s14;
	s15 =	sadd.s32 s19, s15  }
0x17: {  	s20 =	smul.u32 $0x14, s16;
	s16 =	sadd.s32 s0, s23;
	s17 =	sadd.s32 s0, s22  }
0x18: {  	s18 =	sadd.s32 s19, s18;
	s19 =	sadd.s32 s19, s24;
	s23 =	simm.s32 $0x4  }
0x19: {  	s24 =	simm.s32 $0x2980;
	s0 =	simm.s32 $0x2;
	s3 =	simm.s32 $0x3  }
0x1a: {  	s26 =	sadd.s32 s20, s21;
	s20 =	sadd.s32 $0x140, s9;
	s21 =	sadd.s32 s21, s22  }
0x1b: {  	s22 =	sadd.s32 s25, s26;
	s25 =	simm.s32 $0x5;
	s26 =	simm.s32 $0x50  }
.LBB2_1:
0x1c: {  	s6 =	rddreg [dreg:$0x7]  }
0x1d: {  	s7 =	rddreg [dreg:$0x6];
	s6 =	sshrl.u32 s6, $0x3  }
0x1e: {  	[spmem:s6], [sflag:s8] =	dma.local [hbm:s7], $0x2800  }
0x1f: {  	_ =	swait.ge [sflag:s23], $0x2800  }
0x20: {  	[sflag:s23] =	ssyncset.done $0x0  }
0x21: {  	s10 =	rddreg [dreg:$0x5];
	[sflag:s23] =	ssyncadd.s32 $0xFFFFD800  }
0x22: {  	[tilespmem:s24], [sflag:$0x4] =	stream.linear.gather [hbm4b:s10+s4], $0x2800, $0x38;
	[tilespmem:$0x19180] =	vst v63  }
0x23: {  	_ =	swait.ge [sflag:s23], $0x2800  }
0x24: {  	[sflag:s23] =	ssyncset.done $0x0  }
0x25: {  	[sflag:s23] =	ssyncadd.s32 $0xFFFFD800  }
0x26: {  	[bflag:$0x0] =	sbarrier.arrive $0xFFFF  }
0x27: {  	[tilespmem:s4], [sflag:$0x5] =	stream.linear.gather [hbm4b:s12+s4], $0x50, $0x38;
	[tilespmem:$0x19180] =	vst v63  }
0x28: {  	_ =	swait.ge [sflag:s25], $0x50  }
0x29: {  	[sflag:s25] =	ssyncset.done $0x0  }
0x2a: {  	[sflag:s25] =	ssyncadd.s32 $0xFFFFFFB0  }
0x2b: {  	[tilespmem:s28], [sflag:$0x1] =	stream.indirect.gather [hbm4b:s1+s26], $0x80, s4, s26, $0xb8;
	[tilespmem:$0x19180] =	vst v63  }
0x2c: {  	_ =	swait.ge [sflag:s29], $0x2800  }
0x2d: {  	[sflag:s29] =	ssyncset.done $0x0  }
0x2e: {  	[sflag:s29] =	ssyncadd.s32 $0xFFFFD800  }
0x2f: {  	[hbm4b:s13+s4] =	stream.linear.scatter [tilespmem:s28], [sflag:$0x4], $0x2800, $0x38;
	[tilespmem:$0x19180] =	vst v63  }
0x30: {  	_ =	swait.ge [sflag:s23], $0x2800  }
0x31: {  	[sflag:s23] =	ssyncset.done $0x0  }
0x32: {  	[sflag:s23] =	ssyncadd.s32 $0xFFFFD800  }
0x33: {  	[tilespmem:s4], [sflag:$0x5] =	stream.linear.gather [hbm4b:s14+s4], $0x50, $0x38;
	[tilespmem:$0x19180] =	vst v63  }
0x34: {  	_ =	swait.ge [sflag:s25], $0x50  }
0x35: {  	[sflag:s25] =	ssyncset.done $0x0  }
0x36: {  	[sflag:s25] =	ssyncadd.s32 $0xFFFFFFB0  }
0x37: {  	[tilespmem:s28], [sflag:$0x1] =	stream.indirect.gather [hbm4b:s1+s26], $0x80, s4, s26, $0xb8;
	[tilespmem:$0x19180] =	vst v63  }
0x38: {  	_ =	swait.ge [sflag:s29], $0x2800  }
0x39: {  	[sflag:s29] =	ssyncset.done $0x0  }
0x3a: {  	[sflag:s29] =	ssyncadd.s32 $0xFFFFD800  }
0x3b: {  	[hbm4b:s15+s4] =	stream.linear.scatter [tilespmem:s28], [sflag:$0x4], $0x2800, $0x38;
	[tilespmem:$0x19180] =	vst v63  }
0x3c: {  	_ =	swait.ge [sflag:s23], $0x2800  }
0x3d: {  	[sflag:s23] =	ssyncset.done $0x0  }
0x3e: {  	[sflag:s23] =	ssyncadd.s32 $0xFFFFD800  }
0x3f: {  	[tilespmem:s4], [sflag:$0x5] =	stream.linear.gather [hbm4b:s17+s4], $0x50, $0x38;
	[tilespmem:$0x19180] =	vst v63  }
0x40: {  	_ =	swait.ge [sflag:s25], $0x50  }
0x41: {  	[sflag:s25] =	ssyncset.done $0x0  }
0x42: {  	[sflag:s25] =	ssyncadd.s32 $0xFFFFFFB0  }
0x43: {  	[tilespmem:s28], [sflag:$0x1] =	stream.indirect.gather [hbm4b:s1+s26], $0x80, s4, s26, $0xb8;
	[tilespmem:$0x19180] =	vst v63  }
0x44: {  	_ =	swait.ge [sflag:s29], $0x2800  }
0x45: {  	[sflag:s29] =	ssyncset.done $0x0  }
0x46: {  	[sflag:s29] =	ssyncadd.s32 $0xFFFFD800  }
0x47: {  	[hbm4b:s18+s4] =	stream.linear.scatter [tilespmem:s28], [sflag:$0x4], $0x2800, $0x38;
	[tilespmem:$0x19180] =	vst v63  }
0x48: {  	_ =	swait.ge [sflag:s23], $0x2800  }
0x49: {  	[sflag:s23] =	ssyncset.done $0x0  }
0x4a: {  	s7 =	simm.s32 @!p0 $0x0;
	s10 =	simm.s32 @!p0 $0x5;
	[sflag:s23] =	ssyncadd.s32 $0xFFFFD800  }
0x4b: {  	[tilespmem:s7], [sflag:$0x5] =	stream.linear.gather @!p0 [hbm4b:s16+s7], $0x50, $0x38;
	[tilespmem:$0x19180] =	vst v63  }
0x4c: {  	_ =	swait.ge @!p0 [sflag:s10], $0x50  }
0x4d: {  	[sflag:s10] =	ssyncset.done @!p0 $0x0  }
0x4e: {  	s11 =	simm.s32 @!p0 $0x80;
	[sflag:s10] =	ssyncadd.s32 @!p0 $0xFFFFFFB0;
	s10 =	simm.s32 @!p0 $0x50  }
0x4f: {  	[tilespmem:s11], [sflag:$0x1] =	stream.indirect.gather @!p0 [hbm4b:s1+s10], $0x80, s7, s10, $0xb8;
	[tilespmem:$0x19180] =	vst v63  }
0x50: {  	s10 =	simm.s32 @!p0 $0x1  }
0x51: {  	_ =	swait.ge @!p0 [sflag:s10], $0x2800  }
0x52: {  	[sflag:s10] =	ssyncset.done @!p0 $0x0  }
0x53: {  	[sflag:s10] =	ssyncadd.s32 @!p0 $0xFFFFD800  }
0x54: {  	[hbm4b:s19+s7] =	stream.linear.scatter @!p0 [tilespmem:s11], [sflag:$0x4], $0x2800, $0x38;
	[tilespmem:$0x19180] =	vst v63  }
0x55: {  	s7 =	simm.s32 @!p0 $0x4  }
0x56: {  	_ =	swait.ge @!p0 [sflag:s7], $0x2800  }
0x57: {  	[sflag:s7] =	ssyncset.done @!p0 $0x0  }
0x58: {  	[sflag:s7] =	ssyncadd.s32 @!p0 $0xFFFFD800  }
0x59: {  	[tilespmem:s30], [sflag:$0x4] =	stream.linear.gather [hbm4b:s9+s4], $0x50, $0x38;
	[tilespmem:$0x19180] =	vst v63  }
0x5a: {  	_ =	swait.ge [sflag:s23], $0x50  }
0x5b: {  	[sflag:s23] =	ssyncset.done $0x0  }
0x5c: {  	[sflag:s23] =	ssyncadd.s32 $0xFFFFFFB0  }
0x5d: {  	[spmem:s2] =	stream.indirect.scatter.add.f32 [tilespmem:s24], [sflag:$0x2], $0x80, s30, s26, $0xb8;
	[tilespmem:$0x19180] =	vst v63  }
0x5e: {  	_ = 	snop  }
0x5f: {  	[tilespmem:s31], [sflag:$0x4] =	stream.linear.gather [hbm4b:s20+s4], $0x50, $0x38;
	[tilespmem:$0x19180] =	vst v63  }
0x60: {  	_ =	swait.ge [sflag:s23], $0x50  }
0x61: {  	[sflag:s23] =	ssyncset.done $0x0  }
0x62: {  	[sflag:s23] =	ssyncadd.s32 $0xFFFFFFB0  }
0x63: {  	[spmem:s2] =	stream.indirect.scatter.add.f32 [tilespmem:s24], [sflag:$0x3], $0x80, s31, s26, $0xb8;
	[tilespmem:$0x19180] =	vst v63  }
0x64: {  	_ =	swait.ge [sflag:s0], $0x2800  }
0x65: {  	[sflag:s0] =	ssyncset.done $0x0  }
0x66: {  	[sflag:s0] =	ssyncadd.s32 $0xFFFFD800  }
0x67: {  	[tilespmem:s30], [sflag:$0x4] =	stream.linear.gather [hbm4b:s21+s4], $0x50, $0x38;
	[tilespmem:$0x19180] =	vst v63  }
0x68: {  	_ =	swait.ge [sflag:s23], $0x50  }
0x69: {  	[sflag:s23] =	ssyncset.done $0x0  }
0x6a: {  	[sflag:s23] =	ssyncadd.s32 $0xFFFFFFB0  }
0x6b: {  	[spmem:s2] =	stream.indirect.scatter.add.f32 [tilespmem:s24], [sflag:$0x2], $0x80, s30, s26, $0xb8;
	[tilespmem:$0x19180] =	vst v63  }
0x6c: {  	_ =	swait.ge [sflag:s3], $0x2800  }
0x6d: {  	s7 =	sadd.s32 $0xFFFF6780, s22;
	[sflag:s3] =	ssyncset.done $0x0  }
0x6e: {  	s11 =	sadd.s32 $0x9C40, s7;
	[sflag:s3] =	ssyncadd.s32 $0xFFFFD800  }
0x6f: {  	[tilespmem:s31], [sflag:$0x4] =	stream.linear.gather [hbm4b:s11+s4], $0x50, $0x38;
	[tilespmem:$0x19180] =	vst v63  }
0x70: {  	_ =	swait.ge [sflag:s23], $0x50  }
0x71: {  	[sflag:s23] =	ssyncset.done $0x0  }
0x72: {  	[sflag:s23] =	ssyncadd.s32 $0xFFFFFFB0  }
0x73: {  	[spmem:s2] =	stream.indirect.scatter.add.f32 [tilespmem:s24], [sflag:$0x3], $0x80, s31, s26, $0xb8;
	[tilespmem:$0x19180] =	vst v63  }
0x74: {  	_ =	swait.ge [sflag:s0], $0x2800  }
0x75: {  	[sflag:s0] =	ssyncset.done $0x0  }
0x76: {  	s7 =	sadd.s32 $0x9D80, s7;
	[sflag:s0] =	ssyncadd.s32 $0xFFFFD800  }
0x77: {  	[tilespmem:s30], [sflag:$0x4] =	stream.linear.gather [hbm4b:s7+s4], $0x50, $0x38;
	[tilespmem:$0x19180] =	vst v63  }
0x78: {  	_ =	swait.ge [sflag:s23], $0x50  }
0x79: {  	[sflag:s23] =	ssyncset.done $0x0  }
0x7a: {  	s7 =	simm.s32 $0xFFFF6A00;
	[sflag:s23] =	ssyncadd.s32 $0xFFFFFFB0  }
.LBB2_2:
0x7b: {  	[spmem:s2] =	stream.indirect.scatter.add.f32 [tilespmem:s24], [sflag:$0x2], $0x80, s30, s26, $0xb8;
	[tilespmem:$0x19180] =	vst v63  }
0x7c: {  	s10 =	smov.u32 s7  }
0x7d: {  	p1 =	sne.s32 s7, $0xFFFFFD80;
	s7 =	sadd.s32 $0x280, s7;
	_ =	swait.ge [sflag:s3], $0x2800  }
0x7e: {  	s10 =	sadd.s32 s10, s22;
	[sflag:s3] =	ssyncset.done $0x0  }
0x7f: {  	s11 =	sadd.s32 $0x9C40, s10;
	[sflag:s3] =	ssyncadd.s32 $0xFFFFD800  }
0x80: {  	[tilespmem:s31], [sflag:$0x4] =	stream.linear.gather [hbm4b:s11+s4], $0x50, $0x38;
	[tilespmem:$0x19180] =	vst v63  }
0x81: {  	_ =	swait.ge [sflag:s23], $0x50  }
0x82: {  	[sflag:s23] =	ssyncset.done $0x0  }
0x83: {  	[sflag:s23] =	ssyncadd.s32 $0xFFFFFFB0  }
0x84: {  	[spmem:s2] =	stream.indirect.scatter.add.f32 [tilespmem:s24], [sflag:$0x3], $0x80, s31, s26, $0xb8;
	[tilespmem:$0x19180] =	vst v63  }
0x85: {  	_ =	swait.ge [sflag:s0], $0x2800  }
0x86: {  	[sflag:s0] =	ssyncset.done $0x0  }
.Ltmp0:
0x87: {  	s10 =	sadd.s32 $0x9D80, s10;
	[sflag:s0] =	ssyncadd.s32 $0xFFFFD800;
	(pc) =	sbr.rel @p1 .LBB2_2-.Ltmp0, $4  }
0x88: {  	[tilespmem:s30], [sflag:$0x4] =	stream.linear.gather [hbm4b:s10+s4], $0x50, $0x38;
	[tilespmem:$0x19180] =	vst v63  }
0x89: {  	_ =	swait.ge [sflag:s23], $0x50  }
0x8a: {  	[sflag:s23] =	ssyncset.done $0x0  }
0x8b: {  	[sflag:s23] =	ssyncadd.s32 $0xFFFFFFB0  }
0x8c: {  	[spmem:s2] =	stream.indirect.scatter.add.f32 [tilespmem:s24], [sflag:$0x2], $0x80, s30, s26, $0xb8;
	[tilespmem:$0x19180] =	vst v63  }
0x8d: {  	_ =	swait.ge [sflag:s3], $0x2800  }
0x8e: {  	[sflag:s3] =	ssyncset.done $0x0  }
0x8f: {  	[sflag:s3] =	ssyncadd.s32 $0xFFFFD800  }
0x90: {  	_ =	swait.ge [sflag:s0], $0x2800  }
0x91: {  	[sflag:s0] =	ssyncset.done $0x0  }
0x92: {  	[sflag:s0] =	ssyncadd.s32 $0xFFFFD800  }
0x93: {  	[bflag:$0x0] =	sbarrier.arrive $0xFFFF  }
0x94: {  	s7 =	rddreg [dreg:$0x8]  }
0x95: {  	[hbm:s7], [sflag:s8] =	dma.local [spmem:s6], $0x2800  }
0x96: {  	_ =	swait.ge [sflag:s23], $0x2800  }
0x97: {  	s5 =	sadd.s32 $0x1, s5;
	s11 =	rddreg [dreg:$0x9]  }
0x98: {  	p1 =	sne.s32 s5, s11  }
.Ltmp1:
0x99: {  	_ = 	snop;
	(pc) =	sbr.rel @p1 .LBB2_1-.Ltmp1, $3  }
0x9a: {  	_ =	sdelay $0x1  }
0x9b: {  	[sflag:s23] =	ssyncset.done $0x0  }
0x9c: {  	[sflag:s23] =	ssyncadd.s32 $0xFFFFD800  }
0x9d: {  	_ =	sfence.sel $0x180000  }
0x9e: {  	[bflag:$0x0] =	sbarrier.arrive $0xFFFF  }
0x9f: {  	_ =	strace $0x90000047  }
0xa0: {  	s0 =	stileid.u32;
	[bflag:$0x2] =	sbarrier.arrive $0xFFFF  }
0xa1: {  	p0 =	sne.s32 s0, $0x0;
	s0 =	rddreg [dreg:$0x4]  }
0xa2: {  	s0 =	sadd.s32 @!p0 $0x100000, s0  }
0xa3: {  	[sflag:s0] =	ssyncadd.tile.s32 @!p0 $0x1;
	_ =	shalt  }
.Lfunc_end2:
_tile_overlayer_lowered:
.L_overlay_start_2:
0xa4: {  	(tag) =	ssettag $0x2  }
0xa5: {  	s0 =	rddreg [dreg:$0x0];
	s2 =	stileid.u32  }
0xa6: {  	s1 =	rddreg [dreg:$0x1];
	p0 =	sne.s32 s2, $0x0  }
0xa7: {  	s3 =	rddreg [dreg:$0x2];
	[bflag:$0x3] =	sbarrier.arrive $0xFFFF;
	s2 =	simm.s32 @!p0 $0x1C04  }
0xa8: {  	[timem:s3], [sflag:s2] =	dma.local @!p0 [hbm:s0], s1  }
0xa9: {  	s0 =	simm.s32 @!p0 $0x4  }
0xaa: {  	_ =	swait.ge @!p0 [sflag:s0], s1  }
0xab: {  	s1 =	ssub.s32 @!p0 $0x0, s1;
	[sflag:s0] =	ssyncset.done @!p0 $0x0  }
0xac: {  	[sflag:s0] =	ssyncadd.s32 @!p0 s1  }
0xad: {  	[bflag:$0x3] =	sbarrier.arrive $0xFFFF  }
0xae: {  	_ =	shalt  }

</sc_bundles>
